<compile_context>
chip_gen: v7x
topology: tpu7x:2x2x1
jax: 0.10.2.dev20260603
libtpu: 0.0.44.dev20260713+nightly
codegen_flags: <defaults>
</compile_context>

<pallas_src>
import functools

import numpy as np
import jax
import jax.numpy as jnp
from jax import lax
from jax.experimental import pallas as pl
from jax.experimental.pallas import tpu as pltpu
from jax.experimental.pallas import tpu_sc as plsc

NUM_P = 4096
US = 8
NR = NUM_P * US
DX = 64
DU = 16

TINY = np.float32(np.finfo(np.float32).tiny)
LO_N = np.float32(np.nextafter(np.float32(-1.0), np.float32(0.0)))
SQRT2 = np.float32(np.sqrt(2.0))



def _tf2x32(k1, k2, x0, x1):
    ks2 = k1 ^ k2 ^ jnp.uint32(0x1BD11BDA)

    def rot(v, r):
        return (v << jnp.uint32(r)) | (v >> jnp.uint32(32 - r))

    def rounds(a, b, rs):
        for r in rs:
            a = a + b
            b = rot(b, r)
            b = a ^ b
        return a, b

    RA = (13, 15, 26, 6)
    RB = (17, 29, 16, 24)
    a = x0 + k1
    b = x1 + k2
    a, b = rounds(a, b, RA)
    a = a + k2
    b = b + ks2 + jnp.uint32(1)
    a, b = rounds(a, b, RB)
    a = a + ks2
    b = b + k1 + jnp.uint32(2)
    a, b = rounds(a, b, RA)
    a = a + k1
    b = b + k2 + jnp.uint32(3)
    a, b = rounds(a, b, RB)
    a = a + k2
    b = b + ks2 + jnp.uint32(4)
    a, b = rounds(a, b, RA)
    a = a + ks2
    b = b + k1 + jnp.uint32(5)
    return a, b


def _bits(k1, k2, p):
    a, b = _tf2x32(k1, k2, jnp.zeros_like(p), p)
    return a ^ b


def _u01(bits, lo, hi):
    fb = (bits >> jnp.uint32(9)) | jnp.uint32(0x3F800000)
    f = jax.lax.bitcast_convert_type(fb, jnp.float32) - jnp.float32(1.0)
    return jax.lax.max(lo, f * (hi - lo) + lo)


def _gumbel(bits):
    return -jnp.log(-jnp.log(_u01(bits, TINY, jnp.float32(1.0))))


def _normal(bits):
    return SQRT2 * jax.lax.erf_inv(_u01(bits, LO_N, jnp.float32(1.0)))



def _tree8(a):
    b = a[:, :4] + a[:, 4:]
    c = b[:, :2] + b[:, 2:]
    return c[:, 0:1] + c[:, 1:2]


def _red64(t):
    acc = t[:, 0:8]
    for v in range(1, 8):
        acc = acc + t[:, 8 * v:8 * v + 8]
    return _tree8(acc)


def _red16(t):
    return _tree8(t[:, 0:8] + t[:, 8:16])



def _prep_kernel(keys_ref, p_ref, krep_ref, q_ref, rrep_ref, t_ref, lwu_ref):
    k1 = keys_ref[0]
    k2 = keys_ref[1]
    P = p_ref[...]
    mean = jnp.dot(P, krep_ref[...], preferred_element_type=jnp.float32)
    r = jax.lax.broadcasted_iota(jnp.uint32, (NUM_P, 128), 0)
    l = jax.lax.broadcasted_iota(jnp.uint32, (NUM_P, 128), 1)
    eps = _normal(_bits(k1, k2, r * jnp.uint32(128) + l))
    nu = mean + jnp.float32(0.1) * eps
    t_ref[:, 0:DX] = P
    t_ref[:, DX:DX + 128] = nu
    t_ref[:, DX + 128:] = jnp.zeros((NUM_P, 256 - DX - 128), jnp.float32)
    costx = _red64(P * P * q_ref[...])
    t = nu * nu * rrep_ref[...]
    cols = []
    for u in range(8):
        cu = _red16(t[:, 16 * u:16 * u + 16])
        cols.append(costx + cu)
    lwu_ref[...] = -jnp.concatenate(cols, axis=1)



def _lse_kernel(lwu_ref, logw_ref):
    lwu = lwu_ref[...]
    m = jnp.max(lwu)
    s = jnp.sum(jnp.exp(lwu - m))
    lse = jnp.log(jnp.abs(s)) + m
    logw_ref[...] = lwu - lse



_NW = 32

_IB = 32
_UNROLL = 4


def _argmax_kernel(keys_ref, logw_ref, samp_ref, lwsel_ref):
    k1 = keys_ref[2]
    k2 = keys_ref[3]
    i0 = pl.program_id(0) * _IB
    s_iota = jax.lax.broadcasted_iota(jnp.uint32, (_IB, 128), 0)
    l_iota = jax.lax.broadcasted_iota(jnp.uint32, (_IB, 128), 1)
    pbase = (jnp.uint32(i0) + s_iota) * jnp.uint32(NR) + l_iota
    l_i32 = jax.lax.broadcasted_iota(jnp.int32, (_IB, 128), 1)

    neg_inf = jnp.full((_IB, 128), -jnp.inf, jnp.float32)
    zero_i = jnp.zeros((_IB, 128), jnp.int32)

    def body(c, carry):
        vb, jb, lb = carry
        for u in range(_UNROLL):
            row = c * _UNROLL + u
            j0 = row * 128
            lw = logw_ref[pl.ds(row, 1), :]
            lw = jnp.broadcast_to(lw, (_IB, 128))
            g = _gumbel(_bits(k1, k2, pbase + jnp.uint32(j0)))
            v = g + lw
            upd = v > vb
            vb = jnp.where(upd, v, vb)
            jb = jnp.where(upd, l_i32 + j0, jb)
            lb = jnp.where(upd, lw, lb)
        return vb, jb, lb

    vb, jb, lb = jax.lax.fori_loop(
        0, 256 // _UNROLL, body, (neg_inf, zero_i, neg_inf))

    vmax = jnp.max(vb, axis=1, keepdims=True)
    mask = vb == vmax
    jcand = jnp.where(mask, jb, jnp.int32(2147483647))
    jmin = jnp.min(jcand, axis=1, keepdims=True)
    sel = mask & (jb == jmin)
    lwin = jnp.min(jnp.where(sel, lb, jnp.inf), axis=1, keepdims=True)
    samp_ref[...] = jmin
    lwsel_ref[...] = lwin



_BPW = NUM_P // _NW


def _sc_gather_body(idx_hbm, t_hbm, g_hbm,
                    idx_v, idx2_v, g_v, sem):
    wid = lax.axis_index("s") * 2 + lax.axis_index("c")
    base = wid * _BPW
    pltpu.sync_copy(idx_hbm.at[pl.ds(base, _BPW)], idx_v)
    for i in range(_BPW // 16):
        sl = pl.ds(i * 16, 16)
        idx2_v[sl] = lax.shift_right_arithmetic(idx_v[sl], 3)
    pltpu.async_copy(t_hbm.at[idx2_v], g_v, sem).wait()
    pltpu.sync_copy(g_v, g_hbm.at[pl.ds(base, _BPW)])


def _sc_gather():
    return pl.kernel(
        _sc_gather_body,
        mesh=plsc.VectorSubcoreMesh(core_axis_name="c", subcore_axis_name="s"),
        out_type=jax.ShapeDtypeStruct((NUM_P, 256), jnp.float32),
        scratch_types=[pltpu.VMEM((_BPW,), jnp.int32),
                       pltpu.VMEM((_BPW,), jnp.int32),
                       pltpu.VMEM((_BPW, 256), jnp.float32),
                       pltpu.SemaphoreType.DMA])



def _dyn_kernel(keys_ref, g_ref, samp_ref, at_ref, bt_ref, out_ref, us_ref):
    k1 = keys_ref[4]
    k2 = keys_ref[5]
    xs = g_ref[:, 0:DX]
    rep = lax.rem(samp_ref[...], jnp.int32(US))
    us = jnp.zeros((NUM_P, DU), jnp.float32)
    for u in range(US):
        sl = g_ref[:, DX + 16 * u:DX + 16 * u + 16]
        us = jnp.where(rep == u, sl, us)
    us_ref[...] = us
    x1 = jnp.dot(xs, at_ref[...], preferred_element_type=jnp.float32)
    x2 = jnp.dot(us, bt_ref[...], preferred_element_type=jnp.float32)
    r = jax.lax.broadcasted_iota(jnp.uint32, (NUM_P, DX), 0)
    l = jax.lax.broadcasted_iota(jnp.uint32, (NUM_P, DX), 1)
    eps = _normal(_bits(k1, k2, r * jnp.uint32(DX) + l))
    out_ref[...] = x1 + x2 + jnp.float32(0.01) * eps


def kernel(particles, K, A, B, Q, R, iteration):
    key = jax.random.fold_in(jax.random.key(1234), iteration)
    ku, ks, kn = jax.random.split(key, 3)
    keys = jnp.concatenate([jax.random.key_data(ku),
                            jax.random.key_data(ks),
                            jax.random.key_data(kn)]).astype(jnp.uint32)

    krep = jnp.tile(K.T, (1, US))
    rrep = jnp.tile(R.reshape(1, DU), (1, US))

    table, lwu = pl.pallas_call(
        _prep_kernel,
        in_specs=[pl.BlockSpec(memory_space=pltpu.SMEM),
                  pl.BlockSpec((NUM_P, DX), lambda: (0, 0)),
                  pl.BlockSpec((DX, 128), lambda: (0, 0)),
                  pl.BlockSpec((1, DX), lambda: (0, 0)),
                  pl.BlockSpec((1, 128), lambda: (0, 0))],
        out_specs=[pl.BlockSpec((NUM_P, 256), lambda: (0, 0)),
                   pl.BlockSpec((NUM_P, US), lambda: (0, 0))],
        out_shape=[jax.ShapeDtypeStruct((NUM_P, 256), jnp.float32),
                   jax.ShapeDtypeStruct((NUM_P, US), jnp.float32)],
    )(keys, particles, krep, Q.reshape(1, DX), rrep)

    logw = pl.pallas_call(
        _lse_kernel,
        in_specs=[pl.BlockSpec((256, 128), lambda: (0, 0))],
        out_specs=pl.BlockSpec((256, 128), lambda: (0, 0)),
        out_shape=jax.ShapeDtypeStruct((256, 128), jnp.float32),
    )(lwu.reshape(256, 128))

    samp, lwsel = pl.pallas_call(
        _argmax_kernel,
        grid=(NUM_P // _IB,),
        in_specs=[pl.BlockSpec(memory_space=pltpu.SMEM),
                  pl.BlockSpec((256, 128), lambda i: (0, 0))],
        out_specs=[pl.BlockSpec((_IB, 1), lambda i: (i, 0)),
                   pl.BlockSpec((_IB, 1), lambda i: (i, 0))],
        out_shape=[jax.ShapeDtypeStruct((NUM_P, 1), jnp.int32),
                   jax.ShapeDtypeStruct((NUM_P, 1), jnp.float32)],
    )(keys, logw)

    samples = samp.reshape(NUM_P)

    g = _sc_gather()(samples, table)

    new_particles, gu = pl.pallas_call(
        _dyn_kernel,
        in_specs=[pl.BlockSpec(memory_space=pltpu.SMEM),
                  pl.BlockSpec((NUM_P, 256), lambda: (0, 0)),
                  pl.BlockSpec((NUM_P, 1), lambda: (0, 0)),
                  pl.BlockSpec((DX, DX), lambda: (0, 0)),
                  pl.BlockSpec((DU, DX), lambda: (0, 0))],
        out_specs=[pl.BlockSpec((NUM_P, DX), lambda: (0, 0)),
                   pl.BlockSpec((NUM_P, DU), lambda: (0, 0))],
        out_shape=[jax.ShapeDtypeStruct((NUM_P, DX), jnp.float32),
                   jax.ShapeDtypeStruct((NUM_P, DU), jnp.float32)],
    )(keys, g, samp, A.T, B.T)

    joint = jnp.concatenate([g[:, 0:DX], gu], axis=1)
    log_weights = lwsel.reshape(NUM_P)
    return (new_particles, joint, log_weights)

# --- scband reference (transcript-rebuilt; emitter-appended) ---
"""Pipeline reference for scband-particle-i2c-cell-30279519437595 (READ-ONLY COPY).

The authoritative reference and input builder live on the scoring server;
editing this copy changes nothing except your own understanding.
"""

import jax, jax.numpy as jnp
import jax.scipy.special as jsp
import numpy as np

NUM_P = 4096
U_SAMPLES = 8
DIM_X = 64
DIM_U = 16
ALPHA = 1.0


def setup_inputs(seed: int = 0) -> dict:
    key = jax.random.key(seed)
    k1, k2, k3, k4, k5, k6 = jax.random.split(key, 6)
    particles = jax.random.normal(k1, (NUM_P, DIM_X), dtype=jnp.float32)
    # learned / environment parameters
    K = 0.1 * jax.random.normal(k2, (DIM_U, DIM_X), dtype=jnp.float32)   # linear-Gaussian policy gain
    A = jnp.eye(DIM_X, dtype=jnp.float32) + 0.05 * jax.random.normal(k3, (DIM_X, DIM_X), dtype=jnp.float32)  # dynamics
    B = 0.1 * jax.random.normal(k4, (DIM_X, DIM_U), dtype=jnp.float32)   # control matrix
    Q = jax.random.uniform(k5, (DIM_X,), dtype=jnp.float32) + 0.1        # state cost diag
    R = jax.random.uniform(k6, (DIM_U,), dtype=jnp.float32) + 0.1        # control cost diag
    return {"particles": particles, "K": K, "A": A, "B": B, "Q": Q, "R": R, "iteration": 0}


def reference(particles, K, A, B, Q, R, iteration):
    # ParticleI2cCell.forward_pass:
    #   new_u = policy(particles, u_samples)
    #   particles = repeat_interleave(particles, u_samples, 0)
    #   samples, log_weights = obs_lik.log_sample(particles, new_u, num_p, alpha)
    #   log_weights = log_weights[samples]; joint = cat([particles,new_u],1)[samples]
    #   new_particles = env.sample(particles[samples].T, new_u[samples].T).T
    key = jax.random.fold_in(jax.random.key(1234), iteration)
    ku, ks, kn = jax.random.split(key, 3)
    # policy: Gaussian with linear mean, applied to repeated particles
    particles_rep = jnp.repeat(particles, U_SAMPLES, axis=0)            # [N*u_samples, dim_x]
    mean_u = particles_rep @ K.T                                        # [N*u_samples, dim_u]
    new_u = mean_u + 0.1 * jax.random.normal(ku, mean_u.shape, dtype=particles.dtype)
    # observation likelihood from quadratic cost: log p ~ -alpha * c(x,u), normalized
    cost = jnp.sum(particles_rep * particles_rep * Q, axis=1) + jnp.sum(new_u * new_u * R, axis=1)
    log_w = -ALPHA * cost
    log_w = log_w - jsp.logsumexp(log_w)                                # normalized log-weights
    # categorical resampling of num_p particle indices
    samples = jax.random.categorical(ks, log_w, shape=(NUM_P,))         # int indices into N*u_samples
    log_weights = log_w[samples]                                        # gather
    joint = jnp.concatenate([particles_rep, new_u], axis=1)[samples]    # [num_p, dim_x+dim_u]
    xs = particles_rep[samples]
    us = new_u[samples]
    # stochastic linear-Gaussian dynamics
    new_particles = xs @ A.T + us @ B.T + 0.01 * jax.random.normal(kn, (NUM_P, DIM_X), dtype=particles.dtype)
    return (new_particles, joint, log_weights)

if __name__ == "__main__":
    import jax
    _d = setup_inputs()
    print(jax.jit(kernel)(*tuple(_d.values())))

</pallas_src>

<mosaic_0001>
#map = affine_map<(d0, d1) -> (0)>
#map1 = affine_map<(d0, d1) -> (0, 0)>
module attributes {stable_mosaic.version = 14 : i64} {
  func.func @_sc_gather_body(%arg0: i32, %arg1: i32, %arg2: memref<4096xi32, #tpu.memory_space<hbm>>, %arg3: memref<4096x256xf32, #tpu.memory_space<hbm>>, %arg4: memref<4096x256xf32, #tpu.memory_space<hbm>>, %arg5: memref<128xi32, #tpu.memory_space<vmem>>, %arg6: memref<128xi32, #tpu.memory_space<vmem>>, %arg7: memref<128x256xf32, #tpu.memory_space<vmem>>, %arg8: memref<!tpu.dma_semaphore, #tpu.memory_space<semaphore_mem>>) attributes {dimension_semantics = [#tpu.dimension_semantics<core_parallel>, #tpu.dimension_semantics<subcore_parallel>], iteration_bounds = array<i64: 2, 16>, scalar_prefetch = 0 : i64, scratch_operands = 4 : i64, tpu.core_type = #tpu.core_type<sc_vector_subcore>, window_params = [{transform_indices = #map}, {transform_indices = #map1}, {transform_indices = #map1}]} {
    %mul3A = arith.constant 2 : i32
    %mul3A_0 = arith.muli %arg1, %mul3A : i32
    %add3A = arith.addi %mul3A_0, %arg0 : i32
    %mul3A_1 = arith.constant 128 : i32
    %mul3A_2 = arith.muli %add3A, %mul3A_1 : i32
    "tpu.region"() ({
      %run_scoped3A = tpu.sem_alloc : memref<!tpu.dma_semaphore, #tpu.memory_space<semaphore_mem>>
      %dma_start3A_84 = tpu.memref_slice %arg2[%mul3A_2] : memref<4096xi32, #tpu.memory_space<hbm>> -> memref<128xi32, #tpu.memory_space<hbm>>
      %dma_start3A_85 = tpu.memref_slice %arg2[%mul3A_2] : memref<4096xi32, #tpu.memory_space<hbm>> -> memref<128xi32, #tpu.memory_space<hbm>>
      tpu.enqueue_dma source(%dma_start3A_85 : memref<128xi32, #tpu.memory_space<hbm>>) target(%arg5 : memref<128xi32, #tpu.memory_space<vmem>>) target_semaphore(%run_scoped3A : memref<!tpu.dma_semaphore, #tpu.memory_space<semaphore_mem>>)
      %dma_wait3A_86 = tpu.memref_slice %arg2[%mul3A_2] : memref<4096xi32, #tpu.memory_space<hbm>> -> memref<128xi32, #tpu.memory_space<hbm>>
      %dma_wait3A_87 = tpu.memref_slice %arg2[%mul3A_2] : memref<4096xi32, #tpu.memory_space<hbm>> -> memref<128xi32, #tpu.memory_space<hbm>>
      tpu.wait_dma2 semaphore(%run_scoped3A : memref<!tpu.dma_semaphore, #tpu.memory_space<semaphore_mem>>) src(%dma_wait3A_87 : memref<128xi32, #tpu.memory_space<hbm>>) dst(%arg5 : memref<128xi32, #tpu.memory_space<vmem>>)
      tpu.yield
    }) : () -> ()
    %get3A = arith.constant 0 : index
    %get3A_3 = tpu.vector_load %arg5[%get3A] {strides = array<i32>} : memref<128xi32, #tpu.memory_space<vmem>>, vector<16xi32>,
    %get3A_4 = vector.shape_cast %get3A_3 : vector<16xi32> to vector<16xi32>
    %shift_right_arithmetic3A = arith.constant 3 : i32
    %shift_right_arithmetic3A_5 = vector.broadcast %shift_right_arithmetic3A : i32 to vector<16xi32>
    %shift_right_arithmetic3A_6 = arith.shrsi %get3A_4, %shift_right_arithmetic3A_5 : vector<16xi32>
    %swap3A = arith.constant 0 : index
    %swap3A_7 = tpu.vector_load %arg6[%swap3A] {strides = array<i32>} : memref<128xi32, #tpu.memory_space<vmem>>, vector<16xi32>,
    %swap3A_8 = vector.shape_cast %swap3A_7 : vector<16xi32> to vector<16xi32>
    %swap3A_9 = vector.shape_cast %shift_right_arithmetic3A_6 : vector<16xi32> to vector<16xi32>
    tpu.vector_store %arg6[%swap3A], %swap3A_9 {strides = array<i32>} : memref<128xi32, #tpu.memory_space<vmem>>, vector<16xi32>,
    %get3A_10 = arith.constant 16 : index
    %get3A_11 = tpu.vector_load %arg5[%get3A_10] {strides = array<i32>} : memref<128xi32, #tpu.memory_space<vmem>>, vector<16xi32>,
    %get3A_12 = vector.shape_cast %get3A_11 : vector<16xi32> to vector<16xi32>
    %shift_right_arithmetic3A_13 = arith.constant 3 : i32
    %shift_right_arithmetic3A_14 = vector.broadcast %shift_right_arithmetic3A_13 : i32 to vector<16xi32>
    %shift_right_arithmetic3A_15 = arith.shrsi %get3A_12, %shift_right_arithmetic3A_14 : vector<16xi32>
    %swap3A_16 = arith.constant 16 : index
    %swap3A_17 = tpu.vector_load %arg6[%swap3A_16] {strides = array<i32>} : memref<128xi32, #tpu.memory_space<vmem>>, vector<16xi32>,
    %swap3A_18 = vector.shape_cast %swap3A_17 : vector<16xi32> to vector<16xi32>
    %swap3A_19 = vector.shape_cast %shift_right_arithmetic3A_15 : vector<16xi32> to vector<16xi32>
    tpu.vector_store %arg6[%swap3A_16], %swap3A_19 {strides = array<i32>} : memref<128xi32, #tpu.memory_space<vmem>>, vector<16xi32>,
    %get3A_20 = arith.constant 32 : index
    %get3A_21 = tpu.vector_load %arg5[%get3A_20] {strides = array<i32>} : memref<128xi32, #tpu.memory_space<vmem>>, vector<16xi32>,
    %get3A_22 = vector.shape_cast %get3A_21 : vector<16xi32> to vector<16xi32>
    %shift_right_arithmetic3A_23 = arith.constant 3 : i32
    %shift_right_arithmetic3A_24 = vector.broadcast %shift_right_arithmetic3A_23 : i32 to vector<16xi32>
    %shift_right_arithmetic3A_25 = arith.shrsi %get3A_22, %shift_right_arithmetic3A_24 : vector<16xi32>
    %swap3A_26 = arith.constant 32 : index
    %swap3A_27 = tpu.vector_load %arg6[%swap3A_26] {strides = array<i32>} : memref<128xi32, #tpu.memory_space<vmem>>, vector<16xi32>,
    %swap3A_28 = vector.shape_cast %swap3A_27 : vector<16xi32> to vector<16xi32>
    %swap3A_29 = vector.shape_cast %shift_right_arithmetic3A_25 : vector<16xi32> to vector<16xi32>
    tpu.vector_store %arg6[%swap3A_26], %swap3A_29 {strides = array<i32>} : memref<128xi32, #tpu.memory_space<vmem>>, vector<16xi32>,
    %get3A_30 = arith.constant 48 : index
    %get3A_31 = tpu.vector_load %arg5[%get3A_30] {strides = array<i32>} : memref<128xi32, #tpu.memory_space<vmem>>, vector<16xi32>,
    %get3A_32 = vector.shape_cast %get3A_31 : vector<16xi32> to vector<16xi32>
    %shift_right_arithmetic3A_33 = arith.constant 3 : i32
    %shift_right_arithmetic3A_34 = vector.broadcast %shift_right_arithmetic3A_33 : i32 to vector<16xi32>
    %shift_right_arithmetic3A_35 = arith.shrsi %get3A_32, %shift_right_arithmetic3A_34 : vector<16xi32>
    %swap3A_36 = arith.constant 48 : index
    %swap3A_37 = tpu.vector_load %arg6[%swap3A_36] {strides = array<i32>} : memref<128xi32, #tpu.memory_space<vmem>>, vector<16xi32>,
    %swap3A_38 = vector.shape_cast %swap3A_37 : vector<16xi32> to vector<16xi32>
    %swap3A_39 = vector.shape_cast %shift_right_arithmetic3A_35 : vector<16xi32> to vector<16xi32>
    tpu.vector_store %arg6[%swap3A_36], %swap3A_39 {strides = array<i32>} : memref<128xi32, #tpu.memory_space<vmem>>, vector<16xi32>,
    %get3A_40 = arith.constant 64 : index
    %get3A_41 = tpu.vector_load %arg5[%get3A_40] {strides = array<i32>} : memref<128xi32, #tpu.memory_space<vmem>>, vector<16xi32>,
    %get3A_42 = vector.shape_cast %get3A_41 : vector<16xi32> to vector<16xi32>
    %shift_right_arithmetic3A_43 = arith.constant 3 : i32
    %shift_right_arithmetic3A_44 = vector.broadcast %shift_right_arithmetic3A_43 : i32 to vector<16xi32>
    %shift_right_arithmetic3A_45 = arith.shrsi %get3A_42, %shift_right_arithmetic3A_44 : vector<16xi32>
    %swap3A_46 = arith.constant 64 : index
    %swap3A_47 = tpu.vector_load %arg6[%swap3A_46] {strides = array<i32>} : memref<128xi32, #tpu.memory_space<vmem>>, vector<16xi32>,
    %swap3A_48 = vector.shape_cast %swap3A_47 : vector<16xi32> to vector<16xi32>
    %swap3A_49 = vector.shape_cast %shift_right_arithmetic3A_45 : vector<16xi32> to vector<16xi32>
    tpu.vector_store %arg6[%swap3A_46], %swap3A_49 {strides = array<i32>} : memref<128xi32, #tpu.memory_space<vmem>>, vector<16xi32>,
    %get3A_50 = arith.constant 80 : index
    %get3A_51 = tpu.vector_load %arg5[%get3A_50] {strides = array<i32>} : memref<128xi32, #tpu.memory_space<vmem>>, vector<16xi32>,
    %get3A_52 = vector.shape_cast %get3A_51 : vector<16xi32> to vector<16xi32>
    %shift_right_arithmetic3A_53 = arith.constant 3 : i32
    %shift_right_arithmetic3A_54 = vector.broadcast %shift_right_arithmetic3A_53 : i32 to vector<16xi32>
    %shift_right_arithmetic3A_55 = arith.shrsi %get3A_52, %shift_right_arithmetic3A_54 : vector<16xi32>
    %swap3A_56 = arith.constant 80 : index
    %swap3A_57 = tpu.vector_load %arg6[%swap3A_56] {strides = array<i32>} : memref<128xi32, #tpu.memory_space<vmem>>, vector<16xi32>,
    %swap3A_58 = vector.shape_cast %swap3A_57 : vector<16xi32> to vector<16xi32>
    %swap3A_59 = vector.shape_cast %shift_right_arithmetic3A_55 : vector<16xi32> to vector<16xi32>
    tpu.vector_store %arg6[%swap3A_56], %swap3A_59 {strides = array<i32>} : memref<128xi32, #tpu.memory_space<vmem>>, vector<16xi32>,
    %get3A_60 = arith.constant 96 : index
    %get3A_61 = tpu.vector_load %arg5[%get3A_60] {strides = array<i32>} : memref<128xi32, #tpu.memory_space<vmem>>, vector<16xi32>,
    %get3A_62 = vector.shape_cast %get3A_61 : vector<16xi32> to vector<16xi32>
    %shift_right_arithmetic3A_63 = arith.constant 3 : i32
    %shift_right_arithmetic3A_64 = vector.broadcast %shift_right_arithmetic3A_63 : i32 to vector<16xi32>
    %shift_right_arithmetic3A_65 = arith.shrsi %get3A_62, %shift_right_arithmetic3A_64 : vector<16xi32>
    %swap3A_66 = arith.constant 96 : index
    %swap3A_67 = tpu.vector_load %arg6[%swap3A_66] {strides = array<i32>} : memref<128xi32, #tpu.memory_space<vmem>>, vector<16xi32>,
    %swap3A_68 = vector.shape_cast %swap3A_67 : vector<16xi32> to vector<16xi32>
    %swap3A_69 = vector.shape_cast %shift_right_arithmetic3A_65 : vector<16xi32> to vector<16xi32>
    tpu.vector_store %arg6[%swap3A_66], %swap3A_69 {strides = array<i32>} : memref<128xi32, #tpu.memory_space<vmem>>, vector<16xi32>,
    %get3A_70 = arith.constant 112 : index
    %get3A_71 = tpu.vector_load %arg5[%get3A_70] {strides = array<i32>} : memref<128xi32, #tpu.memory_space<vmem>>, vector<16xi32>,
    %get3A_72 = vector.shape_cast %get3A_71 : vector<16xi32> to vector<16xi32>
    %shift_right_arithmetic3A_73 = arith.constant 3 : i32
    %shift_right_arithmetic3A_74 = vector.broadcast %shift_right_arithmetic3A_73 : i32 to vector<16xi32>
    %shift_right_arithmetic3A_75 = arith.shrsi %get3A_72, %shift_right_arithmetic3A_74 : vector<16xi32>
    %swap3A_76 = arith.constant 112 : index
    %swap3A_77 = tpu.vector_load %arg6[%swap3A_76] {strides = array<i32>} : memref<128xi32, #tpu.memory_space<vmem>>, vector<16xi32>,
    %swap3A_78 = vector.shape_cast %swap3A_77 : vector<16xi32> to vector<16xi32>
    %swap3A_79 = vector.shape_cast %shift_right_arithmetic3A_75 : vector<16xi32> to vector<16xi32>
    tpu.vector_store %arg6[%swap3A_76], %swap3A_79 {strides = array<i32>} : memref<128xi32, #tpu.memory_space<vmem>>, vector<16xi32>,
    %dma_start3A = arith.constant 0 : i32
    %dma_start3A_80 = arith.constant 0 : i32
    %dma_start3A_81 = tpu.memref_slice %arg3[%dma_start3A, %dma_start3A_80] : memref<4096x256xf32, #tpu.memory_space<hbm>> -> memref<4096x256xf32, #tpu.memory_space<hbm>>
    tpu.enqueue_indirect_dma source(%dma_start3A_81 : memref<4096x256xf32, #tpu.memory_space<hbm>>) target(%arg7 : memref<128x256xf32, #tpu.memory_space<vmem>>) offsets(%arg6 : memref<128xi32, #tpu.memory_space<vmem>>) semaphore(%arg8 : memref<!tpu.dma_semaphore, #tpu.memory_space<semaphore_mem>>)
    %dma_wait3A = arith.constant 0 : i32
    %dma_wait3A_82 = arith.constant 0 : i32
    %dma_wait3A_83 = tpu.memref_slice %arg3[%dma_wait3A, %dma_wait3A_82] : memref<4096x256xf32, #tpu.memory_space<hbm>> -> memref<4096x256xf32, #tpu.memory_space<hbm>>
    tpu.wait_indirect_dma semaphore(%arg8 : memref<!tpu.dma_semaphore, #tpu.memory_space<semaphore_mem>>) src(%dma_wait3A_83 : memref<4096x256xf32, #tpu.memory_space<hbm>>) dst(%arg7 : memref<128x256xf32, #tpu.memory_space<vmem>>)
    "tpu.region"() ({
      %run_scoped3A = tpu.sem_alloc : memref<!tpu.dma_semaphore, #tpu.memory_space<semaphore_mem>>
      %dma_start3A_84 = arith.constant 0 : i32
      %dma_start3A_85 = tpu.memref_slice %arg4[%mul3A_2, %dma_start3A_84] : memref<4096x256xf32, #tpu.memory_space<hbm>> -> memref<128x256xf32, #tpu.memory_space<hbm>>
      %dma_start3A_86 = arith.constant 0 : i32
      %dma_start3A_87 = tpu.memref_slice %arg4[%mul3A_2, %dma_start3A_86] : memref<4096x256xf32, #tpu.memory_space<hbm>> -> memref<128x256xf32, #tpu.memory_space<hbm>>
      tpu.enqueue_dma source(%arg7 : memref<128x256xf32, #tpu.memory_space<vmem>>) target(%dma_start3A_87 : memref<128x256xf32, #tpu.memory_space<hbm>>) target_semaphore(%run_scoped3A : memref<!tpu.dma_semaphore, #tpu.memory_space<semaphore_mem>>)
      %dma_wait3A_88 = arith.constant 0 : i32
      %dma_wait3A_89 = tpu.memref_slice %arg4[%mul3A_2, %dma_wait3A_88] : memref<4096x256xf32, #tpu.memory_space<hbm>> -> memref<128x256xf32, #tpu.memory_space<hbm>>
      %dma_wait3A_90 = arith.constant 0 : i32
      %dma_wait3A_91 = tpu.memref_slice %arg4[%mul3A_2, %dma_wait3A_90] : memref<4096x256xf32, #tpu.memory_space<hbm>> -> memref<128x256xf32, #tpu.memory_space<hbm>>
      tpu.wait_dma2 semaphore(%run_scoped3A : memref<!tpu.dma_semaphore, #tpu.memory_space<semaphore_mem>>) src(%arg7 : memref<128x256xf32, #tpu.memory_space<vmem>>) dst(%dma_wait3A_91 : memref<128x256xf32, #tpu.memory_space<hbm>>)
      tpu.yield
    }) : () -> ()
    return
  }
}

module attributes {stable_mosaic.version = 14 : i64} {
  func.func @_lse_kernel(%arg0: memref<256x128xf32, #tpu.memory_space<vmem>>, %arg1: memref<256x128xf32, #tpu.memory_space<vmem>>) attributes {dimension_semantics = [], scalar_prefetch = 0 : i64, scratch_operands = 0 : i64, tpu.core_type = #tpu.core_type<tc>} {
    %get3A = arith.constant 0 : index
    %get3A_0 = arith.constant 0 : index
    %get3A_1 = vector.load %arg0[%get3A, %get3A_0] : memref<256x128xf32, #tpu.memory_space<vmem>>, vector<256x128xf32>
    %reduce_max3A = vector.shape_cast %get3A_1 : vector<256x128xf32> to vector<1x256x128xf32>
    %reduce_max3A_2 = arith.constant dense<0xFF800000> : vector<1xf32>
    %reduce_max3A_3 = vector.multi_reduction <maximumf>, %reduce_max3A, %reduce_max3A_2 [1, 2] : vector<1x256x128xf32> to vector<1xf32>
    %reduce_max3A_4 = vector.shape_cast %reduce_max3A_3 : vector<1xf32> to vector<1x1x1xf32>
    %reduce_max3A_5 = vector.extract %reduce_max3A_4[0, 0, 0] : f32 from vector<1x1x1xf32>
    %sub3A = vector.broadcast %reduce_max3A_5 : f32 to vector<256x128xf32>
    %sub3A_6 = arith.subf %get3A_1, %sub3A : vector<256x128xf32>
    %exp3A = math.exp %sub3A_6 : vector<256x128xf32>
    %reduce_sum3A = vector.shape_cast %exp3A : vector<256x128xf32> to vector<1x256x128xf32>
    %reduce_sum3A_7 = arith.constant dense<0.000000e+00> : vector<1xf32>
    %reduce_sum3A_8 = vector.multi_reduction <add>, %reduce_sum3A, %reduce_sum3A_7 [1, 2] : vector<1x256x128xf32> to vector<1xf32>
    %reduce_sum3A_9 = vector.shape_cast %reduce_sum3A_8 : vector<1xf32> to vector<1x1x1xf32>
    %reduce_sum3A_10 = vector.extract %reduce_sum3A_9[0, 0, 0] : f32 from vector<1x1x1xf32>
    %abs3A = math.absf %reduce_sum3A_10 : f32
    %log3A = math.log %abs3A : f32
    %add3A = arith.addf %log3A, %reduce_max3A_5 : f32
    %sub3A_11 = vector.broadcast %add3A : f32 to vector<256x128xf32>
    %sub3A_12 = arith.subf %get3A_1, %sub3A_11 : vector<256x128xf32>
    %swap3A = arith.constant 0 : index
    %swap3A_13 = arith.constant 0 : index
    %swap3A_14 = vector.load %arg1[%swap3A, %swap3A_13] : memref<256x128xf32, #tpu.memory_space<vmem>>, vector<256x128xf32>
    tpu.vector_store %arg1[%swap3A, %swap3A_13], %sub3A_12 {strides = array<i32>} : memref<256x128xf32, #tpu.memory_space<vmem>>, vector<256x128xf32>,
    return
  }
}

module attributes {stable_mosaic.version = 14 : i64} {
  func.func @_prep_kernel(%arg0: memref<6xi32, #tpu.memory_space<smem>>, %arg1: memref<4096x64xf32, #tpu.memory_space<vmem>>, %arg2: memref<64x128xf32, #tpu.memory_space<vmem>>, %arg3: memref<1x64xf32, #tpu.memory_space<vmem>>, %arg4: memref<1x128xf32, #tpu.memory_space<vmem>>, %arg5: memref<4096x256xf32, #tpu.memory_space<vmem>>, %arg6: memref<4096x8xf32, #tpu.memory_space<vmem>>) attributes {dimension_semantics = [], scalar_prefetch = 0 : i64, scratch_operands = 0 : i64, tpu.core_type = #tpu.core_type<tc>} {
    %get3A = arith.constant 0 : index
    %get3A_0 = memref.load %arg0[%get3A] : memref<6xi32, #tpu.memory_space<smem>>
    %get3A_1 = arith.constant 1 : index
    %get3A_2 = memref.load %arg0[%get3A_1] : memref<6xi32, #tpu.memory_space<smem>>
    %get3A_3 = arith.constant 0 : index
    %get3A_4 = arith.constant 0 : index
    %get3A_5 = vector.load %arg1[%get3A_3, %get3A_4] : memref<4096x64xf32, #tpu.memory_space<vmem>>, vector<4096x64xf32>
    %get3A_6 = arith.constant 0 : index
    %get3A_7 = arith.constant 0 : index
    %get3A_8 = vector.load %arg2[%get3A_6, %get3A_7] : memref<64x128xf32, #tpu.memory_space<vmem>>, vector<64x128xf32>
    %dot_general3A = arith.constant dense<0.000000e+00> : vector<4096x128xf32>
    %dot_general3A_9 = tpu.matmul %get3A_5, %get3A_8, %dot_general3A {dimension_numbers = #tpu.dot_dimension_numbers<[1], [0], [0], [1], [0, 0, 1, 1], [], []>, transpose_lhs_hint = false} : vector<4096x64xf32>, vector<64x128xf32>, vector<4096x128xf32> -> vector<4096x128xf32>
    %iota3A = tpu.iota {dimensions = array<i32: 0>} : vector<4096x128xi32>
    %iota3A_10 = tpu.iota {dimensions = array<i32: 1>} : vector<4096x128xi32>
    %mul3A = arith.constant 128 : i32
    %mul3A_11 = vector.broadcast %mul3A : i32 to vector<4096x128xi32>
    %mul3A_12 = arith.muli %iota3A, %mul3A_11 : vector<4096x128xi32>
    %add3A = arith.addi %mul3A_12, %iota3A_10 : vector<4096x128xi32>
    %broadcast_in_dim3A = arith.constant 0 : i32
    %broadcast_in_dim3A_13 = vector.broadcast %broadcast_in_dim3A : i32 to vector<4096x128xi32>
    %xor3A = arith.xori %get3A_0, %get3A_2 : i32
    %xor3A_14 = arith.constant 466688986 : i32
    %xor3A_15 = arith.xori %xor3A, %xor3A_14 : i32
    %add3A_16 = vector.broadcast %get3A_0 : i32 to vector<4096x128xi32>
    %add3A_17 = arith.addi %broadcast_in_dim3A_13, %add3A_16 : vector<4096x128xi32>
    %add3A_18 = vector.broadcast %get3A_2 : i32 to vector<4096x128xi32>
    %add3A_19 = arith.addi %add3A, %add3A_18 : vector<4096x128xi32>
    %add3A_20 = arith.addi %add3A_17, %add3A_19 : vector<4096x128xi32>
    %shift_left3A = arith.constant 13 : i32
    %shift_left3A_21 = vector.broadcast %shift_left3A : i32 to vector<4096x128xi32>
    %shift_left3A_22 = arith.shli %add3A_19, %shift_left3A_21 : vector<4096x128xi32>
    %shift_right_logical3A = arith.constant 19 : i32
    %shift_right_logical3A_23 = vector.broadcast %shift_right_logical3A : i32 to vector<4096x128xi32>
    %shift_right_logical3A_24 = arith.shrui %add3A_19, %shift_right_logical3A_23 : vector<4096x128xi32>
    %or3A = arith.ori %shift_left3A_22, %shift_right_logical3A_24 : vector<4096x128xi32>
    %xor3A_25 = arith.xori %add3A_20, %or3A : vector<4096x128xi32>
    %add3A_26 = arith.addi %add3A_20, %xor3A_25 : vector<4096x128xi32>
    %shift_left3A_27 = arith.constant 15 : i32
    %shift_left3A_28 = vector.broadcast %shift_left3A_27 : i32 to vector<4096x128xi32>
    %shift_left3A_29 = arith.shli %xor3A_25, %shift_left3A_28 : vector<4096x128xi32>
    %shift_right_logical3A_30 = arith.constant 17 : i32
    %shift_right_logical3A_31 = vector.broadcast %shift_right_logical3A_30 : i32 to vector<4096x128xi32>
    %shift_right_logical3A_32 = arith.shrui %xor3A_25, %shift_right_logical3A_31 : vector<4096x128xi32>
    %or3A_33 = arith.ori %shift_left3A_29, %shift_right_logical3A_32 : vector<4096x128xi32>
    %xor3A_34 = arith.xori %add3A_26, %or3A_33 : vector<4096x128xi32>
    %add3A_35 = arith.addi %add3A_26, %xor3A_34 : vector<4096x128xi32>
    %shift_left3A_36 = arith.constant 26 : i32
    %shift_left3A_37 = vector.broadcast %shift_left3A_36 : i32 to vector<4096x128xi32>
    %shift_left3A_38 = arith.shli %xor3A_34, %shift_left3A_37 : vector<4096x128xi32>
    %shift_right_logical3A_39 = arith.constant 6 : i32
    %shift_right_logical3A_40 = vector.broadcast %shift_right_logical3A_39 : i32 to vector<4096x128xi32>
    %shift_right_logical3A_41 = arith.shrui %xor3A_34, %shift_right_logical3A_40 : vector<4096x128xi32>
    %or3A_42 = arith.ori %shift_left3A_38, %shift_right_logical3A_41 : vector<4096x128xi32>
    %xor3A_43 = arith.xori %add3A_35, %or3A_42 : vector<4096x128xi32>
    %add3A_44 = arith.addi %add3A_35, %xor3A_43 : vector<4096x128xi32>
    %shift_left3A_45 = arith.constant 6 : i32
    %shift_left3A_46 = vector.broadcast %shift_left3A_45 : i32 to vector<4096x128xi32>
    %shift_left3A_47 = arith.shli %xor3A_43, %shift_left3A_46 : vector<4096x128xi32>
    %shift_right_logical3A_48 = arith.constant 26 : i32
    %shift_right_logical3A_49 = vector.broadcast %shift_right_logical3A_48 : i32 to vector<4096x128xi32>
    %shift_right_logical3A_50 = arith.shrui %xor3A_43, %shift_right_logical3A_49 : vector<4096x128xi32>
    %or3A_51 = arith.ori %shift_left3A_47, %shift_right_logical3A_50 : vector<4096x128xi32>
    %xor3A_52 = arith.xori %add3A_44, %or3A_51 : vector<4096x128xi32>
    %add3A_53 = vector.broadcast %get3A_2 : i32 to vector<4096x128xi32>
    %add3A_54 = arith.addi %add3A_44, %add3A_53 : vector<4096x128xi32>
    %add3A_55 = vector.broadcast %xor3A_15 : i32 to vector<4096x128xi32>
    %add3A_56 = arith.addi %xor3A_52, %add3A_55 : vector<4096x128xi32>
    %add3A_57 = arith.constant 1 : i32
    %add3A_58 = vector.broadcast %add3A_57 : i32 to vector<4096x128xi32>
    %add3A_59 = arith.addi %add3A_56, %add3A_58 : vector<4096x128xi32>
    %add3A_60 = arith.addi %add3A_54, %add3A_59 : vector<4096x128xi32>
    %shift_left3A_61 = arith.constant 17 : i32
    %shift_left3A_62 = vector.broadcast %shift_left3A_61 : i32 to vector<4096x128xi32>
    %shift_left3A_63 = arith.shli %add3A_59, %shift_left3A_62 : vector<4096x128xi32>
    %shift_right_logical3A_64 = arith.constant 15 : i32
    %shift_right_logical3A_65 = vector.broadcast %shift_right_logical3A_64 : i32 to vector<4096x128xi32>
    %shift_right_logical3A_66 = arith.shrui %add3A_59, %shift_right_logical3A_65 : vector<4096x128xi32>
    %or3A_67 = arith.ori %shift_left3A_63, %shift_right_logical3A_66 : vector<4096x128xi32>
    %xor3A_68 = arith.xori %add3A_60, %or3A_67 : vector<4096x128xi32>
    %add3A_69 = arith.addi %add3A_60, %xor3A_68 : vector<4096x128xi32>
    %shift_left3A_70 = arith.constant 29 : i32
    %shift_left3A_71 = vector.broadcast %shift_left3A_70 : i32 to vector<4096x128xi32>
    %shift_left3A_72 = arith.shli %xor3A_68, %shift_left3A_71 : vector<4096x128xi32>
    %shift_right_logical3A_73 = arith.constant 3 : i32
    %shift_right_logical3A_74 = vector.broadcast %shift_right_logical3A_73 : i32 to vector<4096x128xi32>
    %shift_right_logical3A_75 = arith.shrui %xor3A_68, %shift_right_logical3A_74 : vector<4096x128xi32>
    %or3A_76 = arith.ori %shift_left3A_72, %shift_right_logical3A_75 : vector<4096x128xi32>
    %xor3A_77 = arith.xori %add3A_69, %or3A_76 : vector<4096x128xi32>
    %add3A_78 = arith.addi %add3A_69, %xor3A_77 : vector<4096x128xi32>
    %shift_left3A_79 = arith.constant 16 : i32
    %shift_left3A_80 = vector.broadcast %shift_left3A_79 : i32 to vector<4096x128xi32>
    %shift_left3A_81 = arith.shli %xor3A_77, %shift_left3A_80 : vector<4096x128xi32>
    %shift_right_logical3A_82 = arith.constant 16 : i32
    %shift_right_logical3A_83 = vector.broadcast %shift_right_logical3A_82 : i32 to vector<4096x128xi32>
    %shift_right_logical3A_84 = arith.shrui %xor3A_77, %shift_right_logical3A_83 : vector<4096x128xi32>
    %or3A_85 = arith.ori %shift_left3A_81, %shift_right_logical3A_84 : vector<4096x128xi32>
    %xor3A_86 = arith.xori %add3A_78, %or3A_85 : vector<4096x128xi32>
    %add3A_87 = arith.addi %add3A_78, %xor3A_86 : vector<4096x128xi32>
    %shift_left3A_88 = arith.constant 24 : i32
    %shift_left3A_89 = vector.broadcast %shift_left3A_88 : i32 to vector<4096x128xi32>
    %shift_left3A_90 = arith.shli %xor3A_86, %shift_left3A_89 : vector<4096x128xi32>
    %shift_right_logical3A_91 = arith.constant 8 : i32
    %shift_right_logical3A_92 = vector.broadcast %shift_right_logical3A_91 : i32 to vector<4096x128xi32>
    %shift_right_logical3A_93 = arith.shrui %xor3A_86, %shift_right_logical3A_92 : vector<4096x128xi32>
    %or3A_94 = arith.ori %shift_left3A_90, %shift_right_logical3A_93 : vector<4096x128xi32>
    %xor3A_95 = arith.xori %add3A_87, %or3A_94 : vector<4096x128xi32>
    %add3A_96 = vector.broadcast %xor3A_15 : i32 to vector<4096x128xi32>
    %add3A_97 = arith.addi %add3A_87, %add3A_96 : vector<4096x128xi32>
    %add3A_98 = vector.broadcast %get3A_0 : i32 to vector<4096x128xi32>
    %add3A_99 = arith.addi %xor3A_95, %add3A_98 : vector<4096x128xi32>
    %add3A_100 = arith.constant 2 : i32
    %add3A_101 = vector.broadcast %add3A_100 : i32 to vector<4096x128xi32>
    %add3A_102 = arith.addi %add3A_99, %add3A_101 : vector<4096x128xi32>
    %add3A_103 = arith.addi %add3A_97, %add3A_102 : vector<4096x128xi32>
    %shift_left3A_104 = arith.constant 13 : i32
    %shift_left3A_105 = vector.broadcast %shift_left3A_104 : i32 to vector<4096x128xi32>
    %shift_left3A_106 = arith.shli %add3A_102, %shift_left3A_105 : vector<4096x128xi32>
    %shift_right_logical3A_107 = arith.constant 19 : i32
    %shift_right_logical3A_108 = vector.broadcast %shift_right_logical3A_107 : i32 to vector<4096x128xi32>
    %shift_right_logical3A_109 = arith.shrui %add3A_102, %shift_right_logical3A_108 : vector<4096x128xi32>
    %or3A_110 = arith.ori %shift_left3A_106, %shift_right_logical3A_109 : vector<4096x128xi32>
    %xor3A_111 = arith.xori %add3A_103, %or3A_110 : vector<4096x128xi32>
    %add3A_112 = arith.addi %add3A_103, %xor3A_111 : vector<4096x128xi32>
    %shift_left3A_113 = arith.constant 15 : i32
    %shift_left3A_114 = vector.broadcast %shift_left3A_113 : i32 to vector<4096x128xi32>
    %shift_left3A_115 = arith.shli %xor3A_111, %shift_left3A_114 : vector<4096x128xi32>
    %shift_right_logical3A_116 = arith.constant 17 : i32
    %shift_right_logical3A_117 = vector.broadcast %shift_right_logical3A_116 : i32 to vector<4096x128xi32>
    %shift_right_logical3A_118 = arith.shrui %xor3A_111, %shift_right_logical3A_117 : vector<4096x128xi32>
    %or3A_119 = arith.ori %shift_left3A_115, %shift_right_logical3A_118 : vector<4096x128xi32>
    %xor3A_120 = arith.xori %add3A_112, %or3A_119 : vector<4096x128xi32>
    %add3A_121 = arith.addi %add3A_112, %xor3A_120 : vector<4096x128xi32>
    %shift_left3A_122 = arith.constant 26 : i32
    %shift_left3A_123 = vector.broadcast %shift_left3A_122 : i32 to vector<4096x128xi32>
    %shift_left3A_124 = arith.shli %xor3A_120, %shift_left3A_123 : vector<4096x128xi32>
    %shift_right_logical3A_125 = arith.constant 6 : i32
    %shift_right_logical3A_126 = vector.broadcast %shift_right_logical3A_125 : i32 to vector<4096x128xi32>
    %shift_right_logical3A_127 = arith.shrui %xor3A_120, %shift_right_logical3A_126 : vector<4096x128xi32>
    %or3A_128 = arith.ori %shift_left3A_124, %shift_right_logical3A_127 : vector<4096x128xi32>
    %xor3A_129 = arith.xori %add3A_121, %or3A_128 : vector<4096x128xi32>
    %add3A_130 = arith.addi %add3A_121, %xor3A_129 : vector<4096x128xi32>
    %shift_left3A_131 = arith.constant 6 : i32
    %shift_left3A_132 = vector.broadcast %shift_left3A_131 : i32 to vector<4096x128xi32>
    %shift_left3A_133 = arith.shli %xor3A_129, %shift_left3A_132 : vector<4096x128xi32>
    %shift_right_logical3A_134 = arith.constant 26 : i32
    %shift_right_logical3A_135 = vector.broadcast %shift_right_logical3A_134 : i32 to vector<4096x128xi32>
    %shift_right_logical3A_136 = arith.shrui %xor3A_129, %shift_right_logical3A_135 : vector<4096x128xi32>
    %or3A_137 = arith.ori %shift_left3A_133, %shift_right_logical3A_136 : vector<4096x128xi32>
    %xor3A_138 = arith.xori %add3A_130, %or3A_137 : vector<4096x128xi32>
    %add3A_139 = vector.broadcast %get3A_0 : i32 to vector<4096x128xi32>
    %add3A_140 = arith.addi %add3A_130, %add3A_139 : vector<4096x128xi32>
    %add3A_141 = vector.broadcast %get3A_2 : i32 to vector<4096x128xi32>
    %add3A_142 = arith.addi %xor3A_138, %add3A_141 : vector<4096x128xi32>
    %add3A_143 = arith.constant 3 : i32
    %add3A_144 = vector.broadcast %add3A_143 : i32 to vector<4096x128xi32>
    %add3A_145 = arith.addi %add3A_142, %add3A_144 : vector<4096x128xi32>
    %add3A_146 = arith.addi %add3A_140, %add3A_145 : vector<4096x128xi32>
    %shift_left3A_147 = arith.constant 17 : i32
    %shift_left3A_148 = vector.broadcast %shift_left3A_147 : i32 to vector<4096x128xi32>
    %shift_left3A_149 = arith.shli %add3A_145, %shift_left3A_148 : vector<4096x128xi32>
    %shift_right_logical3A_150 = arith.constant 15 : i32
    %shift_right_logical3A_151 = vector.broadcast %shift_right_logical3A_150 : i32 to vector<4096x128xi32>
    %shift_right_logical3A_152 = arith.shrui %add3A_145, %shift_right_logical3A_151 : vector<4096x128xi32>
    %or3A_153 = arith.ori %shift_left3A_149, %shift_right_logical3A_152 : vector<4096x128xi32>
    %xor3A_154 = arith.xori %add3A_146, %or3A_153 : vector<4096x128xi32>
    %add3A_155 = arith.addi %add3A_146, %xor3A_154 : vector<4096x128xi32>
    %shift_left3A_156 = arith.constant 29 : i32
    %shift_left3A_157 = vector.broadcast %shift_left3A_156 : i32 to vector<4096x128xi32>
    %shift_left3A_158 = arith.shli %xor3A_154, %shift_left3A_157 : vector<4096x128xi32>
    %shift_right_logical3A_159 = arith.constant 3 : i32
    %shift_right_logical3A_160 = vector.broadcast %shift_right_logical3A_159 : i32 to vector<4096x128xi32>
    %shift_right_logical3A_161 = arith.shrui %xor3A_154, %shift_right_logical3A_160 : vector<4096x128xi32>
    %or3A_162 = arith.ori %shift_left3A_158, %shift_right_logical3A_161 : vector<4096x128xi32>
    %xor3A_163 = arith.xori %add3A_155, %or3A_162 : vector<4096x128xi32>
    %add3A_164 = arith.addi %add3A_155, %xor3A_163 : vector<4096x128xi32>
    %shift_left3A_165 = arith.constant 16 : i32
    %shift_left3A_166 = vector.broadcast %shift_left3A_165 : i32 to vector<4096x128xi32>
    %shift_left3A_167 = arith.shli %xor3A_163, %shift_left3A_166 : vector<4096x128xi32>
    %shift_right_logical3A_168 = arith.constant 16 : i32
    %shift_right_logical3A_169 = vector.broadcast %shift_right_logical3A_168 : i32 to vector<4096x128xi32>
    %shift_right_logical3A_170 = arith.shrui %xor3A_163, %shift_right_logical3A_169 : vector<4096x128xi32>
    %or3A_171 = arith.ori %shift_left3A_167, %shift_right_logical3A_170 : vector<4096x128xi32>
    %xor3A_172 = arith.xori %add3A_164, %or3A_171 : vector<4096x128xi32>
    %add3A_173 = arith.addi %add3A_164, %xor3A_172 : vector<4096x128xi32>
    %shift_left3A_174 = arith.constant 24 : i32
    %shift_left3A_175 = vector.broadcast %shift_left3A_174 : i32 to vector<4096x128xi32>
    %shift_left3A_176 = arith.shli %xor3A_172, %shift_left3A_175 : vector<4096x128xi32>
    %shift_right_logical3A_177 = arith.constant 8 : i32
    %shift_right_logical3A_178 = vector.broadcast %shift_right_logical3A_177 : i32 to vector<4096x128xi32>
    %shift_right_logical3A_179 = arith.shrui %xor3A_172, %shift_right_logical3A_178 : vector<4096x128xi32>
    %or3A_180 = arith.ori %shift_left3A_176, %shift_right_logical3A_179 : vector<4096x128xi32>
    %xor3A_181 = arith.xori %add3A_173, %or3A_180 : vector<4096x128xi32>
    %add3A_182 = vector.broadcast %get3A_2 : i32 to vector<4096x128xi32>
    %add3A_183 = arith.addi %add3A_173, %add3A_182 : vector<4096x128xi32>
    %add3A_184 = vector.broadcast %xor3A_15 : i32 to vector<4096x128xi32>
    %add3A_185 = arith.addi %xor3A_181, %add3A_184 : vector<4096x128xi32>
    %add3A_186 = arith.constant 4 : i32
    %add3A_187 = vector.broadcast %add3A_186 : i32 to vector<4096x128xi32>
    %add3A_188 = arith.addi %add3A_185, %add3A_187 : vector<4096x128xi32>
    %add3A_189 = arith.addi %add3A_183, %add3A_188 : vector<4096x128xi32>
    %shift_left3A_190 = arith.constant 13 : i32
    %shift_left3A_191 = vector.broadcast %shift_left3A_190 : i32 to vector<4096x128xi32>
    %shift_left3A_192 = arith.shli %add3A_188, %shift_left3A_191 : vector<4096x128xi32>
    %shift_right_logical3A_193 = arith.constant 19 : i32
    %shift_right_logical3A_194 = vector.broadcast %shift_right_logical3A_193 : i32 to vector<4096x128xi32>
    %shift_right_logical3A_195 = arith.shrui %add3A_188, %shift_right_logical3A_194 : vector<4096x128xi32>
    %or3A_196 = arith.ori %shift_left3A_192, %shift_right_logical3A_195 : vector<4096x128xi32>
    %xor3A_197 = arith.xori %add3A_189, %or3A_196 : vector<4096x128xi32>
    %add3A_198 = arith.addi %add3A_189, %xor3A_197 : vector<4096x128xi32>
    %shift_left3A_199 = arith.constant 15 : i32
    %shift_left3A_200 = vector.broadcast %shift_left3A_199 : i32 to vector<4096x128xi32>
    %shift_left3A_201 = arith.shli %xor3A_197, %shift_left3A_200 : vector<4096x128xi32>
    %shift_right_logical3A_202 = arith.constant 17 : i32
    %shift_right_logical3A_203 = vector.broadcast %shift_right_logical3A_202 : i32 to vector<4096x128xi32>
    %shift_right_logical3A_204 = arith.shrui %xor3A_197, %shift_right_logical3A_203 : vector<4096x128xi32>
    %or3A_205 = arith.ori %shift_left3A_201, %shift_right_logical3A_204 : vector<4096x128xi32>
    %xor3A_206 = arith.xori %add3A_198, %or3A_205 : vector<4096x128xi32>
    %add3A_207 = arith.addi %add3A_198, %xor3A_206 : vector<4096x128xi32>
    %shift_left3A_208 = arith.constant 26 : i32
    %shift_left3A_209 = vector.broadcast %shift_left3A_208 : i32 to vector<4096x128xi32>
    %shift_left3A_210 = arith.shli %xor3A_206, %shift_left3A_209 : vector<4096x128xi32>
    %shift_right_logical3A_211 = arith.constant 6 : i32
    %shift_right_logical3A_212 = vector.broadcast %shift_right_logical3A_211 : i32 to vector<4096x128xi32>
    %shift_right_logical3A_213 = arith.shrui %xor3A_206, %shift_right_logical3A_212 : vector<4096x128xi32>
    %or3A_214 = arith.ori %shift_left3A_210, %shift_right_logical3A_213 : vector<4096x128xi32>
    %xor3A_215 = arith.xori %add3A_207, %or3A_214 : vector<4096x128xi32>
    %add3A_216 = arith.addi %add3A_207, %xor3A_215 : vector<4096x128xi32>
    %shift_left3A_217 = arith.constant 6 : i32
    %shift_left3A_218 = vector.broadcast %shift_left3A_217 : i32 to vector<4096x128xi32>
    %shift_left3A_219 = arith.shli %xor3A_215, %shift_left3A_218 : vector<4096x128xi32>
    %shift_right_logical3A_220 = arith.constant 26 : i32
    %shift_right_logical3A_221 = vector.broadcast %shift_right_logical3A_220 : i32 to vector<4096x128xi32>
    %shift_right_logical3A_222 = arith.shrui %xor3A_215, %shift_right_logical3A_221 : vector<4096x128xi32>
    %or3A_223 = arith.ori %shift_left3A_219, %shift_right_logical3A_222 : vector<4096x128xi32>
    %xor3A_224 = arith.xori %add3A_216, %or3A_223 : vector<4096x128xi32>
    %add3A_225 = vector.broadcast %xor3A_15 : i32 to vector<4096x128xi32>
    %add3A_226 = arith.addi %add3A_216, %add3A_225 : vector<4096x128xi32>
    %add3A_227 = vector.broadcast %get3A_0 : i32 to vector<4096x128xi32>
    %add3A_228 = arith.addi %xor3A_224, %add3A_227 : vector<4096x128xi32>
    %add3A_229 = arith.constant 5 : i32
    %add3A_230 = vector.broadcast %add3A_229 : i32 to vector<4096x128xi32>
    %add3A_231 = arith.addi %add3A_228, %add3A_230 : vector<4096x128xi32>
    %xor3A_232 = arith.xori %add3A_226, %add3A_231 : vector<4096x128xi32>
    %shift_right_logical3A_233 = arith.constant 9 : i32
    %shift_right_logical3A_234 = vector.broadcast %shift_right_logical3A_233 : i32 to vector<4096x128xi32>
    %shift_right_logical3A_235 = arith.shrui %xor3A_232, %shift_right_logical3A_234 : vector<4096x128xi32>
    %or3A_236 = arith.constant 1065353216 : i32
    %or3A_237 = vector.broadcast %or3A_236 : i32 to vector<4096x128xi32>
    %or3A_238 = arith.ori %shift_right_logical3A_235, %or3A_237 : vector<4096x128xi32>
    %bitcast_convert_type3A = tpu.bitcast %or3A_238 : vector<4096x128xi32> -> vector<4096x128xf32>
    %sub3A = arith.constant 1.000000e+00 : f32
    %sub3A_239 = vector.broadcast %sub3A : f32 to vector<4096x128xf32>
    %sub3A_240 = arith.subf %bitcast_convert_type3A, %sub3A_239 : vector<4096x128xf32>
    %sub3A_241 = arith.constant 1.000000e+00 : f32
    %sub3A_242 = arith.constant -0.99999994 : f32
    %sub3A_243 = arith.subf %sub3A_241, %sub3A_242 : f32
    %mul3A_244 = vector.broadcast %sub3A_243 : f32 to vector<4096x128xf32>
    %mul3A_245 = arith.mulf %sub3A_240, %mul3A_244 : vector<4096x128xf32>
    %add3A_246 = arith.constant -0.99999994 : f32
    %add3A_247 = vector.broadcast %add3A_246 : f32 to vector<4096x128xf32>
    %add3A_248 = arith.addf %mul3A_245, %add3A_247 : vector<4096x128xf32>
    %max3A = arith.constant -0.99999994 : f32
    %max3A_249 = vector.broadcast %max3A : f32 to vector<4096x128xf32>
    %max3A_250 = arith.maximumf %max3A_249, %add3A_248 : vector<4096x128xf32>
    %erf_inv3A = arith.constant 0.000000e+00 : f32
    %erf_inv3A_251 = vector.broadcast %erf_inv3A : f32 to vector<4096x128xf32>
    %erf_inv3A_252 = arith.subf %erf_inv3A_251, %max3A_250 : vector<4096x128xf32>
    %erf_inv3A_253 = arith.mulf %max3A_250, %erf_inv3A_252 : vector<4096x128xf32>
    %erf_inv3A_254 = math.log1p %erf_inv3A_253 : vector<4096x128xf32>
    %erf_inv3A_255 = arith.constant 0.000000e+00 : f32
    %erf_inv3A_256 = vector.broadcast %erf_inv3A_255 : f32 to vector<4096x128xf32>
    %erf_inv3A_257 = arith.subf %erf_inv3A_256, %erf_inv3A_254 : vector<4096x128xf32>
    %erf_inv3A_258 = arith.constant 5.000000e+00 : f32
    %erf_inv3A_259 = vector.broadcast %erf_inv3A_258 : f32 to vector<4096x128xf32>
    %erf_inv3A_260 = arith.cmpf olt, %erf_inv3A_257, %erf_inv3A_259 : vector<4096x128xf32>
    %erf_inv3A_261 = arith.constant 2.500000e+00 : f32
    %erf_inv3A_262 = vector.broadcast %erf_inv3A_261 : f32 to vector<4096x128xf32>
    %erf_inv3A_263 = arith.subf %erf_inv3A_257, %erf_inv3A_262 : vector<4096x128xf32>
    %erf_inv3A_264 = math.sqrt %erf_inv3A_257 : vector<4096x128xf32>
    %erf_inv3A_265 = arith.constant 3.000000e+00 : f32
    %erf_inv3A_266 = vector.broadcast %erf_inv3A_265 : f32 to vector<4096x128xf32>
    %erf_inv3A_267 = arith.subf %erf_inv3A_264, %erf_inv3A_266 : vector<4096x128xf32>
    %erf_inv3A_268 = arith.select %erf_inv3A_260, %erf_inv3A_263, %erf_inv3A_267 : vector<4096x128xi1>, vector<4096x128xf32>
    %erf_inv3A_269 = arith.constant 2.81022636E-8 : f32
    %erf_inv3A_270 = arith.constant -2.00214257E-4 : f32
    %erf_inv3A_271 = vector.broadcast %erf_inv3A_269 : f32 to vector<4096x128xf32>
    %erf_inv3A_272 = vector.broadcast %erf_inv3A_270 : f32 to vector<4096x128xf32>
    %erf_inv3A_273 = arith.select %erf_inv3A_260, %erf_inv3A_271, %erf_inv3A_272 : vector<4096x128xi1>, vector<4096x128xf32>
    %erf_inv3A_274 = arith.constant 3.43273939E-7 : f32
    %erf_inv3A_275 = arith.constant 1.00950558E-4 : f32
    %erf_inv3A_276 = vector.broadcast %erf_inv3A_274 : f32 to vector<4096x128xf32>
    %erf_inv3A_277 = vector.broadcast %erf_inv3A_275 : f32 to vector<4096x128xf32>
    %erf_inv3A_278 = arith.select %erf_inv3A_260, %erf_inv3A_276, %erf_inv3A_277 : vector<4096x128xi1>, vector<4096x128xf32>
    %erf_inv3A_279 = arith.mulf %erf_inv3A_273, %erf_inv3A_268 : vector<4096x128xf32>
    %erf_inv3A_280 = arith.addf %erf_inv3A_278, %erf_inv3A_279 : vector<4096x128xf32>
    %erf_inv3A_281 = arith.constant -3.5233877E-6 : f32
    %erf_inv3A_282 = arith.constant 0.00134934322 : f32
    %erf_inv3A_283 = vector.broadcast %erf_inv3A_281 : f32 to vector<4096x128xf32>
    %erf_inv3A_284 = vector.broadcast %erf_inv3A_282 : f32 to vector<4096x128xf32>
    %erf_inv3A_285 = arith.select %erf_inv3A_260, %erf_inv3A_283, %erf_inv3A_284 : vector<4096x128xi1>, vector<4096x128xf32>
    %erf_inv3A_286 = arith.mulf %erf_inv3A_280, %erf_inv3A_268 : vector<4096x128xf32>
    %erf_inv3A_287 = arith.addf %erf_inv3A_285, %erf_inv3A_286 : vector<4096x128xf32>
    %erf_inv3A_288 = arith.constant -4.39150654E-6 : f32
    %erf_inv3A_289 = arith.constant -0.00367342844 : f32
    %erf_inv3A_290 = vector.broadcast %erf_inv3A_288 : f32 to vector<4096x128xf32>
    %erf_inv3A_291 = vector.broadcast %erf_inv3A_289 : f32 to vector<4096x128xf32>
    %erf_inv3A_292 = arith.select %erf_inv3A_260, %erf_inv3A_290, %erf_inv3A_291 : vector<4096x128xi1>, vector<4096x128xf32>
    %erf_inv3A_293 = arith.mulf %erf_inv3A_287, %erf_inv3A_268 : vector<4096x128xf32>
    %erf_inv3A_294 = arith.addf %erf_inv3A_292, %erf_inv3A_293 : vector<4096x128xf32>
    %erf_inv3A_295 = arith.constant 2.1858087E-4 : f32
    %erf_inv3A_296 = arith.constant 0.00573950773 : f32
    %erf_inv3A_297 = vector.broadcast %erf_inv3A_295 : f32 to vector<4096x128xf32>
    %erf_inv3A_298 = vector.broadcast %erf_inv3A_296 : f32 to vector<4096x128xf32>
    %erf_inv3A_299 = arith.select %erf_inv3A_260, %erf_inv3A_297, %erf_inv3A_298 : vector<4096x128xi1>, vector<4096x128xf32>
    %erf_inv3A_300 = arith.mulf %erf_inv3A_294, %erf_inv3A_268 : vector<4096x128xf32>
    %erf_inv3A_301 = arith.addf %erf_inv3A_299, %erf_inv3A_300 : vector<4096x128xf32>
    %erf_inv3A_302 = arith.constant -0.00125372503 : f32
    %erf_inv3A_303 = arith.constant -0.0076224613 : f32
    %erf_inv3A_304 = vector.broadcast %erf_inv3A_302 : f32 to vector<4096x128xf32>
    %erf_inv3A_305 = vector.broadcast %erf_inv3A_303 : f32 to vector<4096x128xf32>
    %erf_inv3A_306 = arith.select %erf_inv3A_260, %erf_inv3A_304, %erf_inv3A_305 : vector<4096x128xi1>, vector<4096x128xf32>
    %erf_inv3A_307 = arith.mulf %erf_inv3A_301, %erf_inv3A_268 : vector<4096x128xf32>
    %erf_inv3A_308 = arith.addf %erf_inv3A_306, %erf_inv3A_307 : vector<4096x128xf32>
    %erf_inv3A_309 = arith.constant -0.00417768164 : f32
    %erf_inv3A_310 = arith.constant 0.00943887047 : f32
    %erf_inv3A_311 = vector.broadcast %erf_inv3A_309 : f32 to vector<4096x128xf32>
    %erf_inv3A_312 = vector.broadcast %erf_inv3A_310 : f32 to vector<4096x128xf32>
    %erf_inv3A_313 = arith.select %erf_inv3A_260, %erf_inv3A_311, %erf_inv3A_312 : vector<4096x128xi1>, vector<4096x128xf32>
    %erf_inv3A_314 = arith.mulf %erf_inv3A_308, %erf_inv3A_268 : vector<4096x128xf32>
    %erf_inv3A_315 = arith.addf %erf_inv3A_313, %erf_inv3A_314 : vector<4096x128xf32>
    %erf_inv3A_316 = arith.constant 0.246640727 : f32
    %erf_inv3A_317 = arith.constant 1.00167406 : f32
    %erf_inv3A_318 = vector.broadcast %erf_inv3A_316 : f32 to vector<4096x128xf32>
    %erf_inv3A_319 = vector.broadcast %erf_inv3A_317 : f32 to vector<4096x128xf32>
    %erf_inv3A_320 = arith.select %erf_inv3A_260, %erf_inv3A_318, %erf_inv3A_319 : vector<4096x128xi1>, vector<4096x128xf32>
    %erf_inv3A_321 = arith.mulf %erf_inv3A_315, %erf_inv3A_268 : vector<4096x128xf32>
    %erf_inv3A_322 = arith.addf %erf_inv3A_320, %erf_inv3A_321 : vector<4096x128xf32>
    %erf_inv3A_323 = arith.constant 1.50140941 : f32
    %erf_inv3A_324 = arith.constant 2.83297682 : f32
    %erf_inv3A_325 = vector.broadcast %erf_inv3A_323 : f32 to vector<4096x128xf32>
    %erf_inv3A_326 = vector.broadcast %erf_inv3A_324 : f32 to vector<4096x128xf32>
    %erf_inv3A_327 = arith.select %erf_inv3A_260, %erf_inv3A_325, %erf_inv3A_326 : vector<4096x128xi1>, vector<4096x128xf32>
    %erf_inv3A_328 = arith.mulf %erf_inv3A_322, %erf_inv3A_268 : vector<4096x128xf32>
    %erf_inv3A_329 = arith.addf %erf_inv3A_327, %erf_inv3A_328 : vector<4096x128xf32>
    %erf_inv3A_330 = math.absf %max3A_250 : vector<4096x128xf32>
    %erf_inv3A_331 = arith.constant 1.000000e+00 : f32
    %erf_inv3A_332 = vector.broadcast %erf_inv3A_331 : f32 to vector<4096x128xf32>
    %erf_inv3A_333 = arith.cmpf oeq, %erf_inv3A_330, %erf_inv3A_332 : vector<4096x128xf32>
    %erf_inv3A_334 = arith.constant 0x7F800000 : f32
    %erf_inv3A_335 = vector.broadcast %erf_inv3A_334 : f32 to vector<4096x128xf32>
    %erf_inv3A_336 = arith.mulf %erf_inv3A_335, %max3A_250 : vector<4096x128xf32>
    %erf_inv3A_337 = arith.mulf %erf_inv3A_329, %max3A_250 : vector<4096x128xf32>
    %erf_inv3A_338 = arith.select %erf_inv3A_333, %erf_inv3A_336, %erf_inv3A_337 : vector<4096x128xi1>, vector<4096x128xf32>
    %mul3A_339 = arith.constant 1.41421354 : f32
    %mul3A_340 = vector.broadcast %mul3A_339 : f32 to vector<4096x128xf32>
    %mul3A_341 = arith.mulf %mul3A_340, %erf_inv3A_338 : vector<4096x128xf32>
    %mul3A_342 = arith.constant 1.000000e-01 : f32
    %mul3A_343 = vector.broadcast %mul3A_342 : f32 to vector<4096x128xf32>
    %mul3A_344 = arith.mulf %mul3A_343, %mul3A_341 : vector<4096x128xf32>
    %add3A_345 = arith.addf %dot_general3A_9, %mul3A_344 : vector<4096x128xf32>
    %swap3A = arith.constant 0 : index
    %swap3A_346 = arith.constant 0 : index
    %swap3A_347 = vector.load %arg5[%swap3A, %swap3A_346] : memref<4096x256xf32, #tpu.memory_space<vmem>>, vector<4096x64xf32>
    tpu.vector_store %arg5[%swap3A, %swap3A_346], %get3A_5 {strides = array<i32>} : memref<4096x256xf32, #tpu.memory_space<vmem>>, vector<4096x64xf32>,
    %swap3A_348 = arith.constant 0 : index
    %swap3A_349 = arith.constant 64 : index
    %swap3A_350 = vector.load %arg5[%swap3A_348, %swap3A_349] : memref<4096x256xf32, #tpu.memory_space<vmem>>, vector<4096x128xf32>
    tpu.vector_store %arg5[%swap3A_348, %swap3A_349], %add3A_345 {strides = array<i32>} : memref<4096x256xf32, #tpu.memory_space<vmem>>, vector<4096x128xf32>,
    %broadcast_in_dim3A_351 = arith.constant 0.000000e+00 : f32
    %broadcast_in_dim3A_352 = vector.broadcast %broadcast_in_dim3A_351 : f32 to vector<4096x64xf32>
    %swap3A_353 = arith.constant 0 : index
    %swap3A_354 = arith.constant 192 : index
    %swap3A_355 = vector.load %arg5[%swap3A_353, %swap3A_354] : memref<4096x256xf32, #tpu.memory_space<vmem>>, vector<4096x64xf32>
    tpu.vector_store %arg5[%swap3A_353, %swap3A_354], %broadcast_in_dim3A_352 {strides = array<i32>} : memref<4096x256xf32, #tpu.memory_space<vmem>>, vector<4096x64xf32>,
    %mul3A_356 = arith.mulf %get3A_5, %get3A_5 : vector<4096x64xf32>
    %get3A_357 = arith.constant 0 : index
    %get3A_358 = arith.constant 0 : index
    %get3A_359 = vector.load %arg3[%get3A_357, %get3A_358] : memref<1x64xf32, #tpu.memory_space<vmem>>, vector<1x64xf32>
    %mul3A_360 = vector.broadcast %get3A_359 : vector<1x64xf32> to vector<4096x64xf32>
    %mul3A_361 = arith.mulf %mul3A_356, %mul3A_360 : vector<4096x64xf32>
    %slice3A = vector.extract_strided_slice %mul3A_361 {offsets = [0, 0], sizes = [4096, 8], strides = [1, 1]} : vector<4096x64xf32> to vector<4096x8xf32>
    %slice3A_362 = vector.extract_strided_slice %mul3A_361 {offsets = [0, 8], sizes = [4096, 8], strides = [1, 1]} : vector<4096x64xf32> to vector<4096x8xf32>
    %add3A_363 = arith.addf %slice3A, %slice3A_362 : vector<4096x8xf32>
    %slice3A_364 = vector.extract_strided_slice %mul3A_361 {offsets = [0, 16], sizes = [4096, 8], strides = [1, 1]} : vector<4096x64xf32> to vector<4096x8xf32>
    %add3A_365 = arith.addf %add3A_363, %slice3A_364 : vector<4096x8xf32>
    %slice3A_366 = vector.extract_strided_slice %mul3A_361 {offsets = [0, 24], sizes = [4096, 8], strides = [1, 1]} : vector<4096x64xf32> to vector<4096x8xf32>
    %add3A_367 = arith.addf %add3A_365, %slice3A_366 : vector<4096x8xf32>
    %slice3A_368 = vector.extract_strided_slice %mul3A_361 {offsets = [0, 32], sizes = [4096, 8], strides = [1, 1]} : vector<4096x64xf32> to vector<4096x8xf32>
    %add3A_369 = arith.addf %add3A_367, %slice3A_368 : vector<4096x8xf32>
    %slice3A_370 = vector.extract_strided_slice %mul3A_361 {offsets = [0, 40], sizes = [4096, 8], strides = [1, 1]} : vector<4096x64xf32> to vector<4096x8xf32>
    %add3A_371 = arith.addf %add3A_369, %slice3A_370 : vector<4096x8xf32>
    %slice3A_372 = vector.extract_strided_slice %mul3A_361 {offsets = [0, 48], sizes = [4096, 8], strides = [1, 1]} : vector<4096x64xf32> to vector<4096x8xf32>
    %add3A_373 = arith.addf %add3A_371, %slice3A_372 : vector<4096x8xf32>
    %slice3A_374 = vector.extract_strided_slice %mul3A_361 {offsets = [0, 56], sizes = [4096, 8], strides = [1, 1]} : vector<4096x64xf32> to vector<4096x8xf32>
    %add3A_375 = arith.addf %add3A_373, %slice3A_374 : vector<4096x8xf32>
    %slice3A_376 = vector.extract_strided_slice %add3A_375 {offsets = [0, 0], sizes = [4096, 4], strides = [1, 1]} : vector<4096x8xf32> to vector<4096x4xf32>
    %slice3A_377 = vector.extract_strided_slice %add3A_375 {offsets = [0, 4], sizes = [4096, 4], strides = [1, 1]} : vector<4096x8xf32> to vector<4096x4xf32>
    %add3A_378 = arith.addf %slice3A_376, %slice3A_377 : vector<4096x4xf32>
    %slice3A_379 = vector.extract_strided_slice %add3A_378 {offsets = [0, 0], sizes = [4096, 2], strides = [1, 1]} : vector<4096x4xf32> to vector<4096x2xf32>
    %slice3A_380 = vector.extract_strided_slice %add3A_378 {offsets = [0, 2], sizes = [4096, 2], strides = [1, 1]} : vector<4096x4xf32> to vector<4096x2xf32>
    %add3A_381 = arith.addf %slice3A_379, %slice3A_380 : vector<4096x2xf32>
    %slice3A_382 = vector.extract_strided_slice %add3A_381 {offsets = [0, 0], sizes = [4096, 1], strides = [1, 1]} : vector<4096x2xf32> to vector<4096x1xf32>
    %slice3A_383 = vector.extract_strided_slice %add3A_381 {offsets = [0, 1], sizes = [4096, 1], strides = [1, 1]} : vector<4096x2xf32> to vector<4096x1xf32>
    %add3A_384 = arith.addf %slice3A_382, %slice3A_383 : vector<4096x1xf32>
    %mul3A_385 = arith.mulf %add3A_345, %add3A_345 : vector<4096x128xf32>
    %get3A_386 = arith.constant 0 : index
    %get3A_387 = arith.constant 0 : index
    %get3A_388 = vector.load %arg4[%get3A_386, %get3A_387] : memref<1x128xf32, #tpu.memory_space<vmem>>, vector<1x128xf32>
    %mul3A_389 = vector.broadcast %get3A_388 : vector<1x128xf32> to vector<4096x128xf32>
    %mul3A_390 = arith.mulf %mul3A_385, %mul3A_389 : vector<4096x128xf32>
    %slice3A_391 = vector.extract_strided_slice %mul3A_390 {offsets = [0, 0], sizes = [4096, 16], strides = [1, 1]} : vector<4096x128xf32> to vector<4096x16xf32>
    %slice3A_392 = vector.extract_strided_slice %slice3A_391 {offsets = [0, 0], sizes = [4096, 8], strides = [1, 1]} : vector<4096x16xf32> to vector<4096x8xf32>
    %slice3A_393 = vector.extract_strided_slice %slice3A_391 {offsets = [0, 8], sizes = [4096, 8], strides = [1, 1]} : vector<4096x16xf32> to vector<4096x8xf32>
    %add3A_394 = arith.addf %slice3A_392, %slice3A_393 : vector<4096x8xf32>
    %slice3A_395 = vector.extract_strided_slice %add3A_394 {offsets = [0, 0], sizes = [4096, 4], strides = [1, 1]} : vector<4096x8xf32> to vector<4096x4xf32>
    %slice3A_396 = vector.extract_strided_slice %add3A_394 {offsets = [0, 4], sizes = [4096, 4], strides = [1, 1]} : vector<4096x8xf32> to vector<4096x4xf32>
    %add3A_397 = arith.addf %slice3A_395, %slice3A_396 : vector<4096x4xf32>
    %slice3A_398 = vector.extract_strided_slice %add3A_397 {offsets = [0, 0], sizes = [4096, 2], strides = [1, 1]} : vector<4096x4xf32> to vector<4096x2xf32>
    %slice3A_399 = vector.extract_strided_slice %add3A_397 {offsets = [0, 2], sizes = [4096, 2], strides = [1, 1]} : vector<4096x4xf32> to vector<4096x2xf32>
    %add3A_400 = arith.addf %slice3A_398, %slice3A_399 : vector<4096x2xf32>
    %slice3A_401 = vector.extract_strided_slice %add3A_400 {offsets = [0, 0], sizes = [4096, 1], strides = [1, 1]} : vector<4096x2xf32> to vector<4096x1xf32>
    %slice3A_402 = vector.extract_strided_slice %add3A_400 {offsets = [0, 1], sizes = [4096, 1], strides = [1, 1]} : vector<4096x2xf32> to vector<4096x1xf32>
    %add3A_403 = arith.addf %slice3A_401, %slice3A_402 : vector<4096x1xf32>
    %add3A_404 = arith.addf %add3A_384, %add3A_403 : vector<4096x1xf32>
    %slice3A_405 = vector.extract_strided_slice %mul3A_390 {offsets = [0, 16], sizes = [4096, 16], strides = [1, 1]} : vector<4096x128xf32> to vector<4096x16xf32>
    %slice3A_406 = vector.extract_strided_slice %slice3A_405 {offsets = [0, 0], sizes = [4096, 8], strides = [1, 1]} : vector<4096x16xf32> to vector<4096x8xf32>
    %slice3A_407 = vector.extract_strided_slice %slice3A_405 {offsets = [0, 8], sizes = [4096, 8], strides = [1, 1]} : vector<4096x16xf32> to vector<4096x8xf32>
    %add3A_408 = arith.addf %slice3A_406, %slice3A_407 : vector<4096x8xf32>
    %slice3A_409 = vector.extract_strided_slice %add3A_408 {offsets = [0, 0], sizes = [4096, 4], strides = [1, 1]} : vector<4096x8xf32> to vector<4096x4xf32>
    %slice3A_410 = vector.extract_strided_slice %add3A_408 {offsets = [0, 4], sizes = [4096, 4], strides = [1, 1]} : vector<4096x8xf32> to vector<4096x4xf32>
    %add3A_411 = arith.addf %slice3A_409, %slice3A_410 : vector<4096x4xf32>
    %slice3A_412 = vector.extract_strided_slice %add3A_411 {offsets = [0, 0], sizes = [4096, 2], strides = [1, 1]} : vector<4096x4xf32> to vector<4096x2xf32>
    %slice3A_413 = vector.extract_strided_slice %add3A_411 {offsets = [0, 2], sizes = [4096, 2], strides = [1, 1]} : vector<4096x4xf32> to vector<4096x2xf32>
    %add3A_414 = arith.addf %slice3A_412, %slice3A_413 : vector<4096x2xf32>
    %slice3A_415 = vector.extract_strided_slice %add3A_414 {offsets = [0, 0], sizes = [4096, 1], strides = [1, 1]} : vector<4096x2xf32> to vector<4096x1xf32>
    %slice3A_416 = vector.extract_strided_slice %add3A_414 {offsets = [0, 1], sizes = [4096, 1], strides = [1, 1]} : vector<4096x2xf32> to vector<4096x1xf32>
    %add3A_417 = arith.addf %slice3A_415, %slice3A_416 : vector<4096x1xf32>
    %add3A_418 = arith.addf %add3A_384, %add3A_417 : vector<4096x1xf32>
    %slice3A_419 = vector.extract_strided_slice %mul3A_390 {offsets = [0, 32], sizes = [4096, 16], strides = [1, 1]} : vector<4096x128xf32> to vector<4096x16xf32>
    %slice3A_420 = vector.extract_strided_slice %slice3A_419 {offsets = [0, 0], sizes = [4096, 8], strides = [1, 1]} : vector<4096x16xf32> to vector<4096x8xf32>
    %slice3A_421 = vector.extract_strided_slice %slice3A_419 {offsets = [0, 8], sizes = [4096, 8], strides = [1, 1]} : vector<4096x16xf32> to vector<4096x8xf32>
    %add3A_422 = arith.addf %slice3A_420, %slice3A_421 : vector<4096x8xf32>
    %slice3A_423 = vector.extract_strided_slice %add3A_422 {offsets = [0, 0], sizes = [4096, 4], strides = [1, 1]} : vector<4096x8xf32> to vector<4096x4xf32>
    %slice3A_424 = vector.extract_strided_slice %add3A_422 {offsets = [0, 4], sizes = [4096, 4], strides = [1, 1]} : vector<4096x8xf32> to vector<4096x4xf32>
    %add3A_425 = arith.addf %slice3A_423, %slice3A_424 : vector<4096x4xf32>
    %slice3A_426 = vector.extract_strided_slice %add3A_425 {offsets = [0, 0], sizes = [4096, 2], strides = [1, 1]} : vector<4096x4xf32> to vector<4096x2xf32>
    %slice3A_427 = vector.extract_strided_slice %add3A_425 {offsets = [0, 2], sizes = [4096, 2], strides = [1, 1]} : vector<4096x4xf32> to vector<4096x2xf32>
    %add3A_428 = arith.addf %slice3A_426, %slice3A_427 : vector<4096x2xf32>
    %slice3A_429 = vector.extract_strided_slice %add3A_428 {offsets = [0, 0], sizes = [4096, 1], strides = [1, 1]} : vector<4096x2xf32> to vector<4096x1xf32>
    %slice3A_430 = vector.extract_strided_slice %add3A_428 {offsets = [0, 1], sizes = [4096, 1], strides = [1, 1]} : vector<4096x2xf32> to vector<4096x1xf32>
    %add3A_431 = arith.addf %slice3A_429, %slice3A_430 : vector<4096x1xf32>
    %add3A_432 = arith.addf %add3A_384, %add3A_431 : vector<4096x1xf32>
    %slice3A_433 = vector.extract_strided_slice %mul3A_390 {offsets = [0, 48], sizes = [4096, 16], strides = [1, 1]} : vector<4096x128xf32> to vector<4096x16xf32>
    %slice3A_434 = vector.extract_strided_slice %slice3A_433 {offsets = [0, 0], sizes = [4096, 8], strides = [1, 1]} : vector<4096x16xf32> to vector<4096x8xf32>
    %slice3A_435 = vector.extract_strided_slice %slice3A_433 {offsets = [0, 8], sizes = [4096, 8], strides = [1, 1]} : vector<4096x16xf32> to vector<4096x8xf32>
    %add3A_436 = arith.addf %slice3A_434, %slice3A_435 : vector<4096x8xf32>
    %slice3A_437 = vector.extract_strided_slice %add3A_436 {offsets = [0, 0], sizes = [4096, 4], strides = [1, 1]} : vector<4096x8xf32> to vector<4096x4xf32>
    %slice3A_438 = vector.extract_strided_slice %add3A_436 {offsets = [0, 4], sizes = [4096, 4], strides = [1, 1]} : vector<4096x8xf32> to vector<4096x4xf32>
    %add3A_439 = arith.addf %slice3A_437, %slice3A_438 : vector<4096x4xf32>
    %slice3A_440 = vector.extract_strided_slice %add3A_439 {offsets = [0, 0], sizes = [4096, 2], strides = [1, 1]} : vector<4096x4xf32> to vector<4096x2xf32>
    %slice3A_441 = vector.extract_strided_slice %add3A_439 {offsets = [0, 2], sizes = [4096, 2], strides = [1, 1]} : vector<4096x4xf32> to vector<4096x2xf32>
    %add3A_442 = arith.addf %slice3A_440, %slice3A_441 : vector<4096x2xf32>
    %slice3A_443 = vector.extract_strided_slice %add3A_442 {offsets = [0, 0], sizes = [4096, 1], strides = [1, 1]} : vector<4096x2xf32> to vector<4096x1xf32>
    %slice3A_444 = vector.extract_strided_slice %add3A_442 {offsets = [0, 1], sizes = [4096, 1], strides = [1, 1]} : vector<4096x2xf32> to vector<4096x1xf32>
    %add3A_445 = arith.addf %slice3A_443, %slice3A_444 : vector<4096x1xf32>
    %add3A_446 = arith.addf %add3A_384, %add3A_445 : vector<4096x1xf32>
    %slice3A_447 = vector.extract_strided_slice %mul3A_390 {offsets = [0, 64], sizes = [4096, 16], strides = [1, 1]} : vector<4096x128xf32> to vector<4096x16xf32>
    %slice3A_448 = vector.extract_strided_slice %slice3A_447 {offsets = [0, 0], sizes = [4096, 8], strides = [1, 1]} : vector<4096x16xf32> to vector<4096x8xf32>
    %slice3A_449 = vector.extract_strided_slice %slice3A_447 {offsets = [0, 8], sizes = [4096, 8], strides = [1, 1]} : vector<4096x16xf32> to vector<4096x8xf32>
    %add3A_450 = arith.addf %slice3A_448, %slice3A_449 : vector<4096x8xf32>
    %slice3A_451 = vector.extract_strided_slice %add3A_450 {offsets = [0, 0], sizes = [4096, 4], strides = [1, 1]} : vector<4096x8xf32> to vector<4096x4xf32>
    %slice3A_452 = vector.extract_strided_slice %add3A_450 {offsets = [0, 4], sizes = [4096, 4], strides = [1, 1]} : vector<4096x8xf32> to vector<4096x4xf32>
    %add3A_453 = arith.addf %slice3A_451, %slice3A_452 : vector<4096x4xf32>
    %slice3A_454 = vector.extract_strided_slice %add3A_453 {offsets = [0, 0], sizes = [4096, 2], strides = [1, 1]} : vector<4096x4xf32> to vector<4096x2xf32>
    %slice3A_455 = vector.extract_strided_slice %add3A_453 {offsets = [0, 2], sizes = [4096, 2], strides = [1, 1]} : vector<4096x4xf32> to vector<4096x2xf32>
    %add3A_456 = arith.addf %slice3A_454, %slice3A_455 : vector<4096x2xf32>
    %slice3A_457 = vector.extract_strided_slice %add3A_456 {offsets = [0, 0], sizes = [4096, 1], strides = [1, 1]} : vector<4096x2xf32> to vector<4096x1xf32>
    %slice3A_458 = vector.extract_strided_slice %add3A_456 {offsets = [0, 1], sizes = [4096, 1], strides = [1, 1]} : vector<4096x2xf32> to vector<4096x1xf32>
    %add3A_459 = arith.addf %slice3A_457, %slice3A_458 : vector<4096x1xf32>
    %add3A_460 = arith.addf %add3A_384, %add3A_459 : vector<4096x1xf32>
    %slice3A_461 = vector.extract_strided_slice %mul3A_390 {offsets = [0, 80], sizes = [4096, 16], strides = [1, 1]} : vector<4096x128xf32> to vector<4096x16xf32>
    %slice3A_462 = vector.extract_strided_slice %slice3A_461 {offsets = [0, 0], sizes = [4096, 8], strides = [1, 1]} : vector<4096x16xf32> to vector<4096x8xf32>
    %slice3A_463 = vector.extract_strided_slice %slice3A_461 {offsets = [0, 8], sizes = [4096, 8], strides = [1, 1]} : vector<4096x16xf32> to vector<4096x8xf32>
    %add3A_464 = arith.addf %slice3A_462, %slice3A_463 : vector<4096x8xf32>
    %slice3A_465 = vector.extract_strided_slice %add3A_464 {offsets = [0, 0], sizes = [4096, 4], strides = [1, 1]} : vector<4096x8xf32> to vector<4096x4xf32>
    %slice3A_466 = vector.extract_strided_slice %add3A_464 {offsets = [0, 4], sizes = [4096, 4], strides = [1, 1]} : vector<4096x8xf32> to vector<4096x4xf32>
    %add3A_467 = arith.addf %slice3A_465, %slice3A_466 : vector<4096x4xf32>
    %slice3A_468 = vector.extract_strided_slice %add3A_467 {offsets = [0, 0], sizes = [4096, 2], strides = [1, 1]} : vector<4096x4xf32> to vector<4096x2xf32>
    %slice3A_469 = vector.extract_strided_slice %add3A_467 {offsets = [0, 2], sizes = [4096, 2], strides = [1, 1]} : vector<4096x4xf32> to vector<4096x2xf32>
    %add3A_470 = arith.addf %slice3A_468, %slice3A_469 : vector<4096x2xf32>
    %slice3A_471 = vector.extract_strided_slice %add3A_470 {offsets = [0, 0], sizes = [4096, 1], strides = [1, 1]} : vector<4096x2xf32> to vector<4096x1xf32>
    %slice3A_472 = vector.extract_strided_slice %add3A_470 {offsets = [0, 1], sizes = [4096, 1], strides = [1, 1]} : vector<4096x2xf32> to vector<4096x1xf32>
    %add3A_473 = arith.addf %slice3A_471, %slice3A_472 : vector<4096x1xf32>
    %add3A_474 = arith.addf %add3A_384, %add3A_473 : vector<4096x1xf32>
    %slice3A_475 = vector.extract_strided_slice %mul3A_390 {offsets = [0, 96], sizes = [4096, 16], strides = [1, 1]} : vector<4096x128xf32> to vector<4096x16xf32>
    %slice3A_476 = vector.extract_strided_slice %slice3A_475 {offsets = [0, 0], sizes = [4096, 8], strides = [1, 1]} : vector<4096x16xf32> to vector<4096x8xf32>
    %slice3A_477 = vector.extract_strided_slice %slice3A_475 {offsets = [0, 8], sizes = [4096, 8], strides = [1, 1]} : vector<4096x16xf32> to vector<4096x8xf32>
    %add3A_478 = arith.addf %slice3A_476, %slice3A_477 : vector<4096x8xf32>
    %slice3A_479 = vector.extract_strided_slice %add3A_478 {offsets = [0, 0], sizes = [4096, 4], strides = [1, 1]} : vector<4096x8xf32> to vector<4096x4xf32>
    %slice3A_480 = vector.extract_strided_slice %add3A_478 {offsets = [0, 4], sizes = [4096, 4], strides = [1, 1]} : vector<4096x8xf32> to vector<4096x4xf32>
    %add3A_481 = arith.addf %slice3A_479, %slice3A_480 : vector<4096x4xf32>
    %slice3A_482 = vector.extract_strided_slice %add3A_481 {offsets = [0, 0], sizes = [4096, 2], strides = [1, 1]} : vector<4096x4xf32> to vector<4096x2xf32>
    %slice3A_483 = vector.extract_strided_slice %add3A_481 {offsets = [0, 2], sizes = [4096, 2], strides = [1, 1]} : vector<4096x4xf32> to vector<4096x2xf32>
    %add3A_484 = arith.addf %slice3A_482, %slice3A_483 : vector<4096x2xf32>
    %slice3A_485 = vector.extract_strided_slice %add3A_484 {offsets = [0, 0], sizes = [4096, 1], strides = [1, 1]} : vector<4096x2xf32> to vector<4096x1xf32>
    %slice3A_486 = vector.extract_strided_slice %add3A_484 {offsets = [0, 1], sizes = [4096, 1], strides = [1, 1]} : vector<4096x2xf32> to vector<4096x1xf32>
    %add3A_487 = arith.addf %slice3A_485, %slice3A_486 : vector<4096x1xf32>
    %add3A_488 = arith.addf %add3A_384, %add3A_487 : vector<4096x1xf32>
    %slice3A_489 = vector.extract_strided_slice %mul3A_390 {offsets = [0, 112], sizes = [4096, 16], strides = [1, 1]} : vector<4096x128xf32> to vector<4096x16xf32>
    %slice3A_490 = vector.extract_strided_slice %slice3A_489 {offsets = [0, 0], sizes = [4096, 8], strides = [1, 1]} : vector<4096x16xf32> to vector<4096x8xf32>
    %slice3A_491 = vector.extract_strided_slice %slice3A_489 {offsets = [0, 8], sizes = [4096, 8], strides = [1, 1]} : vector<4096x16xf32> to vector<4096x8xf32>
    %add3A_492 = arith.addf %slice3A_490, %slice3A_491 : vector<4096x8xf32>
    %slice3A_493 = vector.extract_strided_slice %add3A_492 {offsets = [0, 0], sizes = [4096, 4], strides = [1, 1]} : vector<4096x8xf32> to vector<4096x4xf32>
    %slice3A_494 = vector.extract_strided_slice %add3A_492 {offsets = [0, 4], sizes = [4096, 4], strides = [1, 1]} : vector<4096x8xf32> to vector<4096x4xf32>
    %add3A_495 = arith.addf %slice3A_493, %slice3A_494 : vector<4096x4xf32>
    %slice3A_496 = vector.extract_strided_slice %add3A_495 {offsets = [0, 0], sizes = [4096, 2], strides = [1, 1]} : vector<4096x4xf32> to vector<4096x2xf32>
    %slice3A_497 = vector.extract_strided_slice %add3A_495 {offsets = [0, 2], sizes = [4096, 2], strides = [1, 1]} : vector<4096x4xf32> to vector<4096x2xf32>
    %add3A_498 = arith.addf %slice3A_496, %slice3A_497 : vector<4096x2xf32>
    %slice3A_499 = vector.extract_strided_slice %add3A_498 {offsets = [0, 0], sizes = [4096, 1], strides = [1, 1]} : vector<4096x2xf32> to vector<4096x1xf32>
    %slice3A_500 = vector.extract_strided_slice %add3A_498 {offsets = [0, 1], sizes = [4096, 1], strides = [1, 1]} : vector<4096x2xf32> to vector<4096x1xf32>
    %add3A_501 = arith.addf %slice3A_499, %slice3A_500 : vector<4096x1xf32>
    %add3A_502 = arith.addf %add3A_384, %add3A_501 : vector<4096x1xf32>
    %concatenate3A = tpu.concatenate %add3A_404, %add3A_418, %add3A_432, %add3A_446, %add3A_460, %add3A_474, %add3A_488, %add3A_502 in 1 : vector<4096x1xf32>, vector<4096x1xf32>, vector<4096x1xf32>, vector<4096x1xf32>, vector<4096x1xf32>, vector<4096x1xf32>, vector<4096x1xf32>, vector<4096x1xf32> -> vector<4096x8xf32>
    %neg3A = arith.constant 0.000000e+00 : f32
    %neg3A_503 = vector.broadcast %neg3A : f32 to vector<4096x8xf32>
    %neg3A_504 = arith.subf %neg3A_503, %concatenate3A : vector<4096x8xf32>
    %swap3A_505 = arith.constant 0 : index
    %swap3A_506 = arith.constant 0 : index
    %swap3A_507 = vector.load %arg6[%swap3A_505, %swap3A_506] : memref<4096x8xf32, #tpu.memory_space<vmem>>, vector<4096x8xf32>
    tpu.vector_store %arg6[%swap3A_505, %swap3A_506], %neg3A_504 {strides = array<i32>} : memref<4096x8xf32, #tpu.memory_space<vmem>>, vector<4096x8xf32>,
    return
  }
}

module attributes {stable_mosaic.version = 14 : i64} {
  func.func @_argmax_kernel(%arg0: i32, %arg1: memref<6xi32, #tpu.memory_space<smem>>, %arg2: memref<256x128xf32, #tpu.memory_space<vmem>>, %arg3: memref<32x1xi32, #tpu.memory_space<vmem>>, %arg4: memref<32x1xf32, #tpu.memory_space<vmem>>) attributes {dimension_semantics = [#tpu.dimension_semantics<arbitrary>], iteration_bounds = array<i64: 128>, scalar_prefetch = 0 : i64, scratch_operands = 0 : i64, tpu.core_type = #tpu.core_type<tc>, window_params = [{transform_indices = @transform_0, window_bounds = array<i64: 6>}, {pipeline_mode = #tpu.pipeline_mode<synchronous>, transform_indices = @transform_1, window_bounds = array<i64: 256, 128>}, {transform_indices = @transform_2, window_bounds = array<i64: 32, 1>}, {transform_indices = @transform_3, window_bounds = array<i64: 32, 1>}]} {
    %get3A = arith.constant 2 : index
    %get3A_0 = memref.load %arg1[%get3A] : memref<6xi32, #tpu.memory_space<smem>>
    %get3A_1 = arith.constant 3 : index
    %get3A_2 = memref.load %arg1[%get3A_1] : memref<6xi32, #tpu.memory_space<smem>>
    %mul3A = arith.constant 32 : i32
    %mul3A_3 = arith.muli %arg0, %mul3A : i32
    %iota3A = tpu.iota {dimensions = array<i32: 0>} : vector<32x128xi32>
    %iota3A_4 = tpu.iota {dimensions = array<i32: 1>} : vector<32x128xi32>
    %add3A = vector.broadcast %mul3A_3 : i32 to vector<32x128xi32>
    %add3A_5 = arith.addi %add3A, %iota3A : vector<32x128xi32>
    %mul3A_6 = arith.constant 32768 : i32
    %mul3A_7 = vector.broadcast %mul3A_6 : i32 to vector<32x128xi32>
    %mul3A_8 = arith.muli %add3A_5, %mul3A_7 : vector<32x128xi32>
    %add3A_9 = arith.addi %mul3A_8, %iota3A_4 : vector<32x128xi32>
    %iota3A_10 = tpu.iota {dimensions = array<i32: 1>} : vector<32x128xi32>
    %broadcast_in_dim3A = arith.constant 0xFF800000 : f32
    %broadcast_in_dim3A_11 = vector.broadcast %broadcast_in_dim3A : f32 to vector<32x128xf32>
    %broadcast_in_dim3A_12 = arith.constant 0 : i32
    %broadcast_in_dim3A_13 = vector.broadcast %broadcast_in_dim3A_12 : i32 to vector<32x128xi32>
    %scan3A = arith.constant 0 : i32
    %scan3A_14 = arith.constant 64 : i32
    %scan3A_15 = arith.addi %scan3A, %scan3A_14 : i32
    %scan3A_16 = arith.constant 1 : i32
    %scan3A_17:3 = scf.for %scan3A_38 = %scan3A to %scan3A_15 step %scan3A_16 iter_args(%scan3A_39 = %broadcast_in_dim3A_11, %scan3A_40 = %broadcast_in_dim3A_13, %scan3A_41 = %broadcast_in_dim3A_11) -> (vector<32x128xf32>, vector<32x128xi32>, vector<32x128xf32>)  : i32 {
      %mul3A_42 = arith.constant 4 : i32
      %mul3A_43 = arith.muli %scan3A_38, %mul3A_42 : i32
      %add3A_44 = arith.constant 0 : i32
      %add3A_45 = arith.addi %mul3A_43, %add3A_44 : i32
      %mul3A_46 = arith.constant 128 : i32
      %mul3A_47 = arith.muli %add3A_45, %mul3A_46 : i32
      %get3A_48 = arith.index_cast %add3A_45 : i32 to index
      %get3A_49 = arith.constant 0 : index
      %get3A_50 = vector.load %arg2[%get3A_48, %get3A_49] : memref<256x128xf32, #tpu.memory_space<vmem>>, vector<1x128xf32>
      %broadcast_in_dim3A_51 = vector.shape_cast %get3A_50 : vector<1x128xf32> to vector<1x128xf32>
      %broadcast_in_dim3A_52 = vector.broadcast %broadcast_in_dim3A_51 : vector<1x128xf32> to vector<32x128xf32>
      %add3A_53 = vector.broadcast %mul3A_47 : i32 to vector<32x128xi32>
      %add3A_54 = arith.addi %add3A_9, %add3A_53 : vector<32x128xi32>
      %broadcast_in_dim3A_55 = arith.constant 0 : i32
      %broadcast_in_dim3A_56 = vector.broadcast %broadcast_in_dim3A_55 : i32 to vector<32x128xi32>
      %xor3A = arith.xori %get3A_0, %get3A_2 : i32
      %xor3A_57 = arith.constant 466688986 : i32
      %xor3A_58 = arith.xori %xor3A, %xor3A_57 : i32
      %add3A_59 = vector.broadcast %get3A_0 : i32 to vector<32x128xi32>
      %add3A_60 = arith.addi %broadcast_in_dim3A_56, %add3A_59 : vector<32x128xi32>
      %add3A_61 = vector.broadcast %get3A_2 : i32 to vector<32x128xi32>
      %add3A_62 = arith.addi %add3A_54, %add3A_61 : vector<32x128xi32>
      %add3A_63 = arith.addi %add3A_60, %add3A_62 : vector<32x128xi32>
      %shift_left3A = arith.constant 13 : i32
      %shift_left3A_64 = vector.broadcast %shift_left3A : i32 to vector<32x128xi32>
      %shift_left3A_65 = arith.shli %add3A_62, %shift_left3A_64 : vector<32x128xi32>
      %shift_right_logical3A = arith.constant 19 : i32
      %shift_right_logical3A_66 = vector.broadcast %shift_right_logical3A : i32 to vector<32x128xi32>
      %shift_right_logical3A_67 = arith.shrui %add3A_62, %shift_right_logical3A_66 : vector<32x128xi32>
      %or3A = arith.ori %shift_left3A_65, %shift_right_logical3A_67 : vector<32x128xi32>
      %xor3A_68 = arith.xori %add3A_63, %or3A : vector<32x128xi32>
      %add3A_69 = arith.addi %add3A_63, %xor3A_68 : vector<32x128xi32>
      %shift_left3A_70 = arith.constant 15 : i32
      %shift_left3A_71 = vector.broadcast %shift_left3A_70 : i32 to vector<32x128xi32>
      %shift_left3A_72 = arith.shli %xor3A_68, %shift_left3A_71 : vector<32x128xi32>
      %shift_right_logical3A_73 = arith.constant 17 : i32
      %shift_right_logical3A_74 = vector.broadcast %shift_right_logical3A_73 : i32 to vector<32x128xi32>
      %shift_right_logical3A_75 = arith.shrui %xor3A_68, %shift_right_logical3A_74 : vector<32x128xi32>
      %or3A_76 = arith.ori %shift_left3A_72, %shift_right_logical3A_75 : vector<32x128xi32>
      %xor3A_77 = arith.xori %add3A_69, %or3A_76 : vector<32x128xi32>
      %add3A_78 = arith.addi %add3A_69, %xor3A_77 : vector<32x128xi32>
      %shift_left3A_79 = arith.constant 26 : i32
      %shift_left3A_80 = vector.broadcast %shift_left3A_79 : i32 to vector<32x128xi32>
      %shift_left3A_81 = arith.shli %xor3A_77, %shift_left3A_80 : vector<32x128xi32>
      %shift_right_logical3A_82 = arith.constant 6 : i32
      %shift_right_logical3A_83 = vector.broadcast %shift_right_logical3A_82 : i32 to vector<32x128xi32>
      %shift_right_logical3A_84 = arith.shrui %xor3A_77, %shift_right_logical3A_83 : vector<32x128xi32>
      %or3A_85 = arith.ori %shift_left3A_81, %shift_right_logical3A_84 : vector<32x128xi32>
      %xor3A_86 = arith.xori %add3A_78, %or3A_85 : vector<32x128xi32>
      %add3A_87 = arith.addi %add3A_78, %xor3A_86 : vector<32x128xi32>
      %shift_left3A_88 = arith.constant 6 : i32
      %shift_left3A_89 = vector.broadcast %shift_left3A_88 : i32 to vector<32x128xi32>
      %shift_left3A_90 = arith.shli %xor3A_86, %shift_left3A_89 : vector<32x128xi32>
      %shift_right_logical3A_91 = arith.constant 26 : i32
      %shift_right_logical3A_92 = vector.broadcast %shift_right_logical3A_91 : i32 to vector<32x128xi32>
      %shift_right_logical3A_93 = arith.shrui %xor3A_86, %shift_right_logical3A_92 : vector<32x128xi32>
      %or3A_94 = arith.ori %shift_left3A_90, %shift_right_logical3A_93 : vector<32x128xi32>
      %xor3A_95 = arith.xori %add3A_87, %or3A_94 : vector<32x128xi32>
      %add3A_96 = vector.broadcast %get3A_2 : i32 to vector<32x128xi32>
      %add3A_97 = arith.addi %add3A_87, %add3A_96 : vector<32x128xi32>
      %add3A_98 = vector.broadcast %xor3A_58 : i32 to vector<32x128xi32>
      %add3A_99 = arith.addi %xor3A_95, %add3A_98 : vector<32x128xi32>
      %add3A_100 = arith.constant 1 : i32
      %add3A_101 = vector.broadcast %add3A_100 : i32 to vector<32x128xi32>
      %add3A_102 = arith.addi %add3A_99, %add3A_101 : vector<32x128xi32>
      %add3A_103 = arith.addi %add3A_97, %add3A_102 : vector<32x128xi32>
      %shift_left3A_104 = arith.constant 17 : i32
      %shift_left3A_105 = vector.broadcast %shift_left3A_104 : i32 to vector<32x128xi32>
      %shift_left3A_106 = arith.shli %add3A_102, %shift_left3A_105 : vector<32x128xi32>
      %shift_right_logical3A_107 = arith.constant 15 : i32
      %shift_right_logical3A_108 = vector.broadcast %shift_right_logical3A_107 : i32 to vector<32x128xi32>
      %shift_right_logical3A_109 = arith.shrui %add3A_102, %shift_right_logical3A_108 : vector<32x128xi32>
      %or3A_110 = arith.ori %shift_left3A_106, %shift_right_logical3A_109 : vector<32x128xi32>
      %xor3A_111 = arith.xori %add3A_103, %or3A_110 : vector<32x128xi32>
      %add3A_112 = arith.addi %add3A_103, %xor3A_111 : vector<32x128xi32>
      %shift_left3A_113 = arith.constant 29 : i32
      %shift_left3A_114 = vector.broadcast %shift_left3A_113 : i32 to vector<32x128xi32>
      %shift_left3A_115 = arith.shli %xor3A_111, %shift_left3A_114 : vector<32x128xi32>
      %shift_right_logical3A_116 = arith.constant 3 : i32
      %shift_right_logical3A_117 = vector.broadcast %shift_right_logical3A_116 : i32 to vector<32x128xi32>
      %shift_right_logical3A_118 = arith.shrui %xor3A_111, %shift_right_logical3A_117 : vector<32x128xi32>
      %or3A_119 = arith.ori %shift_left3A_115, %shift_right_logical3A_118 : vector<32x128xi32>
      %xor3A_120 = arith.xori %add3A_112, %or3A_119 : vector<32x128xi32>
      %add3A_121 = arith.addi %add3A_112, %xor3A_120 : vector<32x128xi32>
      %shift_left3A_122 = arith.constant 16 : i32
      %shift_left3A_123 = vector.broadcast %shift_left3A_122 : i32 to vector<32x128xi32>
      %shift_left3A_124 = arith.shli %xor3A_120, %shift_left3A_123 : vector<32x128xi32>
      %shift_right_logical3A_125 = arith.constant 16 : i32
      %shift_right_logical3A_126 = vector.broadcast %shift_right_logical3A_125 : i32 to vector<32x128xi32>
      %shift_right_logical3A_127 = arith.shrui %xor3A_120, %shift_right_logical3A_126 : vector<32x128xi32>
      %or3A_128 = arith.ori %shift_left3A_124, %shift_right_logical3A_127 : vector<32x128xi32>
      %xor3A_129 = arith.xori %add3A_121, %or3A_128 : vector<32x128xi32>
      %add3A_130 = arith.addi %add3A_121, %xor3A_129 : vector<32x128xi32>
      %shift_left3A_131 = arith.constant 24 : i32
      %shift_left3A_132 = vector.broadcast %shift_left3A_131 : i32 to vector<32x128xi32>
      %shift_left3A_133 = arith.shli %xor3A_129, %shift_left3A_132 : vector<32x128xi32>
      %shift_right_logical3A_134 = arith.constant 8 : i32
      %shift_right_logical3A_135 = vector.broadcast %shift_right_logical3A_134 : i32 to vector<32x128xi32>
      %shift_right_logical3A_136 = arith.shrui %xor3A_129, %shift_right_logical3A_135 : vector<32x128xi32>
      %or3A_137 = arith.ori %shift_left3A_133, %shift_right_logical3A_136 : vector<32x128xi32>
      %xor3A_138 = arith.xori %add3A_130, %or3A_137 : vector<32x128xi32>
      %add3A_139 = vector.broadcast %xor3A_58 : i32 to vector<32x128xi32>
      %add3A_140 = arith.addi %add3A_130, %add3A_139 : vector<32x128xi32>
      %add3A_141 = vector.broadcast %get3A_0 : i32 to vector<32x128xi32>
      %add3A_142 = arith.addi %xor3A_138, %add3A_141 : vector<32x128xi32>
      %add3A_143 = arith.constant 2 : i32
      %add3A_144 = vector.broadcast %add3A_143 : i32 to vector<32x128xi32>
      %add3A_145 = arith.addi %add3A_142, %add3A_144 : vector<32x128xi32>
      %add3A_146 = arith.addi %add3A_140, %add3A_145 : vector<32x128xi32>
      %shift_left3A_147 = arith.constant 13 : i32
      %shift_left3A_148 = vector.broadcast %shift_left3A_147 : i32 to vector<32x128xi32>
      %shift_left3A_149 = arith.shli %add3A_145, %shift_left3A_148 : vector<32x128xi32>
      %shift_right_logical3A_150 = arith.constant 19 : i32
      %shift_right_logical3A_151 = vector.broadcast %shift_right_logical3A_150 : i32 to vector<32x128xi32>
      %shift_right_logical3A_152 = arith.shrui %add3A_145, %shift_right_logical3A_151 : vector<32x128xi32>
      %or3A_153 = arith.ori %shift_left3A_149, %shift_right_logical3A_152 : vector<32x128xi32>
      %xor3A_154 = arith.xori %add3A_146, %or3A_153 : vector<32x128xi32>
      %add3A_155 = arith.addi %add3A_146, %xor3A_154 : vector<32x128xi32>
      %shift_left3A_156 = arith.constant 15 : i32
      %shift_left3A_157 = vector.broadcast %shift_left3A_156 : i32 to vector<32x128xi32>
      %shift_left3A_158 = arith.shli %xor3A_154, %shift_left3A_157 : vector<32x128xi32>
      %shift_right_logical3A_159 = arith.constant 17 : i32
      %shift_right_logical3A_160 = vector.broadcast %shift_right_logical3A_159 : i32 to vector<32x128xi32>
      %shift_right_logical3A_161 = arith.shrui %xor3A_154, %shift_right_logical3A_160 : vector<32x128xi32>
      %or3A_162 = arith.ori %shift_left3A_158, %shift_right_logical3A_161 : vector<32x128xi32>
      %xor3A_163 = arith.xori %add3A_155, %or3A_162 : vector<32x128xi32>
      %add3A_164 = arith.addi %add3A_155, %xor3A_163 : vector<32x128xi32>
      %shift_left3A_165 = arith.constant 26 : i32
      %shift_left3A_166 = vector.broadcast %shift_left3A_165 : i32 to vector<32x128xi32>
      %shift_left3A_167 = arith.shli %xor3A_163, %shift_left3A_166 : vector<32x128xi32>
      %shift_right_logical3A_168 = arith.constant 6 : i32
      %shift_right_logical3A_169 = vector.broadcast %shift_right_logical3A_168 : i32 to vector<32x128xi32>
      %shift_right_logical3A_170 = arith.shrui %xor3A_163, %shift_right_logical3A_169 : vector<32x128xi32>
      %or3A_171 = arith.ori %shift_left3A_167, %shift_right_logical3A_170 : vector<32x128xi32>
      %xor3A_172 = arith.xori %add3A_164, %or3A_171 : vector<32x128xi32>
      %add3A_173 = arith.addi %add3A_164, %xor3A_172 : vector<32x128xi32>
      %shift_left3A_174 = arith.constant 6 : i32
      %shift_left3A_175 = vector.broadcast %shift_left3A_174 : i32 to vector<32x128xi32>
      %shift_left3A_176 = arith.shli %xor3A_172, %shift_left3A_175 : vector<32x128xi32>
      %shift_right_logical3A_177 = arith.constant 26 : i32
      %shift_right_logical3A_178 = vector.broadcast %shift_right_logical3A_177 : i32 to vector<32x128xi32>
      %shift_right_logical3A_179 = arith.shrui %xor3A_172, %shift_right_logical3A_178 : vector<32x128xi32>
      %or3A_180 = arith.ori %shift_left3A_176, %shift_right_logical3A_179 : vector<32x128xi32>
      %xor3A_181 = arith.xori %add3A_173, %or3A_180 : vector<32x128xi32>
      %add3A_182 = vector.broadcast %get3A_0 : i32 to vector<32x128xi32>
      %add3A_183 = arith.addi %add3A_173, %add3A_182 : vector<32x128xi32>
      %add3A_184 = vector.broadcast %get3A_2 : i32 to vector<32x128xi32>
      %add3A_185 = arith.addi %xor3A_181, %add3A_184 : vector<32x128xi32>
      %add3A_186 = arith.constant 3 : i32
      %add3A_187 = vector.broadcast %add3A_186 : i32 to vector<32x128xi32>
      %add3A_188 = arith.addi %add3A_185, %add3A_187 : vector<32x128xi32>
      %add3A_189 = arith.addi %add3A_183, %add3A_188 : vector<32x128xi32>
      %shift_left3A_190 = arith.constant 17 : i32
      %shift_left3A_191 = vector.broadcast %shift_left3A_190 : i32 to vector<32x128xi32>
      %shift_left3A_192 = arith.shli %add3A_188, %shift_left3A_191 : vector<32x128xi32>
      %shift_right_logical3A_193 = arith.constant 15 : i32
      %shift_right_logical3A_194 = vector.broadcast %shift_right_logical3A_193 : i32 to vector<32x128xi32>
      %shift_right_logical3A_195 = arith.shrui %add3A_188, %shift_right_logical3A_194 : vector<32x128xi32>
      %or3A_196 = arith.ori %shift_left3A_192, %shift_right_logical3A_195 : vector<32x128xi32>
      %xor3A_197 = arith.xori %add3A_189, %or3A_196 : vector<32x128xi32>
      %add3A_198 = arith.addi %add3A_189, %xor3A_197 : vector<32x128xi32>
      %shift_left3A_199 = arith.constant 29 : i32
      %shift_left3A_200 = vector.broadcast %shift_left3A_199 : i32 to vector<32x128xi32>
      %shift_left3A_201 = arith.shli %xor3A_197, %shift_left3A_200 : vector<32x128xi32>
      %shift_right_logical3A_202 = arith.constant 3 : i32
      %shift_right_logical3A_203 = vector.broadcast %shift_right_logical3A_202 : i32 to vector<32x128xi32>
      %shift_right_logical3A_204 = arith.shrui %xor3A_197, %shift_right_logical3A_203 : vector<32x128xi32>
      %or3A_205 = arith.ori %shift_left3A_201, %shift_right_logical3A_204 : vector<32x128xi32>
      %xor3A_206 = arith.xori %add3A_198, %or3A_205 : vector<32x128xi32>
      %add3A_207 = arith.addi %add3A_198, %xor3A_206 : vector<32x128xi32>
      %shift_left3A_208 = arith.constant 16 : i32
      %shift_left3A_209 = vector.broadcast %shift_left3A_208 : i32 to vector<32x128xi32>
      %shift_left3A_210 = arith.shli %xor3A_206, %shift_left3A_209 : vector<32x128xi32>
      %shift_right_logical3A_211 = arith.constant 16 : i32
      %shift_right_logical3A_212 = vector.broadcast %shift_right_logical3A_211 : i32 to vector<32x128xi32>
      %shift_right_logical3A_213 = arith.shrui %xor3A_206, %shift_right_logical3A_212 : vector<32x128xi32>
      %or3A_214 = arith.ori %shift_left3A_210, %shift_right_logical3A_213 : vector<32x128xi32>
      %xor3A_215 = arith.xori %add3A_207, %or3A_214 : vector<32x128xi32>
      %add3A_216 = arith.addi %add3A_207, %xor3A_215 : vector<32x128xi32>
      %shift_left3A_217 = arith.constant 24 : i32
      %shift_left3A_218 = vector.broadcast %shift_left3A_217 : i32 to vector<32x128xi32>
      %shift_left3A_219 = arith.shli %xor3A_215, %shift_left3A_218 : vector<32x128xi32>
      %shift_right_logical3A_220 = arith.constant 8 : i32
      %shift_right_logical3A_221 = vector.broadcast %shift_right_logical3A_220 : i32 to vector<32x128xi32>
      %shift_right_logical3A_222 = arith.shrui %xor3A_215, %shift_right_logical3A_221 : vector<32x128xi32>
      %or3A_223 = arith.ori %shift_left3A_219, %shift_right_logical3A_222 : vector<32x128xi32>
      %xor3A_224 = arith.xori %add3A_216, %or3A_223 : vector<32x128xi32>
      %add3A_225 = vector.broadcast %get3A_2 : i32 to vector<32x128xi32>
      %add3A_226 = arith.addi %add3A_216, %add3A_225 : vector<32x128xi32>
      %add3A_227 = vector.broadcast %xor3A_58 : i32 to vector<32x128xi32>
      %add3A_228 = arith.addi %xor3A_224, %add3A_227 : vector<32x128xi32>
      %add3A_229 = arith.constant 4 : i32
      %add3A_230 = vector.broadcast %add3A_229 : i32 to vector<32x128xi32>
      %add3A_231 = arith.addi %add3A_228, %add3A_230 : vector<32x128xi32>
      %add3A_232 = arith.addi %add3A_226, %add3A_231 : vector<32x128xi32>
      %shift_left3A_233 = arith.constant 13 : i32
      %shift_left3A_234 = vector.broadcast %shift_left3A_233 : i32 to vector<32x128xi32>
      %shift_left3A_235 = arith.shli %add3A_231, %shift_left3A_234 : vector<32x128xi32>
      %shift_right_logical3A_236 = arith.constant 19 : i32
      %shift_right_logical3A_237 = vector.broadcast %shift_right_logical3A_236 : i32 to vector<32x128xi32>
      %shift_right_logical3A_238 = arith.shrui %add3A_231, %shift_right_logical3A_237 : vector<32x128xi32>
      %or3A_239 = arith.ori %shift_left3A_235, %shift_right_logical3A_238 : vector<32x128xi32>
      %xor3A_240 = arith.xori %add3A_232, %or3A_239 : vector<32x128xi32>
      %add3A_241 = arith.addi %add3A_232, %xor3A_240 : vector<32x128xi32>
      %shift_left3A_242 = arith.constant 15 : i32
      %shift_left3A_243 = vector.broadcast %shift_left3A_242 : i32 to vector<32x128xi32>
      %shift_left3A_244 = arith.shli %xor3A_240, %shift_left3A_243 : vector<32x128xi32>
      %shift_right_logical3A_245 = arith.constant 17 : i32
      %shift_right_logical3A_246 = vector.broadcast %shift_right_logical3A_245 : i32 to vector<32x128xi32>
      %shift_right_logical3A_247 = arith.shrui %xor3A_240, %shift_right_logical3A_246 : vector<32x128xi32>
      %or3A_248 = arith.ori %shift_left3A_244, %shift_right_logical3A_247 : vector<32x128xi32>
      %xor3A_249 = arith.xori %add3A_241, %or3A_248 : vector<32x128xi32>
      %add3A_250 = arith.addi %add3A_241, %xor3A_249 : vector<32x128xi32>
      %shift_left3A_251 = arith.constant 26 : i32
      %shift_left3A_252 = vector.broadcast %shift_left3A_251 : i32 to vector<32x128xi32>
      %shift_left3A_253 = arith.shli %xor3A_249, %shift_left3A_252 : vector<32x128xi32>
      %shift_right_logical3A_254 = arith.constant 6 : i32
      %shift_right_logical3A_255 = vector.broadcast %shift_right_logical3A_254 : i32 to vector<32x128xi32>
      %shift_right_logical3A_256 = arith.shrui %xor3A_249, %shift_right_logical3A_255 : vector<32x128xi32>
      %or3A_257 = arith.ori %shift_left3A_253, %shift_right_logical3A_256 : vector<32x128xi32>
      %xor3A_258 = arith.xori %add3A_250, %or3A_257 : vector<32x128xi32>
      %add3A_259 = arith.addi %add3A_250, %xor3A_258 : vector<32x128xi32>
      %shift_left3A_260 = arith.constant 6 : i32
      %shift_left3A_261 = vector.broadcast %shift_left3A_260 : i32 to vector<32x128xi32>
      %shift_left3A_262 = arith.shli %xor3A_258, %shift_left3A_261 : vector<32x128xi32>
      %shift_right_logical3A_263 = arith.constant 26 : i32
      %shift_right_logical3A_264 = vector.broadcast %shift_right_logical3A_263 : i32 to vector<32x128xi32>
      %shift_right_logical3A_265 = arith.shrui %xor3A_258, %shift_right_logical3A_264 : vector<32x128xi32>
      %or3A_266 = arith.ori %shift_left3A_262, %shift_right_logical3A_265 : vector<32x128xi32>
      %xor3A_267 = arith.xori %add3A_259, %or3A_266 : vector<32x128xi32>
      %add3A_268 = vector.broadcast %xor3A_58 : i32 to vector<32x128xi32>
      %add3A_269 = arith.addi %add3A_259, %add3A_268 : vector<32x128xi32>
      %add3A_270 = vector.broadcast %get3A_0 : i32 to vector<32x128xi32>
      %add3A_271 = arith.addi %xor3A_267, %add3A_270 : vector<32x128xi32>
      %add3A_272 = arith.constant 5 : i32
      %add3A_273 = vector.broadcast %add3A_272 : i32 to vector<32x128xi32>
      %add3A_274 = arith.addi %add3A_271, %add3A_273 : vector<32x128xi32>
      %xor3A_275 = arith.xori %add3A_269, %add3A_274 : vector<32x128xi32>
      %shift_right_logical3A_276 = arith.constant 9 : i32
      %shift_right_logical3A_277 = vector.broadcast %shift_right_logical3A_276 : i32 to vector<32x128xi32>
      %shift_right_logical3A_278 = arith.shrui %xor3A_275, %shift_right_logical3A_277 : vector<32x128xi32>
      %or3A_279 = arith.constant 1065353216 : i32
      %or3A_280 = vector.broadcast %or3A_279 : i32 to vector<32x128xi32>
      %or3A_281 = arith.ori %shift_right_logical3A_278, %or3A_280 : vector<32x128xi32>
      %bitcast_convert_type3A = tpu.bitcast %or3A_281 : vector<32x128xi32> -> vector<32x128xf32>
      %sub3A = arith.constant 1.000000e+00 : f32
      %sub3A_282 = vector.broadcast %sub3A : f32 to vector<32x128xf32>
      %sub3A_283 = arith.subf %bitcast_convert_type3A, %sub3A_282 : vector<32x128xf32>
      %sub3A_284 = arith.constant 1.000000e+00 : f32
      %sub3A_285 = arith.constant 1.17549435E-38 : f32
      %sub3A_286 = arith.subf %sub3A_284, %sub3A_285 : f32
      %mul3A_287 = vector.broadcast %sub3A_286 : f32 to vector<32x128xf32>
      %mul3A_288 = arith.mulf %sub3A_283, %mul3A_287 : vector<32x128xf32>
      %add3A_289 = arith.constant 1.17549435E-38 : f32
      %add3A_290 = vector.broadcast %add3A_289 : f32 to vector<32x128xf32>
      %add3A_291 = arith.addf %mul3A_288, %add3A_290 : vector<32x128xf32>
      %max3A = arith.constant 1.17549435E-38 : f32
      %max3A_292 = vector.broadcast %max3A : f32 to vector<32x128xf32>
      %max3A_293 = arith.maximumf %max3A_292, %add3A_291 : vector<32x128xf32>
      %log3A = math.log %max3A_293 : vector<32x128xf32>
      %neg3A = arith.constant 0.000000e+00 : f32
      %neg3A_294 = vector.broadcast %neg3A : f32 to vector<32x128xf32>
      %neg3A_295 = arith.subf %neg3A_294, %log3A : vector<32x128xf32>
      %log3A_296 = math.log %neg3A_295 : vector<32x128xf32>
      %neg3A_297 = arith.constant 0.000000e+00 : f32
      %neg3A_298 = vector.broadcast %neg3A_297 : f32 to vector<32x128xf32>
      %neg3A_299 = arith.subf %neg3A_298, %log3A_296 : vector<32x128xf32>
      %add3A_300 = arith.addf %neg3A_299, %broadcast_in_dim3A_52 : vector<32x128xf32>
      %gt3A = arith.cmpf ogt, %add3A_300, %scan3A_39 : vector<32x128xf32>
      %select_n3A_301 = arith.select %gt3A, %add3A_300, %scan3A_39 : vector<32x128xi1>, vector<32x128xf32>
      %add3A_302 = vector.broadcast %mul3A_47 : i32 to vector<32x128xi32>
      %add3A_303 = arith.addi %iota3A_10, %add3A_302 : vector<32x128xi32>
      %select_n3A_304 = arith.select %gt3A, %add3A_303, %scan3A_40 : vector<32x128xi1>, vector<32x128xi32>
      %select_n3A_305 = arith.select %gt3A, %broadcast_in_dim3A_52, %scan3A_41 : vector<32x128xi1>, vector<32x128xf32>
      %mul3A_306 = arith.constant 4 : i32
      %mul3A_307 = arith.muli %scan3A_38, %mul3A_306 : i32
      %add3A_308 = arith.constant 1 : i32
      %add3A_309 = arith.addi %mul3A_307, %add3A_308 : i32
      %mul3A_310 = arith.constant 128 : i32
      %mul3A_311 = arith.muli %add3A_309, %mul3A_310 : i32
      %get3A_312 = arith.index_cast %add3A_309 : i32 to index
      %get3A_313 = arith.constant 0 : index
      %get3A_314 = vector.load %arg2[%get3A_312, %get3A_313] : memref<256x128xf32, #tpu.memory_space<vmem>>, vector<1x128xf32>
      %broadcast_in_dim3A_315 = vector.shape_cast %get3A_314 : vector<1x128xf32> to vector<1x128xf32>
      %broadcast_in_dim3A_316 = vector.broadcast %broadcast_in_dim3A_315 : vector<1x128xf32> to vector<32x128xf32>
      %add3A_317 = vector.broadcast %mul3A_311 : i32 to vector<32x128xi32>
      %add3A_318 = arith.addi %add3A_9, %add3A_317 : vector<32x128xi32>
      %broadcast_in_dim3A_319 = arith.constant 0 : i32
      %broadcast_in_dim3A_320 = vector.broadcast %broadcast_in_dim3A_319 : i32 to vector<32x128xi32>
      %xor3A_321 = arith.xori %get3A_0, %get3A_2 : i32
      %xor3A_322 = arith.constant 466688986 : i32
      %xor3A_323 = arith.xori %xor3A_321, %xor3A_322 : i32
      %add3A_324 = vector.broadcast %get3A_0 : i32 to vector<32x128xi32>
      %add3A_325 = arith.addi %broadcast_in_dim3A_320, %add3A_324 : vector<32x128xi32>
      %add3A_326 = vector.broadcast %get3A_2 : i32 to vector<32x128xi32>
      %add3A_327 = arith.addi %add3A_318, %add3A_326 : vector<32x128xi32>
      %add3A_328 = arith.addi %add3A_325, %add3A_327 : vector<32x128xi32>
      %shift_left3A_329 = arith.constant 13 : i32
      %shift_left3A_330 = vector.broadcast %shift_left3A_329 : i32 to vector<32x128xi32>
      %shift_left3A_331 = arith.shli %add3A_327, %shift_left3A_330 : vector<32x128xi32>
      %shift_right_logical3A_332 = arith.constant 19 : i32
      %shift_right_logical3A_333 = vector.broadcast %shift_right_logical3A_332 : i32 to vector<32x128xi32>
      %shift_right_logical3A_334 = arith.shrui %add3A_327, %shift_right_logical3A_333 : vector<32x128xi32>
      %or3A_335 = arith.ori %shift_left3A_331, %shift_right_logical3A_334 : vector<32x128xi32>
      %xor3A_336 = arith.xori %add3A_328, %or3A_335 : vector<32x128xi32>
      %add3A_337 = arith.addi %add3A_328, %xor3A_336 : vector<32x128xi32>
      %shift_left3A_338 = arith.constant 15 : i32
      %shift_left3A_339 = vector.broadcast %shift_left3A_338 : i32 to vector<32x128xi32>
      %shift_left3A_340 = arith.shli %xor3A_336, %shift_left3A_339 : vector<32x128xi32>
      %shift_right_logical3A_341 = arith.constant 17 : i32
      %shift_right_logical3A_342 = vector.broadcast %shift_right_logical3A_341 : i32 to vector<32x128xi32>
      %shift_right_logical3A_343 = arith.shrui %xor3A_336, %shift_right_logical3A_342 : vector<32x128xi32>
      %or3A_344 = arith.ori %shift_left3A_340, %shift_right_logical3A_343 : vector<32x128xi32>
      %xor3A_345 = arith.xori %add3A_337, %or3A_344 : vector<32x128xi32>
      %add3A_346 = arith.addi %add3A_337, %xor3A_345 : vector<32x128xi32>
      %shift_left3A_347 = arith.constant 26 : i32
      %shift_left3A_348 = vector.broadcast %shift_left3A_347 : i32 to vector<32x128xi32>
      %shift_left3A_349 = arith.shli %xor3A_345, %shift_left3A_348 : vector<32x128xi32>
      %shift_right_logical3A_350 = arith.constant 6 : i32
      %shift_right_logical3A_351 = vector.broadcast %shift_right_logical3A_350 : i32 to vector<32x128xi32>
      %shift_right_logical3A_352 = arith.shrui %xor3A_345, %shift_right_logical3A_351 : vector<32x128xi32>
      %or3A_353 = arith.ori %shift_left3A_349, %shift_right_logical3A_352 : vector<32x128xi32>
      %xor3A_354 = arith.xori %add3A_346, %or3A_353 : vector<32x128xi32>
      %add3A_355 = arith.addi %add3A_346, %xor3A_354 : vector<32x128xi32>
      %shift_left3A_356 = arith.constant 6 : i32
      %shift_left3A_357 = vector.broadcast %shift_left3A_356 : i32 to vector<32x128xi32>
      %shift_left3A_358 = arith.shli %xor3A_354, %shift_left3A_357 : vector<32x128xi32>
      %shift_right_logical3A_359 = arith.constant 26 : i32
      %shift_right_logical3A_360 = vector.broadcast %shift_right_logical3A_359 : i32 to vector<32x128xi32>
      %shift_right_logical3A_361 = arith.shrui %xor3A_354, %shift_right_logical3A_360 : vector<32x128xi32>
      %or3A_362 = arith.ori %shift_left3A_358, %shift_right_logical3A_361 : vector<32x128xi32>
      %xor3A_363 = arith.xori %add3A_355, %or3A_362 : vector<32x128xi32>
      %add3A_364 = vector.broadcast %get3A_2 : i32 to vector<32x128xi32>
      %add3A_365 = arith.addi %add3A_355, %add3A_364 : vector<32x128xi32>
      %add3A_366 = vector.broadcast %xor3A_323 : i32 to vector<32x128xi32>
      %add3A_367 = arith.addi %xor3A_363, %add3A_366 : vector<32x128xi32>
      %add3A_368 = arith.constant 1 : i32
      %add3A_369 = vector.broadcast %add3A_368 : i32 to vector<32x128xi32>
      %add3A_370 = arith.addi %add3A_367, %add3A_369 : vector<32x128xi32>
      %add3A_371 = arith.addi %add3A_365, %add3A_370 : vector<32x128xi32>
      %shift_left3A_372 = arith.constant 17 : i32
      %shift_left3A_373 = vector.broadcast %shift_left3A_372 : i32 to vector<32x128xi32>
      %shift_left3A_374 = arith.shli %add3A_370, %shift_left3A_373 : vector<32x128xi32>
      %shift_right_logical3A_375 = arith.constant 15 : i32
      %shift_right_logical3A_376 = vector.broadcast %shift_right_logical3A_375 : i32 to vector<32x128xi32>
      %shift_right_logical3A_377 = arith.shrui %add3A_370, %shift_right_logical3A_376 : vector<32x128xi32>
      %or3A_378 = arith.ori %shift_left3A_374, %shift_right_logical3A_377 : vector<32x128xi32>
      %xor3A_379 = arith.xori %add3A_371, %or3A_378 : vector<32x128xi32>
      %add3A_380 = arith.addi %add3A_371, %xor3A_379 : vector<32x128xi32>
      %shift_left3A_381 = arith.constant 29 : i32
      %shift_left3A_382 = vector.broadcast %shift_left3A_381 : i32 to vector<32x128xi32>
      %shift_left3A_383 = arith.shli %xor3A_379, %shift_left3A_382 : vector<32x128xi32>
      %shift_right_logical3A_384 = arith.constant 3 : i32
      %shift_right_logical3A_385 = vector.broadcast %shift_right_logical3A_384 : i32 to vector<32x128xi32>
      %shift_right_logical3A_386 = arith.shrui %xor3A_379, %shift_right_logical3A_385 : vector<32x128xi32>
      %or3A_387 = arith.ori %shift_left3A_383, %shift_right_logical3A_386 : vector<32x128xi32>
      %xor3A_388 = arith.xori %add3A_380, %or3A_387 : vector<32x128xi32>
      %add3A_389 = arith.addi %add3A_380, %xor3A_388 : vector<32x128xi32>
      %shift_left3A_390 = arith.constant 16 : i32
      %shift_left3A_391 = vector.broadcast %shift_left3A_390 : i32 to vector<32x128xi32>
      %shift_left3A_392 = arith.shli %xor3A_388, %shift_left3A_391 : vector<32x128xi32>
      %shift_right_logical3A_393 = arith.constant 16 : i32
      %shift_right_logical3A_394 = vector.broadcast %shift_right_logical3A_393 : i32 to vector<32x128xi32>
      %shift_right_logical3A_395 = arith.shrui %xor3A_388, %shift_right_logical3A_394 : vector<32x128xi32>
      %or3A_396 = arith.ori %shift_left3A_392, %shift_right_logical3A_395 : vector<32x128xi32>
      %xor3A_397 = arith.xori %add3A_389, %or3A_396 : vector<32x128xi32>
      %add3A_398 = arith.addi %add3A_389, %xor3A_397 : vector<32x128xi32>
      %shift_left3A_399 = arith.constant 24 : i32
      %shift_left3A_400 = vector.broadcast %shift_left3A_399 : i32 to vector<32x128xi32>
      %shift_left3A_401 = arith.shli %xor3A_397, %shift_left3A_400 : vector<32x128xi32>
      %shift_right_logical3A_402 = arith.constant 8 : i32
      %shift_right_logical3A_403 = vector.broadcast %shift_right_logical3A_402 : i32 to vector<32x128xi32>
      %shift_right_logical3A_404 = arith.shrui %xor3A_397, %shift_right_logical3A_403 : vector<32x128xi32>
      %or3A_405 = arith.ori %shift_left3A_401, %shift_right_logical3A_404 : vector<32x128xi32>
      %xor3A_406 = arith.xori %add3A_398, %or3A_405 : vector<32x128xi32>
      %add3A_407 = vector.broadcast %xor3A_323 : i32 to vector<32x128xi32>
      %add3A_408 = arith.addi %add3A_398, %add3A_407 : vector<32x128xi32>
      %add3A_409 = vector.broadcast %get3A_0 : i32 to vector<32x128xi32>
      %add3A_410 = arith.addi %xor3A_406, %add3A_409 : vector<32x128xi32>
      %add3A_411 = arith.constant 2 : i32
      %add3A_412 = vector.broadcast %add3A_411 : i32 to vector<32x128xi32>
      %add3A_413 = arith.addi %add3A_410, %add3A_412 : vector<32x128xi32>
      %add3A_414 = arith.addi %add3A_408, %add3A_413 : vector<32x128xi32>
      %shift_left3A_415 = arith.constant 13 : i32
      %shift_left3A_416 = vector.broadcast %shift_left3A_415 : i32 to vector<32x128xi32>
      %shift_left3A_417 = arith.shli %add3A_413, %shift_left3A_416 : vector<32x128xi32>
      %shift_right_logical3A_418 = arith.constant 19 : i32
      %shift_right_logical3A_419 = vector.broadcast %shift_right_logical3A_418 : i32 to vector<32x128xi32>
      %shift_right_logical3A_420 = arith.shrui %add3A_413, %shift_right_logical3A_419 : vector<32x128xi32>
      %or3A_421 = arith.ori %shift_left3A_417, %shift_right_logical3A_420 : vector<32x128xi32>
      %xor3A_422 = arith.xori %add3A_414, %or3A_421 : vector<32x128xi32>
      %add3A_423 = arith.addi %add3A_414, %xor3A_422 : vector<32x128xi32>
      %shift_left3A_424 = arith.constant 15 : i32
      %shift_left3A_425 = vector.broadcast %shift_left3A_424 : i32 to vector<32x128xi32>
      %shift_left3A_426 = arith.shli %xor3A_422, %shift_left3A_425 : vector<32x128xi32>
      %shift_right_logical3A_427 = arith.constant 17 : i32
      %shift_right_logical3A_428 = vector.broadcast %shift_right_logical3A_427 : i32 to vector<32x128xi32>
      %shift_right_logical3A_429 = arith.shrui %xor3A_422, %shift_right_logical3A_428 : vector<32x128xi32>
      %or3A_430 = arith.ori %shift_left3A_426, %shift_right_logical3A_429 : vector<32x128xi32>
      %xor3A_431 = arith.xori %add3A_423, %or3A_430 : vector<32x128xi32>
      %add3A_432 = arith.addi %add3A_423, %xor3A_431 : vector<32x128xi32>
      %shift_left3A_433 = arith.constant 26 : i32
      %shift_left3A_434 = vector.broadcast %shift_left3A_433 : i32 to vector<32x128xi32>
      %shift_left3A_435 = arith.shli %xor3A_431, %shift_left3A_434 : vector<32x128xi32>
      %shift_right_logical3A_436 = arith.constant 6 : i32
      %shift_right_logical3A_437 = vector.broadcast %shift_right_logical3A_436 : i32 to vector<32x128xi32>
      %shift_right_logical3A_438 = arith.shrui %xor3A_431, %shift_right_logical3A_437 : vector<32x128xi32>
      %or3A_439 = arith.ori %shift_left3A_435, %shift_right_logical3A_438 : vector<32x128xi32>
      %xor3A_440 = arith.xori %add3A_432, %or3A_439 : vector<32x128xi32>
      %add3A_441 = arith.addi %add3A_432, %xor3A_440 : vector<32x128xi32>
      %shift_left3A_442 = arith.constant 6 : i32
      %shift_left3A_443 = vector.broadcast %shift_left3A_442 : i32 to vector<32x128xi32>
      %shift_left3A_444 = arith.shli %xor3A_440, %shift_left3A_443 : vector<32x128xi32>
      %shift_right_logical3A_445 = arith.constant 26 : i32
      %shift_right_logical3A_446 = vector.broadcast %shift_right_logical3A_445 : i32 to vector<32x128xi32>
      %shift_right_logical3A_447 = arith.shrui %xor3A_440, %shift_right_logical3A_446 : vector<32x128xi32>
      %or3A_448 = arith.ori %shift_left3A_444, %shift_right_logical3A_447 : vector<32x128xi32>
      %xor3A_449 = arith.xori %add3A_441, %or3A_448 : vector<32x128xi32>
      %add3A_450 = vector.broadcast %get3A_0 : i32 to vector<32x128xi32>
      %add3A_451 = arith.addi %add3A_441, %add3A_450 : vector<32x128xi32>
      %add3A_452 = vector.broadcast %get3A_2 : i32 to vector<32x128xi32>
      %add3A_453 = arith.addi %xor3A_449, %add3A_452 : vector<32x128xi32>
      %add3A_454 = arith.constant 3 : i32
      %add3A_455 = vector.broadcast %add3A_454 : i32 to vector<32x128xi32>
      %add3A_456 = arith.addi %add3A_453, %add3A_455 : vector<32x128xi32>
      %add3A_457 = arith.addi %add3A_451, %add3A_456 : vector<32x128xi32>
      %shift_left3A_458 = arith.constant 17 : i32
      %shift_left3A_459 = vector.broadcast %shift_left3A_458 : i32 to vector<32x128xi32>
      %shift_left3A_460 = arith.shli %add3A_456, %shift_left3A_459 : vector<32x128xi32>
      %shift_right_logical3A_461 = arith.constant 15 : i32
      %shift_right_logical3A_462 = vector.broadcast %shift_right_logical3A_461 : i32 to vector<32x128xi32>
      %shift_right_logical3A_463 = arith.shrui %add3A_456, %shift_right_logical3A_462 : vector<32x128xi32>
      %or3A_464 = arith.ori %shift_left3A_460, %shift_right_logical3A_463 : vector<32x128xi32>
      %xor3A_465 = arith.xori %add3A_457, %or3A_464 : vector<32x128xi32>
      %add3A_466 = arith.addi %add3A_457, %xor3A_465 : vector<32x128xi32>
      %shift_left3A_467 = arith.constant 29 : i32
      %shift_left3A_468 = vector.broadcast %shift_left3A_467 : i32 to vector<32x128xi32>
      %shift_left3A_469 = arith.shli %xor3A_465, %shift_left3A_468 : vector<32x128xi32>
      %shift_right_logical3A_470 = arith.constant 3 : i32
      %shift_right_logical3A_471 = vector.broadcast %shift_right_logical3A_470 : i32 to vector<32x128xi32>
      %shift_right_logical3A_472 = arith.shrui %xor3A_465, %shift_right_logical3A_471 : vector<32x128xi32>
      %or3A_473 = arith.ori %shift_left3A_469, %shift_right_logical3A_472 : vector<32x128xi32>
      %xor3A_474 = arith.xori %add3A_466, %or3A_473 : vector<32x128xi32>
      %add3A_475 = arith.addi %add3A_466, %xor3A_474 : vector<32x128xi32>
      %shift_left3A_476 = arith.constant 16 : i32
      %shift_left3A_477 = vector.broadcast %shift_left3A_476 : i32 to vector<32x128xi32>
      %shift_left3A_478 = arith.shli %xor3A_474, %shift_left3A_477 : vector<32x128xi32>
      %shift_right_logical3A_479 = arith.constant 16 : i32
      %shift_right_logical3A_480 = vector.broadcast %shift_right_logical3A_479 : i32 to vector<32x128xi32>
      %shift_right_logical3A_481 = arith.shrui %xor3A_474, %shift_right_logical3A_480 : vector<32x128xi32>
      %or3A_482 = arith.ori %shift_left3A_478, %shift_right_logical3A_481 : vector<32x128xi32>
      %xor3A_483 = arith.xori %add3A_475, %or3A_482 : vector<32x128xi32>
      %add3A_484 = arith.addi %add3A_475, %xor3A_483 : vector<32x128xi32>
      %shift_left3A_485 = arith.constant 24 : i32
      %shift_left3A_486 = vector.broadcast %shift_left3A_485 : i32 to vector<32x128xi32>
      %shift_left3A_487 = arith.shli %xor3A_483, %shift_left3A_486 : vector<32x128xi32>
      %shift_right_logical3A_488 = arith.constant 8 : i32
      %shift_right_logical3A_489 = vector.broadcast %shift_right_logical3A_488 : i32 to vector<32x128xi32>
      %shift_right_logical3A_490 = arith.shrui %xor3A_483, %shift_right_logical3A_489 : vector<32x128xi32>
      %or3A_491 = arith.ori %shift_left3A_487, %shift_right_logical3A_490 : vector<32x128xi32>
      %xor3A_492 = arith.xori %add3A_484, %or3A_491 : vector<32x128xi32>
      %add3A_493 = vector.broadcast %get3A_2 : i32 to vector<32x128xi32>
      %add3A_494 = arith.addi %add3A_484, %add3A_493 : vector<32x128xi32>
      %add3A_495 = vector.broadcast %xor3A_323 : i32 to vector<32x128xi32>
      %add3A_496 = arith.addi %xor3A_492, %add3A_495 : vector<32x128xi32>
      %add3A_497 = arith.constant 4 : i32
      %add3A_498 = vector.broadcast %add3A_497 : i32 to vector<32x128xi32>
      %add3A_499 = arith.addi %add3A_496, %add3A_498 : vector<32x128xi32>
      %add3A_500 = arith.addi %add3A_494, %add3A_499 : vector<32x128xi32>
      %shift_left3A_501 = arith.constant 13 : i32
      %shift_left3A_502 = vector.broadcast %shift_left3A_501 : i32 to vector<32x128xi32>
      %shift_left3A_503 = arith.shli %add3A_499, %shift_left3A_502 : vector<32x128xi32>
      %shift_right_logical3A_504 = arith.constant 19 : i32
      %shift_right_logical3A_505 = vector.broadcast %shift_right_logical3A_504 : i32 to vector<32x128xi32>
      %shift_right_logical3A_506 = arith.shrui %add3A_499, %shift_right_logical3A_505 : vector<32x128xi32>
      %or3A_507 = arith.ori %shift_left3A_503, %shift_right_logical3A_506 : vector<32x128xi32>
      %xor3A_508 = arith.xori %add3A_500, %or3A_507 : vector<32x128xi32>
      %add3A_509 = arith.addi %add3A_500, %xor3A_508 : vector<32x128xi32>
      %shift_left3A_510 = arith.constant 15 : i32
      %shift_left3A_511 = vector.broadcast %shift_left3A_510 : i32 to vector<32x128xi32>
      %shift_left3A_512 = arith.shli %xor3A_508, %shift_left3A_511 : vector<32x128xi32>
      %shift_right_logical3A_513 = arith.constant 17 : i32
      %shift_right_logical3A_514 = vector.broadcast %shift_right_logical3A_513 : i32 to vector<32x128xi32>
      %shift_right_logical3A_515 = arith.shrui %xor3A_508, %shift_right_logical3A_514 : vector<32x128xi32>
      %or3A_516 = arith.ori %shift_left3A_512, %shift_right_logical3A_515 : vector<32x128xi32>
      %xor3A_517 = arith.xori %add3A_509, %or3A_516 : vector<32x128xi32>
      %add3A_518 = arith.addi %add3A_509, %xor3A_517 : vector<32x128xi32>
      %shift_left3A_519 = arith.constant 26 : i32
      %shift_left3A_520 = vector.broadcast %shift_left3A_519 : i32 to vector<32x128xi32>
      %shift_left3A_521 = arith.shli %xor3A_517, %shift_left3A_520 : vector<32x128xi32>
      %shift_right_logical3A_522 = arith.constant 6 : i32
      %shift_right_logical3A_523 = vector.broadcast %shift_right_logical3A_522 : i32 to vector<32x128xi32>
      %shift_right_logical3A_524 = arith.shrui %xor3A_517, %shift_right_logical3A_523 : vector<32x128xi32>
      %or3A_525 = arith.ori %shift_left3A_521, %shift_right_logical3A_524 : vector<32x128xi32>
      %xor3A_526 = arith.xori %add3A_518, %or3A_525 : vector<32x128xi32>
      %add3A_527 = arith.addi %add3A_518, %xor3A_526 : vector<32x128xi32>
      %shift_left3A_528 = arith.constant 6 : i32
      %shift_left3A_529 = vector.broadcast %shift_left3A_528 : i32 to vector<32x128xi32>
      %shift_left3A_530 = arith.shli %xor3A_526, %shift_left3A_529 : vector<32x128xi32>
      %shift_right_logical3A_531 = arith.constant 26 : i32
      %shift_right_logical3A_532 = vector.broadcast %shift_right_logical3A_531 : i32 to vector<32x128xi32>
      %shift_right_logical3A_533 = arith.shrui %xor3A_526, %shift_right_logical3A_532 : vector<32x128xi32>
      %or3A_534 = arith.ori %shift_left3A_530, %shift_right_logical3A_533 : vector<32x128xi32>
      %xor3A_535 = arith.xori %add3A_527, %or3A_534 : vector<32x128xi32>
      %add3A_536 = vector.broadcast %xor3A_323 : i32 to vector<32x128xi32>
      %add3A_537 = arith.addi %add3A_527, %add3A_536 : vector<32x128xi32>
      %add3A_538 = vector.broadcast %get3A_0 : i32 to vector<32x128xi32>
      %add3A_539 = arith.addi %xor3A_535, %add3A_538 : vector<32x128xi32>
      %add3A_540 = arith.constant 5 : i32
      %add3A_541 = vector.broadcast %add3A_540 : i32 to vector<32x128xi32>
      %add3A_542 = arith.addi %add3A_539, %add3A_541 : vector<32x128xi32>
      %xor3A_543 = arith.xori %add3A_537, %add3A_542 : vector<32x128xi32>
      %shift_right_logical3A_544 = arith.constant 9 : i32
      %shift_right_logical3A_545 = vector.broadcast %shift_right_logical3A_544 : i32 to vector<32x128xi32>
      %shift_right_logical3A_546 = arith.shrui %xor3A_543, %shift_right_logical3A_545 : vector<32x128xi32>
      %or3A_547 = arith.constant 1065353216 : i32
      %or3A_548 = vector.broadcast %or3A_547 : i32 to vector<32x128xi32>
      %or3A_549 = arith.ori %shift_right_logical3A_546, %or3A_548 : vector<32x128xi32>
      %bitcast_convert_type3A_550 = tpu.bitcast %or3A_549 : vector<32x128xi32> -> vector<32x128xf32>
      %sub3A_551 = arith.constant 1.000000e+00 : f32
      %sub3A_552 = vector.broadcast %sub3A_551 : f32 to vector<32x128xf32>
      %sub3A_553 = arith.subf %bitcast_convert_type3A_550, %sub3A_552 : vector<32x128xf32>
      %sub3A_554 = arith.constant 1.000000e+00 : f32
      %sub3A_555 = arith.constant 1.17549435E-38 : f32
      %sub3A_556 = arith.subf %sub3A_554, %sub3A_555 : f32
      %mul3A_557 = vector.broadcast %sub3A_556 : f32 to vector<32x128xf32>
      %mul3A_558 = arith.mulf %sub3A_553, %mul3A_557 : vector<32x128xf32>
      %add3A_559 = arith.constant 1.17549435E-38 : f32
      %add3A_560 = vector.broadcast %add3A_559 : f32 to vector<32x128xf32>
      %add3A_561 = arith.addf %mul3A_558, %add3A_560 : vector<32x128xf32>
      %max3A_562 = arith.constant 1.17549435E-38 : f32
      %max3A_563 = vector.broadcast %max3A_562 : f32 to vector<32x128xf32>
      %max3A_564 = arith.maximumf %max3A_563, %add3A_561 : vector<32x128xf32>
      %log3A_565 = math.log %max3A_564 : vector<32x128xf32>
      %neg3A_566 = arith.constant 0.000000e+00 : f32
      %neg3A_567 = vector.broadcast %neg3A_566 : f32 to vector<32x128xf32>
      %neg3A_568 = arith.subf %neg3A_567, %log3A_565 : vector<32x128xf32>
      %log3A_569 = math.log %neg3A_568 : vector<32x128xf32>
      %neg3A_570 = arith.constant 0.000000e+00 : f32
      %neg3A_571 = vector.broadcast %neg3A_570 : f32 to vector<32x128xf32>
      %neg3A_572 = arith.subf %neg3A_571, %log3A_569 : vector<32x128xf32>
      %add3A_573 = arith.addf %neg3A_572, %broadcast_in_dim3A_316 : vector<32x128xf32>
      %gt3A_574 = arith.cmpf ogt, %add3A_573, %select_n3A_301 : vector<32x128xf32>
      %select_n3A_575 = arith.select %gt3A_574, %add3A_573, %select_n3A_301 : vector<32x128xi1>, vector<32x128xf32>
      %add3A_576 = vector.broadcast %mul3A_311 : i32 to vector<32x128xi32>
      %add3A_577 = arith.addi %iota3A_10, %add3A_576 : vector<32x128xi32>
      %select_n3A_578 = arith.select %gt3A_574, %add3A_577, %select_n3A_304 : vector<32x128xi1>, vector<32x128xi32>
      %select_n3A_579 = arith.select %gt3A_574, %broadcast_in_dim3A_316, %select_n3A_305 : vector<32x128xi1>, vector<32x128xf32>
      %mul3A_580 = arith.constant 4 : i32
      %mul3A_581 = arith.muli %scan3A_38, %mul3A_580 : i32
      %add3A_582 = arith.constant 2 : i32
      %add3A_583 = arith.addi %mul3A_581, %add3A_582 : i32
      %mul3A_584 = arith.constant 128 : i32
      %mul3A_585 = arith.muli %add3A_583, %mul3A_584 : i32
      %get3A_586 = arith.index_cast %add3A_583 : i32 to index
      %get3A_587 = arith.constant 0 : index
      %get3A_588 = vector.load %arg2[%get3A_586, %get3A_587] : memref<256x128xf32, #tpu.memory_space<vmem>>, vector<1x128xf32>
      %broadcast_in_dim3A_589 = vector.shape_cast %get3A_588 : vector<1x128xf32> to vector<1x128xf32>
      %broadcast_in_dim3A_590 = vector.broadcast %broadcast_in_dim3A_589 : vector<1x128xf32> to vector<32x128xf32>
      %add3A_591 = vector.broadcast %mul3A_585 : i32 to vector<32x128xi32>
      %add3A_592 = arith.addi %add3A_9, %add3A_591 : vector<32x128xi32>
      %broadcast_in_dim3A_593 = arith.constant 0 : i32
      %broadcast_in_dim3A_594 = vector.broadcast %broadcast_in_dim3A_593 : i32 to vector<32x128xi32>
      %xor3A_595 = arith.xori %get3A_0, %get3A_2 : i32
      %xor3A_596 = arith.constant 466688986 : i32
      %xor3A_597 = arith.xori %xor3A_595, %xor3A_596 : i32
      %add3A_598 = vector.broadcast %get3A_0 : i32 to vector<32x128xi32>
      %add3A_599 = arith.addi %broadcast_in_dim3A_594, %add3A_598 : vector<32x128xi32>
      %add3A_600 = vector.broadcast %get3A_2 : i32 to vector<32x128xi32>
      %add3A_601 = arith.addi %add3A_592, %add3A_600 : vector<32x128xi32>
      %add3A_602 = arith.addi %add3A_599, %add3A_601 : vector<32x128xi32>
      %shift_left3A_603 = arith.constant 13 : i32
      %shift_left3A_604 = vector.broadcast %shift_left3A_603 : i32 to vector<32x128xi32>
      %shift_left3A_605 = arith.shli %add3A_601, %shift_left3A_604 : vector<32x128xi32>
      %shift_right_logical3A_606 = arith.constant 19 : i32
      %shift_right_logical3A_607 = vector.broadcast %shift_right_logical3A_606 : i32 to vector<32x128xi32>
      %shift_right_logical3A_608 = arith.shrui %add3A_601, %shift_right_logical3A_607 : vector<32x128xi32>
      %or3A_609 = arith.ori %shift_left3A_605, %shift_right_logical3A_608 : vector<32x128xi32>
      %xor3A_610 = arith.xori %add3A_602, %or3A_609 : vector<32x128xi32>
      %add3A_611 = arith.addi %add3A_602, %xor3A_610 : vector<32x128xi32>
      %shift_left3A_612 = arith.constant 15 : i32
      %shift_left3A_613 = vector.broadcast %shift_left3A_612 : i32 to vector<32x128xi32>
      %shift_left3A_614 = arith.shli %xor3A_610, %shift_left3A_613 : vector<32x128xi32>
      %shift_right_logical3A_615 = arith.constant 17 : i32
      %shift_right_logical3A_616 = vector.broadcast %shift_right_logical3A_615 : i32 to vector<32x128xi32>
      %shift_right_logical3A_617 = arith.shrui %xor3A_610, %shift_right_logical3A_616 : vector<32x128xi32>
      %or3A_618 = arith.ori %shift_left3A_614, %shift_right_logical3A_617 : vector<32x128xi32>
      %xor3A_619 = arith.xori %add3A_611, %or3A_618 : vector<32x128xi32>
      %add3A_620 = arith.addi %add3A_611, %xor3A_619 : vector<32x128xi32>
      %shift_left3A_621 = arith.constant 26 : i32
      %shift_left3A_622 = vector.broadcast %shift_left3A_621 : i32 to vector<32x128xi32>
      %shift_left3A_623 = arith.shli %xor3A_619, %shift_left3A_622 : vector<32x128xi32>
      %shift_right_logical3A_624 = arith.constant 6 : i32
      %shift_right_logical3A_625 = vector.broadcast %shift_right_logical3A_624 : i32 to vector<32x128xi32>
      %shift_right_logical3A_626 = arith.shrui %xor3A_619, %shift_right_logical3A_625 : vector<32x128xi32>
      %or3A_627 = arith.ori %shift_left3A_623, %shift_right_logical3A_626 : vector<32x128xi32>
      %xor3A_628 = arith.xori %add3A_620, %or3A_627 : vector<32x128xi32>
      %add3A_629 = arith.addi %add3A_620, %xor3A_628 : vector<32x128xi32>
      %shift_left3A_630 = arith.constant 6 : i32
      %shift_left3A_631 = vector.broadcast %shift_left3A_630 : i32 to vector<32x128xi32>
      %shift_left3A_632 = arith.shli %xor3A_628, %shift_left3A_631 : vector<32x128xi32>
      %shift_right_logical3A_633 = arith.constant 26 : i32
      %shift_right_logical3A_634 = vector.broadcast %shift_right_logical3A_633 : i32 to vector<32x128xi32>
      %shift_right_logical3A_635 = arith.shrui %xor3A_628, %shift_right_logical3A_634 : vector<32x128xi32>
      %or3A_636 = arith.ori %shift_left3A_632, %shift_right_logical3A_635 : vector<32x128xi32>
      %xor3A_637 = arith.xori %add3A_629, %or3A_636 : vector<32x128xi32>
      %add3A_638 = vector.broadcast %get3A_2 : i32 to vector<32x128xi32>
      %add3A_639 = arith.addi %add3A_629, %add3A_638 : vector<32x128xi32>
      %add3A_640 = vector.broadcast %xor3A_597 : i32 to vector<32x128xi32>
      %add3A_641 = arith.addi %xor3A_637, %add3A_640 : vector<32x128xi32>
      %add3A_642 = arith.constant 1 : i32
      %add3A_643 = vector.broadcast %add3A_642 : i32 to vector<32x128xi32>
      %add3A_644 = arith.addi %add3A_641, %add3A_643 : vector<32x128xi32>
      %add3A_645 = arith.addi %add3A_639, %add3A_644 : vector<32x128xi32>
      %shift_left3A_646 = arith.constant 17 : i32
      %shift_left3A_647 = vector.broadcast %shift_left3A_646 : i32 to vector<32x128xi32>
      %shift_left3A_648 = arith.shli %add3A_644, %shift_left3A_647 : vector<32x128xi32>
      %shift_right_logical3A_649 = arith.constant 15 : i32
      %shift_right_logical3A_650 = vector.broadcast %shift_right_logical3A_649 : i32 to vector<32x128xi32>
      %shift_right_logical3A_651 = arith.shrui %add3A_644, %shift_right_logical3A_650 : vector<32x128xi32>
      %or3A_652 = arith.ori %shift_left3A_648, %shift_right_logical3A_651 : vector<32x128xi32>
      %xor3A_653 = arith.xori %add3A_645, %or3A_652 : vector<32x128xi32>
      %add3A_654 = arith.addi %add3A_645, %xor3A_653 : vector<32x128xi32>
      %shift_left3A_655 = arith.constant 29 : i32
      %shift_left3A_656 = vector.broadcast %shift_left3A_655 : i32 to vector<32x128xi32>
      %shift_left3A_657 = arith.shli %xor3A_653, %shift_left3A_656 : vector<32x128xi32>
      %shift_right_logical3A_658 = arith.constant 3 : i32
      %shift_right_logical3A_659 = vector.broadcast %shift_right_logical3A_658 : i32 to vector<32x128xi32>
      %shift_right_logical3A_660 = arith.shrui %xor3A_653, %shift_right_logical3A_659 : vector<32x128xi32>
      %or3A_661 = arith.ori %shift_left3A_657, %shift_right_logical3A_660 : vector<32x128xi32>
      %xor3A_662 = arith.xori %add3A_654, %or3A_661 : vector<32x128xi32>
      %add3A_663 = arith.addi %add3A_654, %xor3A_662 : vector<32x128xi32>
      %shift_left3A_664 = arith.constant 16 : i32
      %shift_left3A_665 = vector.broadcast %shift_left3A_664 : i32 to vector<32x128xi32>
      %shift_left3A_666 = arith.shli %xor3A_662, %shift_left3A_665 : vector<32x128xi32>
      %shift_right_logical3A_667 = arith.constant 16 : i32
      %shift_right_logical3A_668 = vector.broadcast %shift_right_logical3A_667 : i32 to vector<32x128xi32>
      %shift_right_logical3A_669 = arith.shrui %xor3A_662, %shift_right_logical3A_668 : vector<32x128xi32>
      %or3A_670 = arith.ori %shift_left3A_666, %shift_right_logical3A_669 : vector<32x128xi32>
      %xor3A_671 = arith.xori %add3A_663, %or3A_670 : vector<32x128xi32>
      %add3A_672 = arith.addi %add3A_663, %xor3A_671 : vector<32x128xi32>
      %shift_left3A_673 = arith.constant 24 : i32
      %shift_left3A_674 = vector.broadcast %shift_left3A_673 : i32 to vector<32x128xi32>
      %shift_left3A_675 = arith.shli %xor3A_671, %shift_left3A_674 : vector<32x128xi32>
      %shift_right_logical3A_676 = arith.constant 8 : i32
      %shift_right_logical3A_677 = vector.broadcast %shift_right_logical3A_676 : i32 to vector<32x128xi32>
      %shift_right_logical3A_678 = arith.shrui %xor3A_671, %shift_right_logical3A_677 : vector<32x128xi32>
      %or3A_679 = arith.ori %shift_left3A_675, %shift_right_logical3A_678 : vector<32x128xi32>
      %xor3A_680 = arith.xori %add3A_672, %or3A_679 : vector<32x128xi32>
      %add3A_681 = vector.broadcast %xor3A_597 : i32 to vector<32x128xi32>
      %add3A_682 = arith.addi %add3A_672, %add3A_681 : vector<32x128xi32>
      %add3A_683 = vector.broadcast %get3A_0 : i32 to vector<32x128xi32>
      %add3A_684 = arith.addi %xor3A_680, %add3A_683 : vector<32x128xi32>
      %add3A_685 = arith.constant 2 : i32
      %add3A_686 = vector.broadcast %add3A_685 : i32 to vector<32x128xi32>
      %add3A_687 = arith.addi %add3A_684, %add3A_686 : vector<32x128xi32>
      %add3A_688 = arith.addi %add3A_682, %add3A_687 : vector<32x128xi32>
      %shift_left3A_689 = arith.constant 13 : i32
      %shift_left3A_690 = vector.broadcast %shift_left3A_689 : i32 to vector<32x128xi32>
      %shift_left3A_691 = arith.shli %add3A_687, %shift_left3A_690 : vector<32x128xi32>
      %shift_right_logical3A_692 = arith.constant 19 : i32
      %shift_right_logical3A_693 = vector.broadcast %shift_right_logical3A_692 : i32 to vector<32x128xi32>
      %shift_right_logical3A_694 = arith.shrui %add3A_687, %shift_right_logical3A_693 : vector<32x128xi32>
      %or3A_695 = arith.ori %shift_left3A_691, %shift_right_logical3A_694 : vector<32x128xi32>
      %xor3A_696 = arith.xori %add3A_688, %or3A_695 : vector<32x128xi32>
      %add3A_697 = arith.addi %add3A_688, %xor3A_696 : vector<32x128xi32>
      %shift_left3A_698 = arith.constant 15 : i32
      %shift_left3A_699 = vector.broadcast %shift_left3A_698 : i32 to vector<32x128xi32>
      %shift_left3A_700 = arith.shli %xor3A_696, %shift_left3A_699 : vector<32x128xi32>
      %shift_right_logical3A_701 = arith.constant 17 : i32
      %shift_right_logical3A_702 = vector.broadcast %shift_right_logical3A_701 : i32 to vector<32x128xi32>
      %shift_right_logical3A_703 = arith.shrui %xor3A_696, %shift_right_logical3A_702 : vector<32x128xi32>
      %or3A_704 = arith.ori %shift_left3A_700, %shift_right_logical3A_703 : vector<32x128xi32>
      %xor3A_705 = arith.xori %add3A_697, %or3A_704 : vector<32x128xi32>
      %add3A_706 = arith.addi %add3A_697, %xor3A_705 : vector<32x128xi32>
      %shift_left3A_707 = arith.constant 26 : i32
      %shift_left3A_708 = vector.broadcast %shift_left3A_707 : i32 to vector<32x128xi32>
      %shift_left3A_709 = arith.shli %xor3A_705, %shift_left3A_708 : vector<32x128xi32>
      %shift_right_logical3A_710 = arith.constant 6 : i32
      %shift_right_logical3A_711 = vector.broadcast %shift_right_logical3A_710 : i32 to vector<32x128xi32>
      %shift_right_logical3A_712 = arith.shrui %xor3A_705, %shift_right_logical3A_711 : vector<32x128xi32>
      %or3A_713 = arith.ori %shift_left3A_709, %shift_right_logical3A_712 : vector<32x128xi32>
      %xor3A_714 = arith.xori %add3A_706, %or3A_713 : vector<32x128xi32>
      %add3A_715 = arith.addi %add3A_706, %xor3A_714 : vector<32x128xi32>
      %shift_left3A_716 = arith.constant 6 : i32
      %shift_left3A_717 = vector.broadcast %shift_left3A_716 : i32 to vector<32x128xi32>
      %shift_left3A_718 = arith.shli %xor3A_714, %shift_left3A_717 : vector<32x128xi32>
      %shift_right_logical3A_719 = arith.constant 26 : i32
      %shift_right_logical3A_720 = vector.broadcast %shift_right_logical3A_719 : i32 to vector<32x128xi32>
      %shift_right_logical3A_721 = arith.shrui %xor3A_714, %shift_right_logical3A_720 : vector<32x128xi32>
      %or3A_722 = arith.ori %shift_left3A_718, %shift_right_logical3A_721 : vector<32x128xi32>
      %xor3A_723 = arith.xori %add3A_715, %or3A_722 : vector<32x128xi32>
      %add3A_724 = vector.broadcast %get3A_0 : i32 to vector<32x128xi32>
      %add3A_725 = arith.addi %add3A_715, %add3A_724 : vector<32x128xi32>
      %add3A_726 = vector.broadcast %get3A_2 : i32 to vector<32x128xi32>
      %add3A_727 = arith.addi %xor3A_723, %add3A_726 : vector<32x128xi32>
      %add3A_728 = arith.constant 3 : i32
      %add3A_729 = vector.broadcast %add3A_728 : i32 to vector<32x128xi32>
      %add3A_730 = arith.addi %add3A_727, %add3A_729 : vector<32x128xi32>
      %add3A_731 = arith.addi %add3A_725, %add3A_730 : vector<32x128xi32>
      %shift_left3A_732 = arith.constant 17 : i32
      %shift_left3A_733 = vector.broadcast %shift_left3A_732 : i32 to vector<32x128xi32>
      %shift_left3A_734 = arith.shli %add3A_730, %shift_left3A_733 : vector<32x128xi32>
      %shift_right_logical3A_735 = arith.constant 15 : i32
      %shift_right_logical3A_736 = vector.broadcast %shift_right_logical3A_735 : i32 to vector<32x128xi32>
      %shift_right_logical3A_737 = arith.shrui %add3A_730, %shift_right_logical3A_736 : vector<32x128xi32>
      %or3A_738 = arith.ori %shift_left3A_734, %shift_right_logical3A_737 : vector<32x128xi32>
      %xor3A_739 = arith.xori %add3A_731, %or3A_738 : vector<32x128xi32>
      %add3A_740 = arith.addi %add3A_731, %xor3A_739 : vector<32x128xi32>
      %shift_left3A_741 = arith.constant 29 : i32
      %shift_left3A_742 = vector.broadcast %shift_left3A_741 : i32 to vector<32x128xi32>
      %shift_left3A_743 = arith.shli %xor3A_739, %shift_left3A_742 : vector<32x128xi32>
      %shift_right_logical3A_744 = arith.constant 3 : i32
      %shift_right_logical3A_745 = vector.broadcast %shift_right_logical3A_744 : i32 to vector<32x128xi32>
      %shift_right_logical3A_746 = arith.shrui %xor3A_739, %shift_right_logical3A_745 : vector<32x128xi32>
      %or3A_747 = arith.ori %shift_left3A_743, %shift_right_logical3A_746 : vector<32x128xi32>
      %xor3A_748 = arith.xori %add3A_740, %or3A_747 : vector<32x128xi32>
      %add3A_749 = arith.addi %add3A_740, %xor3A_748 : vector<32x128xi32>
      %shift_left3A_750 = arith.constant 16 : i32
      %shift_left3A_751 = vector.broadcast %shift_left3A_750 : i32 to vector<32x128xi32>
      %shift_left3A_752 = arith.shli %xor3A_748, %shift_left3A_751 : vector<32x128xi32>
      %shift_right_logical3A_753 = arith.constant 16 : i32
      %shift_right_logical3A_754 = vector.broadcast %shift_right_logical3A_753 : i32 to vector<32x128xi32>
      %shift_right_logical3A_755 = arith.shrui %xor3A_748, %shift_right_logical3A_754 : vector<32x128xi32>
      %or3A_756 = arith.ori %shift_left3A_752, %shift_right_logical3A_755 : vector<32x128xi32>
      %xor3A_757 = arith.xori %add3A_749, %or3A_756 : vector<32x128xi32>
      %add3A_758 = arith.addi %add3A_749, %xor3A_757 : vector<32x128xi32>
      %shift_left3A_759 = arith.constant 24 : i32
      %shift_left3A_760 = vector.broadcast %shift_left3A_759 : i32 to vector<32x128xi32>
      %shift_left3A_761 = arith.shli %xor3A_757, %shift_left3A_760 : vector<32x128xi32>
      %shift_right_logical3A_762 = arith.constant 8 : i32
      %shift_right_logical3A_763 = vector.broadcast %shift_right_logical3A_762 : i32 to vector<32x128xi32>
      %shift_right_logical3A_764 = arith.shrui %xor3A_757, %shift_right_logical3A_763 : vector<32x128xi32>
      %or3A_765 = arith.ori %shift_left3A_761, %shift_right_logical3A_764 : vector<32x128xi32>
      %xor3A_766 = arith.xori %add3A_758, %or3A_765 : vector<32x128xi32>
      %add3A_767 = vector.broadcast %get3A_2 : i32 to vector<32x128xi32>
      %add3A_768 = arith.addi %add3A_758, %add3A_767 : vector<32x128xi32>
      %add3A_769 = vector.broadcast %xor3A_597 : i32 to vector<32x128xi32>
      %add3A_770 = arith.addi %xor3A_766, %add3A_769 : vector<32x128xi32>
      %add3A_771 = arith.constant 4 : i32
      %add3A_772 = vector.broadcast %add3A_771 : i32 to vector<32x128xi32>
      %add3A_773 = arith.addi %add3A_770, %add3A_772 : vector<32x128xi32>
      %add3A_774 = arith.addi %add3A_768, %add3A_773 : vector<32x128xi32>
      %shift_left3A_775 = arith.constant 13 : i32
      %shift_left3A_776 = vector.broadcast %shift_left3A_775 : i32 to vector<32x128xi32>
      %shift_left3A_777 = arith.shli %add3A_773, %shift_left3A_776 : vector<32x128xi32>
      %shift_right_logical3A_778 = arith.constant 19 : i32
      %shift_right_logical3A_779 = vector.broadcast %shift_right_logical3A_778 : i32 to vector<32x128xi32>
      %shift_right_logical3A_780 = arith.shrui %add3A_773, %shift_right_logical3A_779 : vector<32x128xi32>
      %or3A_781 = arith.ori %shift_left3A_777, %shift_right_logical3A_780 : vector<32x128xi32>
      %xor3A_782 = arith.xori %add3A_774, %or3A_781 : vector<32x128xi32>
      %add3A_783 = arith.addi %add3A_774, %xor3A_782 : vector<32x128xi32>
      %shift_left3A_784 = arith.constant 15 : i32
      %shift_left3A_785 = vector.broadcast %shift_left3A_784 : i32 to vector<32x128xi32>
      %shift_left3A_786 = arith.shli %xor3A_782, %shift_left3A_785 : vector<32x128xi32>
      %shift_right_logical3A_787 = arith.constant 17 : i32
      %shift_right_logical3A_788 = vector.broadcast %shift_right_logical3A_787 : i32 to vector<32x128xi32>
      %shift_right_logical3A_789 = arith.shrui %xor3A_782, %shift_right_logical3A_788 : vector<32x128xi32>
      %or3A_790 = arith.ori %shift_left3A_786, %shift_right_logical3A_789 : vector<32x128xi32>
      %xor3A_791 = arith.xori %add3A_783, %or3A_790 : vector<32x128xi32>
      %add3A_792 = arith.addi %add3A_783, %xor3A_791 : vector<32x128xi32>
      %shift_left3A_793 = arith.constant 26 : i32
      %shift_left3A_794 = vector.broadcast %shift_left3A_793 : i32 to vector<32x128xi32>
      %shift_left3A_795 = arith.shli %xor3A_791, %shift_left3A_794 : vector<32x128xi32>
      %shift_right_logical3A_796 = arith.constant 6 : i32
      %shift_right_logical3A_797 = vector.broadcast %shift_right_logical3A_796 : i32 to vector<32x128xi32>
      %shift_right_logical3A_798 = arith.shrui %xor3A_791, %shift_right_logical3A_797 : vector<32x128xi32>
      %or3A_799 = arith.ori %shift_left3A_795, %shift_right_logical3A_798 : vector<32x128xi32>
      %xor3A_800 = arith.xori %add3A_792, %or3A_799 : vector<32x128xi32>
      %add3A_801 = arith.addi %add3A_792, %xor3A_800 : vector<32x128xi32>
      %shift_left3A_802 = arith.constant 6 : i32
      %shift_left3A_803 = vector.broadcast %shift_left3A_802 : i32 to vector<32x128xi32>
      %shift_left3A_804 = arith.shli %xor3A_800, %shift_left3A_803 : vector<32x128xi32>
      %shift_right_logical3A_805 = arith.constant 26 : i32
      %shift_right_logical3A_806 = vector.broadcast %shift_right_logical3A_805 : i32 to vector<32x128xi32>
      %shift_right_logical3A_807 = arith.shrui %xor3A_800, %shift_right_logical3A_806 : vector<32x128xi32>
      %or3A_808 = arith.ori %shift_left3A_804, %shift_right_logical3A_807 : vector<32x128xi32>
      %xor3A_809 = arith.xori %add3A_801, %or3A_808 : vector<32x128xi32>
      %add3A_810 = vector.broadcast %xor3A_597 : i32 to vector<32x128xi32>
      %add3A_811 = arith.addi %add3A_801, %add3A_810 : vector<32x128xi32>
      %add3A_812 = vector.broadcast %get3A_0 : i32 to vector<32x128xi32>
      %add3A_813 = arith.addi %xor3A_809, %add3A_812 : vector<32x128xi32>
      %add3A_814 = arith.constant 5 : i32
      %add3A_815 = vector.broadcast %add3A_814 : i32 to vector<32x128xi32>
      %add3A_816 = arith.addi %add3A_813, %add3A_815 : vector<32x128xi32>
      %xor3A_817 = arith.xori %add3A_811, %add3A_816 : vector<32x128xi32>
      %shift_right_logical3A_818 = arith.constant 9 : i32
      %shift_right_logical3A_819 = vector.broadcast %shift_right_logical3A_818 : i32 to vector<32x128xi32>
      %shift_right_logical3A_820 = arith.shrui %xor3A_817, %shift_right_logical3A_819 : vector<32x128xi32>
      %or3A_821 = arith.constant 1065353216 : i32
      %or3A_822 = vector.broadcast %or3A_821 : i32 to vector<32x128xi32>
      %or3A_823 = arith.ori %shift_right_logical3A_820, %or3A_822 : vector<32x128xi32>
      %bitcast_convert_type3A_824 = tpu.bitcast %or3A_823 : vector<32x128xi32> -> vector<32x128xf32>
      %sub3A_825 = arith.constant 1.000000e+00 : f32
      %sub3A_826 = vector.broadcast %sub3A_825 : f32 to vector<32x128xf32>
      %sub3A_827 = arith.subf %bitcast_convert_type3A_824, %sub3A_826 : vector<32x128xf32>
      %sub3A_828 = arith.constant 1.000000e+00 : f32
      %sub3A_829 = arith.constant 1.17549435E-38 : f32
      %sub3A_830 = arith.subf %sub3A_828, %sub3A_829 : f32
      %mul3A_831 = vector.broadcast %sub3A_830 : f32 to vector<32x128xf32>
      %mul3A_832 = arith.mulf %sub3A_827, %mul3A_831 : vector<32x128xf32>
      %add3A_833 = arith.constant 1.17549435E-38 : f32
      %add3A_834 = vector.broadcast %add3A_833 : f32 to vector<32x128xf32>
      %add3A_835 = arith.addf %mul3A_832, %add3A_834 : vector<32x128xf32>
      %max3A_836 = arith.constant 1.17549435E-38 : f32
      %max3A_837 = vector.broadcast %max3A_836 : f32 to vector<32x128xf32>
      %max3A_838 = arith.maximumf %max3A_837, %add3A_835 : vector<32x128xf32>
      %log3A_839 = math.log %max3A_838 : vector<32x128xf32>
      %neg3A_840 = arith.constant 0.000000e+00 : f32
      %neg3A_841 = vector.broadcast %neg3A_840 : f32 to vector<32x128xf32>
      %neg3A_842 = arith.subf %neg3A_841, %log3A_839 : vector<32x128xf32>
      %log3A_843 = math.log %neg3A_842 : vector<32x128xf32>
      %neg3A_844 = arith.constant 0.000000e+00 : f32
      %neg3A_845 = vector.broadcast %neg3A_844 : f32 to vector<32x128xf32>
      %neg3A_846 = arith.subf %neg3A_845, %log3A_843 : vector<32x128xf32>
      %add3A_847 = arith.addf %neg3A_846, %broadcast_in_dim3A_590 : vector<32x128xf32>
      %gt3A_848 = arith.cmpf ogt, %add3A_847, %select_n3A_575 : vector<32x128xf32>
      %select_n3A_849 = arith.select %gt3A_848, %add3A_847, %select_n3A_575 : vector<32x128xi1>, vector<32x128xf32>
      %add3A_850 = vector.broadcast %mul3A_585 : i32 to vector<32x128xi32>
      %add3A_851 = arith.addi %iota3A_10, %add3A_850 : vector<32x128xi32>
      %select_n3A_852 = arith.select %gt3A_848, %add3A_851, %select_n3A_578 : vector<32x128xi1>, vector<32x128xi32>
      %select_n3A_853 = arith.select %gt3A_848, %broadcast_in_dim3A_590, %select_n3A_579 : vector<32x128xi1>, vector<32x128xf32>
      %mul3A_854 = arith.constant 4 : i32
      %mul3A_855 = arith.muli %scan3A_38, %mul3A_854 : i32
      %add3A_856 = arith.constant 3 : i32
      %add3A_857 = arith.addi %mul3A_855, %add3A_856 : i32
      %mul3A_858 = arith.constant 128 : i32
      %mul3A_859 = arith.muli %add3A_857, %mul3A_858 : i32
      %get3A_860 = arith.index_cast %add3A_857 : i32 to index
      %get3A_861 = arith.constant 0 : index
      %get3A_862 = vector.load %arg2[%get3A_860, %get3A_861] : memref<256x128xf32, #tpu.memory_space<vmem>>, vector<1x128xf32>
      %broadcast_in_dim3A_863 = vector.shape_cast %get3A_862 : vector<1x128xf32> to vector<1x128xf32>
      %broadcast_in_dim3A_864 = vector.broadcast %broadcast_in_dim3A_863 : vector<1x128xf32> to vector<32x128xf32>
      %add3A_865 = vector.broadcast %mul3A_859 : i32 to vector<32x128xi32>
      %add3A_866 = arith.addi %add3A_9, %add3A_865 : vector<32x128xi32>
      %broadcast_in_dim3A_867 = arith.constant 0 : i32
      %broadcast_in_dim3A_868 = vector.broadcast %broadcast_in_dim3A_867 : i32 to vector<32x128xi32>
      %xor3A_869 = arith.xori %get3A_0, %get3A_2 : i32
      %xor3A_870 = arith.constant 466688986 : i32
      %xor3A_871 = arith.xori %xor3A_869, %xor3A_870 : i32
      %add3A_872 = vector.broadcast %get3A_0 : i32 to vector<32x128xi32>
      %add3A_873 = arith.addi %broadcast_in_dim3A_868, %add3A_872 : vector<32x128xi32>
      %add3A_874 = vector.broadcast %get3A_2 : i32 to vector<32x128xi32>
      %add3A_875 = arith.addi %add3A_866, %add3A_874 : vector<32x128xi32>
      %add3A_876 = arith.addi %add3A_873, %add3A_875 : vector<32x128xi32>
      %shift_left3A_877 = arith.constant 13 : i32
      %shift_left3A_878 = vector.broadcast %shift_left3A_877 : i32 to vector<32x128xi32>
      %shift_left3A_879 = arith.shli %add3A_875, %shift_left3A_878 : vector<32x128xi32>
      %shift_right_logical3A_880 = arith.constant 19 : i32
      %shift_right_logical3A_881 = vector.broadcast %shift_right_logical3A_880 : i32 to vector<32x128xi32>
      %shift_right_logical3A_882 = arith.shrui %add3A_875, %shift_right_logical3A_881 : vector<32x128xi32>
      %or3A_883 = arith.ori %shift_left3A_879, %shift_right_logical3A_882 : vector<32x128xi32>
      %xor3A_884 = arith.xori %add3A_876, %or3A_883 : vector<32x128xi32>
      %add3A_885 = arith.addi %add3A_876, %xor3A_884 : vector<32x128xi32>
      %shift_left3A_886 = arith.constant 15 : i32
      %shift_left3A_887 = vector.broadcast %shift_left3A_886 : i32 to vector<32x128xi32>
      %shift_left3A_888 = arith.shli %xor3A_884, %shift_left3A_887 : vector<32x128xi32>
      %shift_right_logical3A_889 = arith.constant 17 : i32
      %shift_right_logical3A_890 = vector.broadcast %shift_right_logical3A_889 : i32 to vector<32x128xi32>
      %shift_right_logical3A_891 = arith.shrui %xor3A_884, %shift_right_logical3A_890 : vector<32x128xi32>
      %or3A_892 = arith.ori %shift_left3A_888, %shift_right_logical3A_891 : vector<32x128xi32>
      %xor3A_893 = arith.xori %add3A_885, %or3A_892 : vector<32x128xi32>
      %add3A_894 = arith.addi %add3A_885, %xor3A_893 : vector<32x128xi32>
      %shift_left3A_895 = arith.constant 26 : i32
      %shift_left3A_896 = vector.broadcast %shift_left3A_895 : i32 to vector<32x128xi32>
      %shift_left3A_897 = arith.shli %xor3A_893, %shift_left3A_896 : vector<32x128xi32>
      %shift_right_logical3A_898 = arith.constant 6 : i32
      %shift_right_logical3A_899 = vector.broadcast %shift_right_logical3A_898 : i32 to vector<32x128xi32>
      %shift_right_logical3A_900 = arith.shrui %xor3A_893, %shift_right_logical3A_899 : vector<32x128xi32>
      %or3A_901 = arith.ori %shift_left3A_897, %shift_right_logical3A_900 : vector<32x128xi32>
      %xor3A_902 = arith.xori %add3A_894, %or3A_901 : vector<32x128xi32>
      %add3A_903 = arith.addi %add3A_894, %xor3A_902 : vector<32x128xi32>
      %shift_left3A_904 = arith.constant 6 : i32
      %shift_left3A_905 = vector.broadcast %shift_left3A_904 : i32 to vector<32x128xi32>
      %shift_left3A_906 = arith.shli %xor3A_902, %shift_left3A_905 : vector<32x128xi32>
      %shift_right_logical3A_907 = arith.constant 26 : i32
      %shift_right_logical3A_908 = vector.broadcast %shift_right_logical3A_907 : i32 to vector<32x128xi32>
      %shift_right_logical3A_909 = arith.shrui %xor3A_902, %shift_right_logical3A_908 : vector<32x128xi32>
      %or3A_910 = arith.ori %shift_left3A_906, %shift_right_logical3A_909 : vector<32x128xi32>
      %xor3A_911 = arith.xori %add3A_903, %or3A_910 : vector<32x128xi32>
      %add3A_912 = vector.broadcast %get3A_2 : i32 to vector<32x128xi32>
      %add3A_913 = arith.addi %add3A_903, %add3A_912 : vector<32x128xi32>
      %add3A_914 = vector.broadcast %xor3A_871 : i32 to vector<32x128xi32>
      %add3A_915 = arith.addi %xor3A_911, %add3A_914 : vector<32x128xi32>
      %add3A_916 = arith.constant 1 : i32
      %add3A_917 = vector.broadcast %add3A_916 : i32 to vector<32x128xi32>
      %add3A_918 = arith.addi %add3A_915, %add3A_917 : vector<32x128xi32>
      %add3A_919 = arith.addi %add3A_913, %add3A_918 : vector<32x128xi32>
      %shift_left3A_920 = arith.constant 17 : i32
      %shift_left3A_921 = vector.broadcast %shift_left3A_920 : i32 to vector<32x128xi32>
      %shift_left3A_922 = arith.shli %add3A_918, %shift_left3A_921 : vector<32x128xi32>
      %shift_right_logical3A_923 = arith.constant 15 : i32
      %shift_right_logical3A_924 = vector.broadcast %shift_right_logical3A_923 : i32 to vector<32x128xi32>
      %shift_right_logical3A_925 = arith.shrui %add3A_918, %shift_right_logical3A_924 : vector<32x128xi32>
      %or3A_926 = arith.ori %shift_left3A_922, %shift_right_logical3A_925 : vector<32x128xi32>
      %xor3A_927 = arith.xori %add3A_919, %or3A_926 : vector<32x128xi32>
      %add3A_928 = arith.addi %add3A_919, %xor3A_927 : vector<32x128xi32>
      %shift_left3A_929 = arith.constant 29 : i32
      %shift_left3A_930 = vector.broadcast %shift_left3A_929 : i32 to vector<32x128xi32>
      %shift_left3A_931 = arith.shli %xor3A_927, %shift_left3A_930 : vector<32x128xi32>
      %shift_right_logical3A_932 = arith.constant 3 : i32
      %shift_right_logical3A_933 = vector.broadcast %shift_right_logical3A_932 : i32 to vector<32x128xi32>
      %shift_right_logical3A_934 = arith.shrui %xor3A_927, %shift_right_logical3A_933 : vector<32x128xi32>
      %or3A_935 = arith.ori %shift_left3A_931, %shift_right_logical3A_934 : vector<32x128xi32>
      %xor3A_936 = arith.xori %add3A_928, %or3A_935 : vector<32x128xi32>
      %add3A_937 = arith.addi %add3A_928, %xor3A_936 : vector<32x128xi32>
      %shift_left3A_938 = arith.constant 16 : i32
      %shift_left3A_939 = vector.broadcast %shift_left3A_938 : i32 to vector<32x128xi32>
      %shift_left3A_940 = arith.shli %xor3A_936, %shift_left3A_939 : vector<32x128xi32>
      %shift_right_logical3A_941 = arith.constant 16 : i32
      %shift_right_logical3A_942 = vector.broadcast %shift_right_logical3A_941 : i32 to vector<32x128xi32>
      %shift_right_logical3A_943 = arith.shrui %xor3A_936, %shift_right_logical3A_942 : vector<32x128xi32>
      %or3A_944 = arith.ori %shift_left3A_940, %shift_right_logical3A_943 : vector<32x128xi32>
      %xor3A_945 = arith.xori %add3A_937, %or3A_944 : vector<32x128xi32>
      %add3A_946 = arith.addi %add3A_937, %xor3A_945 : vector<32x128xi32>
      %shift_left3A_947 = arith.constant 24 : i32
      %shift_left3A_948 = vector.broadcast %shift_left3A_947 : i32 to vector<32x128xi32>
      %shift_left3A_949 = arith.shli %xor3A_945, %shift_left3A_948 : vector<32x128xi32>
      %shift_right_logical3A_950 = arith.constant 8 : i32
      %shift_right_logical3A_951 = vector.broadcast %shift_right_logical3A_950 : i32 to vector<32x128xi32>
      %shift_right_logical3A_952 = arith.shrui %xor3A_945, %shift_right_logical3A_951 : vector<32x128xi32>
      %or3A_953 = arith.ori %shift_left3A_949, %shift_right_logical3A_952 : vector<32x128xi32>
      %xor3A_954 = arith.xori %add3A_946, %or3A_953 : vector<32x128xi32>
      %add3A_955 = vector.broadcast %xor3A_871 : i32 to vector<32x128xi32>
      %add3A_956 = arith.addi %add3A_946, %add3A_955 : vector<32x128xi32>
      %add3A_957 = vector.broadcast %get3A_0 : i32 to vector<32x128xi32>
      %add3A_958 = arith.addi %xor3A_954, %add3A_957 : vector<32x128xi32>
      %add3A_959 = arith.constant 2 : i32
      %add3A_960 = vector.broadcast %add3A_959 : i32 to vector<32x128xi32>
      %add3A_961 = arith.addi %add3A_958, %add3A_960 : vector<32x128xi32>
      %add3A_962 = arith.addi %add3A_956, %add3A_961 : vector<32x128xi32>
      %shift_left3A_963 = arith.constant 13 : i32
      %shift_left3A_964 = vector.broadcast %shift_left3A_963 : i32 to vector<32x128xi32>
      %shift_left3A_965 = arith.shli %add3A_961, %shift_left3A_964 : vector<32x128xi32>
      %shift_right_logical3A_966 = arith.constant 19 : i32
      %shift_right_logical3A_967 = vector.broadcast %shift_right_logical3A_966 : i32 to vector<32x128xi32>
      %shift_right_logical3A_968 = arith.shrui %add3A_961, %shift_right_logical3A_967 : vector<32x128xi32>
      %or3A_969 = arith.ori %shift_left3A_965, %shift_right_logical3A_968 : vector<32x128xi32>
      %xor3A_970 = arith.xori %add3A_962, %or3A_969 : vector<32x128xi32>
      %add3A_971 = arith.addi %add3A_962, %xor3A_970 : vector<32x128xi32>
      %shift_left3A_972 = arith.constant 15 : i32
      %shift_left3A_973 = vector.broadcast %shift_left3A_972 : i32 to vector<32x128xi32>
      %shift_left3A_974 = arith.shli %xor3A_970, %shift_left3A_973 : vector<32x128xi32>
      %shift_right_logical3A_975 = arith.constant 17 : i32
      %shift_right_logical3A_976 = vector.broadcast %shift_right_logical3A_975 : i32 to vector<32x128xi32>
      %shift_right_logical3A_977 = arith.shrui %xor3A_970, %shift_right_logical3A_976 : vector<32x128xi32>
      %or3A_978 = arith.ori %shift_left3A_974, %shift_right_logical3A_977 : vector<32x128xi32>
      %xor3A_979 = arith.xori %add3A_971, %or3A_978 : vector<32x128xi32>
      %add3A_980 = arith.addi %add3A_971, %xor3A_979 : vector<32x128xi32>
      %shift_left3A_981 = arith.constant 26 : i32
      %shift_left3A_982 = vector.broadcast %shift_left3A_981 : i32 to vector<32x128xi32>
      %shift_left3A_983 = arith.shli %xor3A_979, %shift_left3A_982 : vector<32x128xi32>
      %shift_right_logical3A_984 = arith.constant 6 : i32
      %shift_right_logical3A_985 = vector.broadcast %shift_right_logical3A_984 : i32 to vector<32x128xi32>
      %shift_right_logical3A_986 = arith.shrui %xor3A_979, %shift_right_logical3A_985 : vector<32x128xi32>
      %or3A_987 = arith.ori %shift_left3A_983, %shift_right_logical3A_986 : vector<32x128xi32>
      %xor3A_988 = arith.xori %add3A_980, %or3A_987 : vector<32x128xi32>
      %add3A_989 = arith.addi %add3A_980, %xor3A_988 : vector<32x128xi32>
      %shift_left3A_990 = arith.constant 6 : i32
      %shift_left3A_991 = vector.broadcast %shift_left3A_990 : i32 to vector<32x128xi32>
      %shift_left3A_992 = arith.shli %xor3A_988, %shift_left3A_991 : vector<32x128xi32>
      %shift_right_logical3A_993 = arith.constant 26 : i32
      %shift_right_logical3A_994 = vector.broadcast %shift_right_logical3A_993 : i32 to vector<32x128xi32>
      %shift_right_logical3A_995 = arith.shrui %xor3A_988, %shift_right_logical3A_994 : vector<32x128xi32>
      %or3A_996 = arith.ori %shift_left3A_992, %shift_right_logical3A_995 : vector<32x128xi32>
      %xor3A_997 = arith.xori %add3A_989, %or3A_996 : vector<32x128xi32>
      %add3A_998 = vector.broadcast %get3A_0 : i32 to vector<32x128xi32>
      %add3A_999 = arith.addi %add3A_989, %add3A_998 : vector<32x128xi32>
      %add3A_1000 = vector.broadcast %get3A_2 : i32 to vector<32x128xi32>
      %add3A_1001 = arith.addi %xor3A_997, %add3A_1000 : vector<32x128xi32>
      %add3A_1002 = arith.constant 3 : i32
      %add3A_1003 = vector.broadcast %add3A_1002 : i32 to vector<32x128xi32>
      %add3A_1004 = arith.addi %add3A_1001, %add3A_1003 : vector<32x128xi32>
      %add3A_1005 = arith.addi %add3A_999, %add3A_1004 : vector<32x128xi32>
      %shift_left3A_1006 = arith.constant 17 : i32
      %shift_left3A_1007 = vector.broadcast %shift_left3A_1006 : i32 to vector<32x128xi32>
      %shift_left3A_1008 = arith.shli %add3A_1004, %shift_left3A_1007 : vector<32x128xi32>
      %shift_right_logical3A_1009 = arith.constant 15 : i32
      %shift_right_logical3A_1010 = vector.broadcast %shift_right_logical3A_1009 : i32 to vector<32x128xi32>
      %shift_right_logical3A_1011 = arith.shrui %add3A_1004, %shift_right_logical3A_1010 : vector<32x128xi32>
      %or3A_1012 = arith.ori %shift_left3A_1008, %shift_right_logical3A_1011 : vector<32x128xi32>
      %xor3A_1013 = arith.xori %add3A_1005, %or3A_1012 : vector<32x128xi32>
      %add3A_1014 = arith.addi %add3A_1005, %xor3A_1013 : vector<32x128xi32>
      %shift_left3A_1015 = arith.constant 29 : i32
      %shift_left3A_1016 = vector.broadcast %shift_left3A_1015 : i32 to vector<32x128xi32>
      %shift_left3A_1017 = arith.shli %xor3A_1013, %shift_left3A_1016 : vector<32x128xi32>
      %shift_right_logical3A_1018 = arith.constant 3 : i32
      %shift_right_logical3A_1019 = vector.broadcast %shift_right_logical3A_1018 : i32 to vector<32x128xi32>
      %shift_right_logical3A_1020 = arith.shrui %xor3A_1013, %shift_right_logical3A_1019 : vector<32x128xi32>
      %or3A_1021 = arith.ori %shift_left3A_1017, %shift_right_logical3A_1020 : vector<32x128xi32>
      %xor3A_1022 = arith.xori %add3A_1014, %or3A_1021 : vector<32x128xi32>
      %add3A_1023 = arith.addi %add3A_1014, %xor3A_1022 : vector<32x128xi32>
      %shift_left3A_1024 = arith.constant 16 : i32
      %shift_left3A_1025 = vector.broadcast %shift_left3A_1024 : i32 to vector<32x128xi32>
      %shift_left3A_1026 = arith.shli %xor3A_1022, %shift_left3A_1025 : vector<32x128xi32>
      %shift_right_logical3A_1027 = arith.constant 16 : i32
      %shift_right_logical3A_1028 = vector.broadcast %shift_right_logical3A_1027 : i32 to vector<32x128xi32>
      %shift_right_logical3A_1029 = arith.shrui %xor3A_1022, %shift_right_logical3A_1028 : vector<32x128xi32>
      %or3A_1030 = arith.ori %shift_left3A_1026, %shift_right_logical3A_1029 : vector<32x128xi32>
      %xor3A_1031 = arith.xori %add3A_1023, %or3A_1030 : vector<32x128xi32>
      %add3A_1032 = arith.addi %add3A_1023, %xor3A_1031 : vector<32x128xi32>
      %shift_left3A_1033 = arith.constant 24 : i32
      %shift_left3A_1034 = vector.broadcast %shift_left3A_1033 : i32 to vector<32x128xi32>
      %shift_left3A_1035 = arith.shli %xor3A_1031, %shift_left3A_1034 : vector<32x128xi32>
      %shift_right_logical3A_1036 = arith.constant 8 : i32
      %shift_right_logical3A_1037 = vector.broadcast %shift_right_logical3A_1036 : i32 to vector<32x128xi32>
      %shift_right_logical3A_1038 = arith.shrui %xor3A_1031, %shift_right_logical3A_1037 : vector<32x128xi32>
      %or3A_1039 = arith.ori %shift_left3A_1035, %shift_right_logical3A_1038 : vector<32x128xi32>
      %xor3A_1040 = arith.xori %add3A_1032, %or3A_1039 : vector<32x128xi32>
      %add3A_1041 = vector.broadcast %get3A_2 : i32 to vector<32x128xi32>
      %add3A_1042 = arith.addi %add3A_1032, %add3A_1041 : vector<32x128xi32>
      %add3A_1043 = vector.broadcast %xor3A_871 : i32 to vector<32x128xi32>
      %add3A_1044 = arith.addi %xor3A_1040, %add3A_1043 : vector<32x128xi32>
      %add3A_1045 = arith.constant 4 : i32
      %add3A_1046 = vector.broadcast %add3A_1045 : i32 to vector<32x128xi32>
      %add3A_1047 = arith.addi %add3A_1044, %add3A_1046 : vector<32x128xi32>
      %add3A_1048 = arith.addi %add3A_1042, %add3A_1047 : vector<32x128xi32>
      %shift_left3A_1049 = arith.constant 13 : i32
      %shift_left3A_1050 = vector.broadcast %shift_left3A_1049 : i32 to vector<32x128xi32>
      %shift_left3A_1051 = arith.shli %add3A_1047, %shift_left3A_1050 : vector<32x128xi32>
      %shift_right_logical3A_1052 = arith.constant 19 : i32
      %shift_right_logical3A_1053 = vector.broadcast %shift_right_logical3A_1052 : i32 to vector<32x128xi32>
      %shift_right_logical3A_1054 = arith.shrui %add3A_1047, %shift_right_logical3A_1053 : vector<32x128xi32>
      %or3A_1055 = arith.ori %shift_left3A_1051, %shift_right_logical3A_1054 : vector<32x128xi32>
      %xor3A_1056 = arith.xori %add3A_1048, %or3A_1055 : vector<32x128xi32>
      %add3A_1057 = arith.addi %add3A_1048, %xor3A_1056 : vector<32x128xi32>
      %shift_left3A_1058 = arith.constant 15 : i32
      %shift_left3A_1059 = vector.broadcast %shift_left3A_1058 : i32 to vector<32x128xi32>
      %shift_left3A_1060 = arith.shli %xor3A_1056, %shift_left3A_1059 : vector<32x128xi32>
      %shift_right_logical3A_1061 = arith.constant 17 : i32
      %shift_right_logical3A_1062 = vector.broadcast %shift_right_logical3A_1061 : i32 to vector<32x128xi32>
      %shift_right_logical3A_1063 = arith.shrui %xor3A_1056, %shift_right_logical3A_1062 : vector<32x128xi32>
      %or3A_1064 = arith.ori %shift_left3A_1060, %shift_right_logical3A_1063 : vector<32x128xi32>
      %xor3A_1065 = arith.xori %add3A_1057, %or3A_1064 : vector<32x128xi32>
      %add3A_1066 = arith.addi %add3A_1057, %xor3A_1065 : vector<32x128xi32>
      %shift_left3A_1067 = arith.constant 26 : i32
      %shift_left3A_1068 = vector.broadcast %shift_left3A_1067 : i32 to vector<32x128xi32>
      %shift_left3A_1069 = arith.shli %xor3A_1065, %shift_left3A_1068 : vector<32x128xi32>
      %shift_right_logical3A_1070 = arith.constant 6 : i32
      %shift_right_logical3A_1071 = vector.broadcast %shift_right_logical3A_1070 : i32 to vector<32x128xi32>
      %shift_right_logical3A_1072 = arith.shrui %xor3A_1065, %shift_right_logical3A_1071 : vector<32x128xi32>
      %or3A_1073 = arith.ori %shift_left3A_1069, %shift_right_logical3A_1072 : vector<32x128xi32>
      %xor3A_1074 = arith.xori %add3A_1066, %or3A_1073 : vector<32x128xi32>
      %add3A_1075 = arith.addi %add3A_1066, %xor3A_1074 : vector<32x128xi32>
      %shift_left3A_1076 = arith.constant 6 : i32
      %shift_left3A_1077 = vector.broadcast %shift_left3A_1076 : i32 to vector<32x128xi32>
      %shift_left3A_1078 = arith.shli %xor3A_1074, %shift_left3A_1077 : vector<32x128xi32>
      %shift_right_logical3A_1079 = arith.constant 26 : i32
      %shift_right_logical3A_1080 = vector.broadcast %shift_right_logical3A_1079 : i32 to vector<32x128xi32>
      %shift_right_logical3A_1081 = arith.shrui %xor3A_1074, %shift_right_logical3A_1080 : vector<32x128xi32>
      %or3A_1082 = arith.ori %shift_left3A_1078, %shift_right_logical3A_1081 : vector<32x128xi32>
      %xor3A_1083 = arith.xori %add3A_1075, %or3A_1082 : vector<32x128xi32>
      %add3A_1084 = vector.broadcast %xor3A_871 : i32 to vector<32x128xi32>
      %add3A_1085 = arith.addi %add3A_1075, %add3A_1084 : vector<32x128xi32>
      %add3A_1086 = vector.broadcast %get3A_0 : i32 to vector<32x128xi32>
      %add3A_1087 = arith.addi %xor3A_1083, %add3A_1086 : vector<32x128xi32>
      %add3A_1088 = arith.constant 5 : i32
      %add3A_1089 = vector.broadcast %add3A_1088 : i32 to vector<32x128xi32>
      %add3A_1090 = arith.addi %add3A_1087, %add3A_1089 : vector<32x128xi32>
      %xor3A_1091 = arith.xori %add3A_1085, %add3A_1090 : vector<32x128xi32>
      %shift_right_logical3A_1092 = arith.constant 9 : i32
      %shift_right_logical3A_1093 = vector.broadcast %shift_right_logical3A_1092 : i32 to vector<32x128xi32>
      %shift_right_logical3A_1094 = arith.shrui %xor3A_1091, %shift_right_logical3A_1093 : vector<32x128xi32>
      %or3A_1095 = arith.constant 1065353216 : i32
      %or3A_1096 = vector.broadcast %or3A_1095 : i32 to vector<32x128xi32>
      %or3A_1097 = arith.ori %shift_right_logical3A_1094, %or3A_1096 : vector<32x128xi32>
      %bitcast_convert_type3A_1098 = tpu.bitcast %or3A_1097 : vector<32x128xi32> -> vector<32x128xf32>
      %sub3A_1099 = arith.constant 1.000000e+00 : f32
      %sub3A_1100 = vector.broadcast %sub3A_1099 : f32 to vector<32x128xf32>
      %sub3A_1101 = arith.subf %bitcast_convert_type3A_1098, %sub3A_1100 : vector<32x128xf32>
      %sub3A_1102 = arith.constant 1.000000e+00 : f32
      %sub3A_1103 = arith.constant 1.17549435E-38 : f32
      %sub3A_1104 = arith.subf %sub3A_1102, %sub3A_1103 : f32
      %mul3A_1105 = vector.broadcast %sub3A_1104 : f32 to vector<32x128xf32>
      %mul3A_1106 = arith.mulf %sub3A_1101, %mul3A_1105 : vector<32x128xf32>
      %add3A_1107 = arith.constant 1.17549435E-38 : f32
      %add3A_1108 = vector.broadcast %add3A_1107 : f32 to vector<32x128xf32>
      %add3A_1109 = arith.addf %mul3A_1106, %add3A_1108 : vector<32x128xf32>
      %max3A_1110 = arith.constant 1.17549435E-38 : f32
      %max3A_1111 = vector.broadcast %max3A_1110 : f32 to vector<32x128xf32>
      %max3A_1112 = arith.maximumf %max3A_1111, %add3A_1109 : vector<32x128xf32>
      %log3A_1113 = math.log %max3A_1112 : vector<32x128xf32>
      %neg3A_1114 = arith.constant 0.000000e+00 : f32
      %neg3A_1115 = vector.broadcast %neg3A_1114 : f32 to vector<32x128xf32>
      %neg3A_1116 = arith.subf %neg3A_1115, %log3A_1113 : vector<32x128xf32>
      %log3A_1117 = math.log %neg3A_1116 : vector<32x128xf32>
      %neg3A_1118 = arith.constant 0.000000e+00 : f32
      %neg3A_1119 = vector.broadcast %neg3A_1118 : f32 to vector<32x128xf32>
      %neg3A_1120 = arith.subf %neg3A_1119, %log3A_1117 : vector<32x128xf32>
      %add3A_1121 = arith.addf %neg3A_1120, %broadcast_in_dim3A_864 : vector<32x128xf32>
      %gt3A_1122 = arith.cmpf ogt, %add3A_1121, %select_n3A_849 : vector<32x128xf32>
      %select_n3A_1123 = arith.select %gt3A_1122, %add3A_1121, %select_n3A_849 : vector<32x128xi1>, vector<32x128xf32>
      %add3A_1124 = vector.broadcast %mul3A_859 : i32 to vector<32x128xi32>
      %add3A_1125 = arith.addi %iota3A_10, %add3A_1124 : vector<32x128xi32>
      %select_n3A_1126 = arith.select %gt3A_1122, %add3A_1125, %select_n3A_852 : vector<32x128xi1>, vector<32x128xi32>
      %select_n3A_1127 = arith.select %gt3A_1122, %broadcast_in_dim3A_864, %select_n3A_853 : vector<32x128xi1>, vector<32x128xf32>
      scf.yield %select_n3A_1123, %select_n3A_1126, %select_n3A_1127 : vector<32x128xf32>, vector<32x128xi32>, vector<32x128xf32>
    }
    %scan3A_18 = arith.constant 64 : i32
    %reduce_max3A = arith.constant dense<0xFF800000> : vector<32xf32>
    %reduce_max3A_19 = vector.multi_reduction <maximumf>, %scan3A_17#0, %reduce_max3A [1] : vector<32x128xf32> to vector<32xf32>
    %broadcast_in_dim3A_20 = vector.shape_cast %reduce_max3A_19 : vector<32xf32> to vector<32x1xf32>
    %eq3A = vector.broadcast %broadcast_in_dim3A_20 : vector<32x1xf32> to vector<32x128xf32>
    %eq3A_21 = arith.cmpf oeq, %scan3A_17#0, %eq3A : vector<32x128xf32>
    %jit3A = arith.constant 2147483647 : i32
    %broadcast_in_dim3A_22 = vector.broadcast %jit3A : i32 to vector<32x128xi32>
    %select_n3A = arith.select %eq3A_21, %scan3A_17#1, %broadcast_in_dim3A_22 : vector<32x128xi1>, vector<32x128xi32>
    %reduce_min3A = arith.constant dense<2147483647> : vector<32xi32>
    %reduce_min3A_23 = vector.multi_reduction <minsi>, %select_n3A, %reduce_min3A [1] : vector<32x128xi32> to vector<32xi32>
    %broadcast_in_dim3A_24 = vector.shape_cast %reduce_min3A_23 : vector<32xi32> to vector<32x1xi32>
    %eq3A_25 = vector.broadcast %broadcast_in_dim3A_24 : vector<32x1xi32> to vector<32x128xi32>
    %eq3A_26 = arith.cmpi eq, %scan3A_17#1, %eq3A_25 : vector<32x128xi32>
    %and3A = arith.andi %eq3A_21, %eq3A_26 : vector<32x128xi1>
    %jit3A_27 = arith.constant 0x7F800000 : f32
    %broadcast_in_dim3A_28 = vector.broadcast %jit3A_27 : f32 to vector<32x128xf32>
    %select_n3A_29 = arith.select %and3A, %scan3A_17#2, %broadcast_in_dim3A_28 : vector<32x128xi1>, vector<32x128xf32>
    %reduce_min3A_30 = arith.constant dense<0x7F800000> : vector<32xf32>
    %reduce_min3A_31 = vector.multi_reduction <minimumf>, %select_n3A_29, %reduce_min3A_30 [1] : vector<32x128xf32> to vector<32xf32>
    %broadcast_in_dim3A_32 = vector.shape_cast %reduce_min3A_31 : vector<32xf32> to vector<32x1xf32>
    %swap3A = arith.constant 0 : index
    %swap3A_33 = arith.constant 0 : index
    %swap3A_34 = vector.load %arg3[%swap3A, %swap3A_33] : memref<32x1xi32, #tpu.memory_space<vmem>>, vector<32x1xi32>
    tpu.vector_store %arg3[%swap3A, %swap3A_33], %broadcast_in_dim3A_24 {strides = array<i32>} : memref<32x1xi32, #tpu.memory_space<vmem>>, vector<32x1xi32>,
    %swap3A_35 = arith.constant 0 : index
    %swap3A_36 = arith.constant 0 : index
    %swap3A_37 = vector.load %arg4[%swap3A_35, %swap3A_36] : memref<32x1xf32, #tpu.memory_space<vmem>>, vector<32x1xf32>
    tpu.vector_store %arg4[%swap3A_35, %swap3A_36], %broadcast_in_dim3A_32 {strides = array<i32>} : memref<32x1xf32, #tpu.memory_space<vmem>>, vector<32x1xf32>,
    return
  }
  func.func @transform_0(%arg0: i32) -> i32 {
    %c0_i32 = arith.constant 0 : i32
    %c0_i32_0 = arith.constant 0 : i32
    return %c0_i32 : i32
  }
  func.func @transform_1(%arg0: i32) -> (i32, i32) {
    %c0_i32 = arith.constant 0 : i32
    %c0_i32_0 = arith.constant 0 : i32
    %c0_i32_1 = arith.constant 0 : i32
    return %c0_i32, %c0_i32_0 : i32, i32
  }
  func.func @transform_2(%arg0: i32) -> (i32, i32) {
    %c0_i32 = arith.constant 0 : i32
    %c0_i32_0 = arith.constant 0 : i32
    return %arg0, %c0_i32 : i32, i32
  }
  func.func @transform_3(%arg0: i32) -> (i32, i32) {
    %c0_i32 = arith.constant 0 : i32
    %c0_i32_0 = arith.constant 0 : i32
    return %arg0, %c0_i32 : i32, i32
  }
}

module attributes {stable_mosaic.version = 14 : i64} {
  func.func @_dyn_kernel(%arg0: memref<6xi32, #tpu.memory_space<smem>>, %arg1: memref<4096x256xf32, #tpu.memory_space<vmem>>, %arg2: memref<4096x1xi32, #tpu.memory_space<vmem>>, %arg3: memref<64x64xf32, #tpu.memory_space<vmem>>, %arg4: memref<16x64xf32, #tpu.memory_space<vmem>>, %arg5: memref<4096x64xf32, #tpu.memory_space<vmem>>, %arg6: memref<4096x16xf32, #tpu.memory_space<vmem>>) attributes {dimension_semantics = [], scalar_prefetch = 0 : i64, scratch_operands = 0 : i64, tpu.core_type = #tpu.core_type<tc>} {
    %get3A = arith.constant 4 : index
    %get3A_0 = memref.load %arg0[%get3A] : memref<6xi32, #tpu.memory_space<smem>>
    %get3A_1 = arith.constant 5 : index
    %get3A_2 = memref.load %arg0[%get3A_1] : memref<6xi32, #tpu.memory_space<smem>>
    %get3A_3 = arith.constant 0 : index
    %get3A_4 = arith.constant 0 : index
    %get3A_5 = vector.load %arg1[%get3A_3, %get3A_4] : memref<4096x256xf32, #tpu.memory_space<vmem>>, vector<4096x64xf32>
    %get3A_6 = arith.constant 0 : index
    %get3A_7 = arith.constant 0 : index
    %get3A_8 = vector.load %arg2[%get3A_6, %get3A_7] : memref<4096x1xi32, #tpu.memory_space<vmem>>, vector<4096x1xi32>
    %rem3A = arith.constant 8 : i32
    %rem3A_9 = vector.broadcast %rem3A : i32 to vector<4096x1xi32>
    %rem3A_10 = arith.remsi %get3A_8, %rem3A_9 : vector<4096x1xi32>
    %broadcast_in_dim3A = arith.constant 0.000000e+00 : f32
    %broadcast_in_dim3A_11 = vector.broadcast %broadcast_in_dim3A : f32 to vector<4096x16xf32>
    %get3A_12 = arith.constant 0 : index
    %get3A_13 = arith.constant 64 : index
    %get3A_14 = vector.load %arg1[%get3A_12, %get3A_13] : memref<4096x256xf32, #tpu.memory_space<vmem>>, vector<4096x16xf32>
    %eq3A = arith.constant 0 : i32
    %eq3A_15 = vector.broadcast %eq3A : i32 to vector<4096x1xi32>
    %eq3A_16 = arith.cmpi eq, %rem3A_10, %eq3A_15 : vector<4096x1xi32>
    %broadcast_in_dim3A_17 = vector.shape_cast %eq3A_16 : vector<4096x1xi1> to vector<4096x1xi1>
    %broadcast_in_dim3A_18 = vector.broadcast %broadcast_in_dim3A_17 : vector<4096x1xi1> to vector<4096x16xi1>
    %select_n3A = arith.select %broadcast_in_dim3A_18, %get3A_14, %broadcast_in_dim3A_11 : vector<4096x16xi1>, vector<4096x16xf32>
    %get3A_19 = arith.constant 0 : index
    %get3A_20 = arith.constant 80 : index
    %get3A_21 = vector.load %arg1[%get3A_19, %get3A_20] : memref<4096x256xf32, #tpu.memory_space<vmem>>, vector<4096x16xf32>
    %eq3A_22 = arith.constant 1 : i32
    %eq3A_23 = vector.broadcast %eq3A_22 : i32 to vector<4096x1xi32>
    %eq3A_24 = arith.cmpi eq, %rem3A_10, %eq3A_23 : vector<4096x1xi32>
    %broadcast_in_dim3A_25 = vector.shape_cast %eq3A_24 : vector<4096x1xi1> to vector<4096x1xi1>
    %broadcast_in_dim3A_26 = vector.broadcast %broadcast_in_dim3A_25 : vector<4096x1xi1> to vector<4096x16xi1>
    %select_n3A_27 = arith.select %broadcast_in_dim3A_26, %get3A_21, %select_n3A : vector<4096x16xi1>, vector<4096x16xf32>
    %get3A_28 = arith.constant 0 : index
    %get3A_29 = arith.constant 96 : index
    %get3A_30 = vector.load %arg1[%get3A_28, %get3A_29] : memref<4096x256xf32, #tpu.memory_space<vmem>>, vector<4096x16xf32>
    %eq3A_31 = arith.constant 2 : i32
    %eq3A_32 = vector.broadcast %eq3A_31 : i32 to vector<4096x1xi32>
    %eq3A_33 = arith.cmpi eq, %rem3A_10, %eq3A_32 : vector<4096x1xi32>
    %broadcast_in_dim3A_34 = vector.shape_cast %eq3A_33 : vector<4096x1xi1> to vector<4096x1xi1>
    %broadcast_in_dim3A_35 = vector.broadcast %broadcast_in_dim3A_34 : vector<4096x1xi1> to vector<4096x16xi1>
    %select_n3A_36 = arith.select %broadcast_in_dim3A_35, %get3A_30, %select_n3A_27 : vector<4096x16xi1>, vector<4096x16xf32>
    %get3A_37 = arith.constant 0 : index
    %get3A_38 = arith.constant 112 : index
    %get3A_39 = vector.load %arg1[%get3A_37, %get3A_38] : memref<4096x256xf32, #tpu.memory_space<vmem>>, vector<4096x16xf32>
    %eq3A_40 = arith.constant 3 : i32
    %eq3A_41 = vector.broadcast %eq3A_40 : i32 to vector<4096x1xi32>
    %eq3A_42 = arith.cmpi eq, %rem3A_10, %eq3A_41 : vector<4096x1xi32>
    %broadcast_in_dim3A_43 = vector.shape_cast %eq3A_42 : vector<4096x1xi1> to vector<4096x1xi1>
    %broadcast_in_dim3A_44 = vector.broadcast %broadcast_in_dim3A_43 : vector<4096x1xi1> to vector<4096x16xi1>
    %select_n3A_45 = arith.select %broadcast_in_dim3A_44, %get3A_39, %select_n3A_36 : vector<4096x16xi1>, vector<4096x16xf32>
    %get3A_46 = arith.constant 0 : index
    %get3A_47 = arith.constant 128 : index
    %get3A_48 = vector.load %arg1[%get3A_46, %get3A_47] : memref<4096x256xf32, #tpu.memory_space<vmem>>, vector<4096x16xf32>
    %eq3A_49 = arith.constant 4 : i32
    %eq3A_50 = vector.broadcast %eq3A_49 : i32 to vector<4096x1xi32>
    %eq3A_51 = arith.cmpi eq, %rem3A_10, %eq3A_50 : vector<4096x1xi32>
    %broadcast_in_dim3A_52 = vector.shape_cast %eq3A_51 : vector<4096x1xi1> to vector<4096x1xi1>
    %broadcast_in_dim3A_53 = vector.broadcast %broadcast_in_dim3A_52 : vector<4096x1xi1> to vector<4096x16xi1>
    %select_n3A_54 = arith.select %broadcast_in_dim3A_53, %get3A_48, %select_n3A_45 : vector<4096x16xi1>, vector<4096x16xf32>
    %get3A_55 = arith.constant 0 : index
    %get3A_56 = arith.constant 144 : index
    %get3A_57 = vector.load %arg1[%get3A_55, %get3A_56] : memref<4096x256xf32, #tpu.memory_space<vmem>>, vector<4096x16xf32>
    %eq3A_58 = arith.constant 5 : i32
    %eq3A_59 = vector.broadcast %eq3A_58 : i32 to vector<4096x1xi32>
    %eq3A_60 = arith.cmpi eq, %rem3A_10, %eq3A_59 : vector<4096x1xi32>
    %broadcast_in_dim3A_61 = vector.shape_cast %eq3A_60 : vector<4096x1xi1> to vector<4096x1xi1>
    %broadcast_in_dim3A_62 = vector.broadcast %broadcast_in_dim3A_61 : vector<4096x1xi1> to vector<4096x16xi1>
    %select_n3A_63 = arith.select %broadcast_in_dim3A_62, %get3A_57, %select_n3A_54 : vector<4096x16xi1>, vector<4096x16xf32>
    %get3A_64 = arith.constant 0 : index
    %get3A_65 = arith.constant 160 : index
    %get3A_66 = vector.load %arg1[%get3A_64, %get3A_65] : memref<4096x256xf32, #tpu.memory_space<vmem>>, vector<4096x16xf32>
    %eq3A_67 = arith.constant 6 : i32
    %eq3A_68 = vector.broadcast %eq3A_67 : i32 to vector<4096x1xi32>
    %eq3A_69 = arith.cmpi eq, %rem3A_10, %eq3A_68 : vector<4096x1xi32>
    %broadcast_in_dim3A_70 = vector.shape_cast %eq3A_69 : vector<4096x1xi1> to vector<4096x1xi1>
    %broadcast_in_dim3A_71 = vector.broadcast %broadcast_in_dim3A_70 : vector<4096x1xi1> to vector<4096x16xi1>
    %select_n3A_72 = arith.select %broadcast_in_dim3A_71, %get3A_66, %select_n3A_63 : vector<4096x16xi1>, vector<4096x16xf32>
    %get3A_73 = arith.constant 0 : index
    %get3A_74 = arith.constant 176 : index
    %get3A_75 = vector.load %arg1[%get3A_73, %get3A_74] : memref<4096x256xf32, #tpu.memory_space<vmem>>, vector<4096x16xf32>
    %eq3A_76 = arith.constant 7 : i32
    %eq3A_77 = vector.broadcast %eq3A_76 : i32 to vector<4096x1xi32>
    %eq3A_78 = arith.cmpi eq, %rem3A_10, %eq3A_77 : vector<4096x1xi32>
    %broadcast_in_dim3A_79 = vector.shape_cast %eq3A_78 : vector<4096x1xi1> to vector<4096x1xi1>
    %broadcast_in_dim3A_80 = vector.broadcast %broadcast_in_dim3A_79 : vector<4096x1xi1> to vector<4096x16xi1>
    %select_n3A_81 = arith.select %broadcast_in_dim3A_80, %get3A_75, %select_n3A_72 : vector<4096x16xi1>, vector<4096x16xf32>
    %swap3A = arith.constant 0 : index
    %swap3A_82 = arith.constant 0 : index
    %swap3A_83 = vector.load %arg6[%swap3A, %swap3A_82] : memref<4096x16xf32, #tpu.memory_space<vmem>>, vector<4096x16xf32>
    tpu.vector_store %arg6[%swap3A, %swap3A_82], %select_n3A_81 {strides = array<i32>} : memref<4096x16xf32, #tpu.memory_space<vmem>>, vector<4096x16xf32>,
    %get3A_84 = arith.constant 0 : index
    %get3A_85 = arith.constant 0 : index
    %get3A_86 = vector.load %arg3[%get3A_84, %get3A_85] : memref<64x64xf32, #tpu.memory_space<vmem>>, vector<64x64xf32>
    %dot_general3A = arith.constant dense<0.000000e+00> : vector<4096x64xf32>
    %dot_general3A_87 = tpu.matmul %get3A_5, %get3A_86, %dot_general3A {dimension_numbers = #tpu.dot_dimension_numbers<[1], [0], [0], [1], [0, 0, 1, 1], [], []>, transpose_lhs_hint = false} : vector<4096x64xf32>, vector<64x64xf32>, vector<4096x64xf32> -> vector<4096x64xf32>
    %get3A_88 = arith.constant 0 : index
    %get3A_89 = arith.constant 0 : index
    %get3A_90 = vector.load %arg4[%get3A_88, %get3A_89] : memref<16x64xf32, #tpu.memory_space<vmem>>, vector<16x64xf32>
    %dot_general3A_91 = arith.constant dense<0.000000e+00> : vector<4096x64xf32>
    %dot_general3A_92 = tpu.matmul %select_n3A_81, %get3A_90, %dot_general3A_91 {dimension_numbers = #tpu.dot_dimension_numbers<[1], [0], [0], [1], [0, 0, 1, 1], [], []>, transpose_lhs_hint = false} : vector<4096x16xf32>, vector<16x64xf32>, vector<4096x64xf32> -> vector<4096x64xf32>
    %iota3A = tpu.iota {dimensions = array<i32: 0>} : vector<4096x64xi32>
    %iota3A_93 = tpu.iota {dimensions = array<i32: 1>} : vector<4096x64xi32>
    %mul3A = arith.constant 64 : i32
    %mul3A_94 = vector.broadcast %mul3A : i32 to vector<4096x64xi32>
    %mul3A_95 = arith.muli %iota3A, %mul3A_94 : vector<4096x64xi32>
    %add3A = arith.addi %mul3A_95, %iota3A_93 : vector<4096x64xi32>
    %broadcast_in_dim3A_96 = arith.constant 0 : i32
    %broadcast_in_dim3A_97 = vector.broadcast %broadcast_in_dim3A_96 : i32 to vector<4096x64xi32>
    %xor3A = arith.xori %get3A_0, %get3A_2 : i32
    %xor3A_98 = arith.constant 466688986 : i32
    %xor3A_99 = arith.xori %xor3A, %xor3A_98 : i32
    %add3A_100 = vector.broadcast %get3A_0 : i32 to vector<4096x64xi32>
    %add3A_101 = arith.addi %broadcast_in_dim3A_97, %add3A_100 : vector<4096x64xi32>
    %add3A_102 = vector.broadcast %get3A_2 : i32 to vector<4096x64xi32>
    %add3A_103 = arith.addi %add3A, %add3A_102 : vector<4096x64xi32>
    %add3A_104 = arith.addi %add3A_101, %add3A_103 : vector<4096x64xi32>
    %shift_left3A = arith.constant 13 : i32
    %shift_left3A_105 = vector.broadcast %shift_left3A : i32 to vector<4096x64xi32>
    %shift_left3A_106 = arith.shli %add3A_103, %shift_left3A_105 : vector<4096x64xi32>
    %shift_right_logical3A = arith.constant 19 : i32
    %shift_right_logical3A_107 = vector.broadcast %shift_right_logical3A : i32 to vector<4096x64xi32>
    %shift_right_logical3A_108 = arith.shrui %add3A_103, %shift_right_logical3A_107 : vector<4096x64xi32>
    %or3A = arith.ori %shift_left3A_106, %shift_right_logical3A_108 : vector<4096x64xi32>
    %xor3A_109 = arith.xori %add3A_104, %or3A : vector<4096x64xi32>
    %add3A_110 = arith.addi %add3A_104, %xor3A_109 : vector<4096x64xi32>
    %shift_left3A_111 = arith.constant 15 : i32
    %shift_left3A_112 = vector.broadcast %shift_left3A_111 : i32 to vector<4096x64xi32>
    %shift_left3A_113 = arith.shli %xor3A_109, %shift_left3A_112 : vector<4096x64xi32>
    %shift_right_logical3A_114 = arith.constant 17 : i32
    %shift_right_logical3A_115 = vector.broadcast %shift_right_logical3A_114 : i32 to vector<4096x64xi32>
    %shift_right_logical3A_116 = arith.shrui %xor3A_109, %shift_right_logical3A_115 : vector<4096x64xi32>
    %or3A_117 = arith.ori %shift_left3A_113, %shift_right_logical3A_116 : vector<4096x64xi32>
    %xor3A_118 = arith.xori %add3A_110, %or3A_117 : vector<4096x64xi32>
    %add3A_119 = arith.addi %add3A_110, %xor3A_118 : vector<4096x64xi32>
    %shift_left3A_120 = arith.constant 26 : i32
    %shift_left3A_121 = vector.broadcast %shift_left3A_120 : i32 to vector<4096x64xi32>
    %shift_left3A_122 = arith.shli %xor3A_118, %shift_left3A_121 : vector<4096x64xi32>
    %shift_right_logical3A_123 = arith.constant 6 : i32
    %shift_right_logical3A_124 = vector.broadcast %shift_right_logical3A_123 : i32 to vector<4096x64xi32>
    %shift_right_logical3A_125 = arith.shrui %xor3A_118, %shift_right_logical3A_124 : vector<4096x64xi32>
    %or3A_126 = arith.ori %shift_left3A_122, %shift_right_logical3A_125 : vector<4096x64xi32>
    %xor3A_127 = arith.xori %add3A_119, %or3A_126 : vector<4096x64xi32>
    %add3A_128 = arith.addi %add3A_119, %xor3A_127 : vector<4096x64xi32>
    %shift_left3A_129 = arith.constant 6 : i32
    %shift_left3A_130 = vector.broadcast %shift_left3A_129 : i32 to vector<4096x64xi32>
    %shift_left3A_131 = arith.shli %xor3A_127, %shift_left3A_130 : vector<4096x64xi32>
    %shift_right_logical3A_132 = arith.constant 26 : i32
    %shift_right_logical3A_133 = vector.broadcast %shift_right_logical3A_132 : i32 to vector<4096x64xi32>
    %shift_right_logical3A_134 = arith.shrui %xor3A_127, %shift_right_logical3A_133 : vector<4096x64xi32>
    %or3A_135 = arith.ori %shift_left3A_131, %shift_right_logical3A_134 : vector<4096x64xi32>
    %xor3A_136 = arith.xori %add3A_128, %or3A_135 : vector<4096x64xi32>
    %add3A_137 = vector.broadcast %get3A_2 : i32 to vector<4096x64xi32>
    %add3A_138 = arith.addi %add3A_128, %add3A_137 : vector<4096x64xi32>
    %add3A_139 = vector.broadcast %xor3A_99 : i32 to vector<4096x64xi32>
    %add3A_140 = arith.addi %xor3A_136, %add3A_139 : vector<4096x64xi32>
    %add3A_141 = arith.constant 1 : i32
    %add3A_142 = vector.broadcast %add3A_141 : i32 to vector<4096x64xi32>
    %add3A_143 = arith.addi %add3A_140, %add3A_142 : vector<4096x64xi32>
    %add3A_144 = arith.addi %add3A_138, %add3A_143 : vector<4096x64xi32>
    %shift_left3A_145 = arith.constant 17 : i32
    %shift_left3A_146 = vector.broadcast %shift_left3A_145 : i32 to vector<4096x64xi32>
    %shift_left3A_147 = arith.shli %add3A_143, %shift_left3A_146 : vector<4096x64xi32>
    %shift_right_logical3A_148 = arith.constant 15 : i32
    %shift_right_logical3A_149 = vector.broadcast %shift_right_logical3A_148 : i32 to vector<4096x64xi32>
    %shift_right_logical3A_150 = arith.shrui %add3A_143, %shift_right_logical3A_149 : vector<4096x64xi32>
    %or3A_151 = arith.ori %shift_left3A_147, %shift_right_logical3A_150 : vector<4096x64xi32>
    %xor3A_152 = arith.xori %add3A_144, %or3A_151 : vector<4096x64xi32>
    %add3A_153 = arith.addi %add3A_144, %xor3A_152 : vector<4096x64xi32>
    %shift_left3A_154 = arith.constant 29 : i32
    %shift_left3A_155 = vector.broadcast %shift_left3A_154 : i32 to vector<4096x64xi32>
    %shift_left3A_156 = arith.shli %xor3A_152, %shift_left3A_155 : vector<4096x64xi32>
    %shift_right_logical3A_157 = arith.constant 3 : i32
    %shift_right_logical3A_158 = vector.broadcast %shift_right_logical3A_157 : i32 to vector<4096x64xi32>
    %shift_right_logical3A_159 = arith.shrui %xor3A_152, %shift_right_logical3A_158 : vector<4096x64xi32>
    %or3A_160 = arith.ori %shift_left3A_156, %shift_right_logical3A_159 : vector<4096x64xi32>
    %xor3A_161 = arith.xori %add3A_153, %or3A_160 : vector<4096x64xi32>
    %add3A_162 = arith.addi %add3A_153, %xor3A_161 : vector<4096x64xi32>
    %shift_left3A_163 = arith.constant 16 : i32
    %shift_left3A_164 = vector.broadcast %shift_left3A_163 : i32 to vector<4096x64xi32>
    %shift_left3A_165 = arith.shli %xor3A_161, %shift_left3A_164 : vector<4096x64xi32>
    %shift_right_logical3A_166 = arith.constant 16 : i32
    %shift_right_logical3A_167 = vector.broadcast %shift_right_logical3A_166 : i32 to vector<4096x64xi32>
    %shift_right_logical3A_168 = arith.shrui %xor3A_161, %shift_right_logical3A_167 : vector<4096x64xi32>
    %or3A_169 = arith.ori %shift_left3A_165, %shift_right_logical3A_168 : vector<4096x64xi32>
    %xor3A_170 = arith.xori %add3A_162, %or3A_169 : vector<4096x64xi32>
    %add3A_171 = arith.addi %add3A_162, %xor3A_170 : vector<4096x64xi32>
    %shift_left3A_172 = arith.constant 24 : i32
    %shift_left3A_173 = vector.broadcast %shift_left3A_172 : i32 to vector<4096x64xi32>
    %shift_left3A_174 = arith.shli %xor3A_170, %shift_left3A_173 : vector<4096x64xi32>
    %shift_right_logical3A_175 = arith.constant 8 : i32
    %shift_right_logical3A_176 = vector.broadcast %shift_right_logical3A_175 : i32 to vector<4096x64xi32>
    %shift_right_logical3A_177 = arith.shrui %xor3A_170, %shift_right_logical3A_176 : vector<4096x64xi32>
    %or3A_178 = arith.ori %shift_left3A_174, %shift_right_logical3A_177 : vector<4096x64xi32>
    %xor3A_179 = arith.xori %add3A_171, %or3A_178 : vector<4096x64xi32>
    %add3A_180 = vector.broadcast %xor3A_99 : i32 to vector<4096x64xi32>
    %add3A_181 = arith.addi %add3A_171, %add3A_180 : vector<4096x64xi32>
    %add3A_182 = vector.broadcast %get3A_0 : i32 to vector<4096x64xi32>
    %add3A_183 = arith.addi %xor3A_179, %add3A_182 : vector<4096x64xi32>
    %add3A_184 = arith.constant 2 : i32
    %add3A_185 = vector.broadcast %add3A_184 : i32 to vector<4096x64xi32>
    %add3A_186 = arith.addi %add3A_183, %add3A_185 : vector<4096x64xi32>
    %add3A_187 = arith.addi %add3A_181, %add3A_186 : vector<4096x64xi32>
    %shift_left3A_188 = arith.constant 13 : i32
    %shift_left3A_189 = vector.broadcast %shift_left3A_188 : i32 to vector<4096x64xi32>
    %shift_left3A_190 = arith.shli %add3A_186, %shift_left3A_189 : vector<4096x64xi32>
    %shift_right_logical3A_191 = arith.constant 19 : i32
    %shift_right_logical3A_192 = vector.broadcast %shift_right_logical3A_191 : i32 to vector<4096x64xi32>
    %shift_right_logical3A_193 = arith.shrui %add3A_186, %shift_right_logical3A_192 : vector<4096x64xi32>
    %or3A_194 = arith.ori %shift_left3A_190, %shift_right_logical3A_193 : vector<4096x64xi32>
    %xor3A_195 = arith.xori %add3A_187, %or3A_194 : vector<4096x64xi32>
    %add3A_196 = arith.addi %add3A_187, %xor3A_195 : vector<4096x64xi32>
    %shift_left3A_197 = arith.constant 15 : i32
    %shift_left3A_198 = vector.broadcast %shift_left3A_197 : i32 to vector<4096x64xi32>
    %shift_left3A_199 = arith.shli %xor3A_195, %shift_left3A_198 : vector<4096x64xi32>
    %shift_right_logical3A_200 = arith.constant 17 : i32
    %shift_right_logical3A_201 = vector.broadcast %shift_right_logical3A_200 : i32 to vector<4096x64xi32>
    %shift_right_logical3A_202 = arith.shrui %xor3A_195, %shift_right_logical3A_201 : vector<4096x64xi32>
    %or3A_203 = arith.ori %shift_left3A_199, %shift_right_logical3A_202 : vector<4096x64xi32>
    %xor3A_204 = arith.xori %add3A_196, %or3A_203 : vector<4096x64xi32>
    %add3A_205 = arith.addi %add3A_196, %xor3A_204 : vector<4096x64xi32>
    %shift_left3A_206 = arith.constant 26 : i32
    %shift_left3A_207 = vector.broadcast %shift_left3A_206 : i32 to vector<4096x64xi32>
    %shift_left3A_208 = arith.shli %xor3A_204, %shift_left3A_207 : vector<4096x64xi32>
    %shift_right_logical3A_209 = arith.constant 6 : i32
    %shift_right_logical3A_210 = vector.broadcast %shift_right_logical3A_209 : i32 to vector<4096x64xi32>
    %shift_right_logical3A_211 = arith.shrui %xor3A_204, %shift_right_logical3A_210 : vector<4096x64xi32>
    %or3A_212 = arith.ori %shift_left3A_208, %shift_right_logical3A_211 : vector<4096x64xi32>
    %xor3A_213 = arith.xori %add3A_205, %or3A_212 : vector<4096x64xi32>
    %add3A_214 = arith.addi %add3A_205, %xor3A_213 : vector<4096x64xi32>
    %shift_left3A_215 = arith.constant 6 : i32
    %shift_left3A_216 = vector.broadcast %shift_left3A_215 : i32 to vector<4096x64xi32>
    %shift_left3A_217 = arith.shli %xor3A_213, %shift_left3A_216 : vector<4096x64xi32>
    %shift_right_logical3A_218 = arith.constant 26 : i32
    %shift_right_logical3A_219 = vector.broadcast %shift_right_logical3A_218 : i32 to vector<4096x64xi32>
    %shift_right_logical3A_220 = arith.shrui %xor3A_213, %shift_right_logical3A_219 : vector<4096x64xi32>
    %or3A_221 = arith.ori %shift_left3A_217, %shift_right_logical3A_220 : vector<4096x64xi32>
    %xor3A_222 = arith.xori %add3A_214, %or3A_221 : vector<4096x64xi32>
    %add3A_223 = vector.broadcast %get3A_0 : i32 to vector<4096x64xi32>
    %add3A_224 = arith.addi %add3A_214, %add3A_223 : vector<4096x64xi32>
    %add3A_225 = vector.broadcast %get3A_2 : i32 to vector<4096x64xi32>
    %add3A_226 = arith.addi %xor3A_222, %add3A_225 : vector<4096x64xi32>
    %add3A_227 = arith.constant 3 : i32
    %add3A_228 = vector.broadcast %add3A_227 : i32 to vector<4096x64xi32>
    %add3A_229 = arith.addi %add3A_226, %add3A_228 : vector<4096x64xi32>
    %add3A_230 = arith.addi %add3A_224, %add3A_229 : vector<4096x64xi32>
    %shift_left3A_231 = arith.constant 17 : i32
    %shift_left3A_232 = vector.broadcast %shift_left3A_231 : i32 to vector<4096x64xi32>
    %shift_left3A_233 = arith.shli %add3A_229, %shift_left3A_232 : vector<4096x64xi32>
    %shift_right_logical3A_234 = arith.constant 15 : i32
    %shift_right_logical3A_235 = vector.broadcast %shift_right_logical3A_234 : i32 to vector<4096x64xi32>
    %shift_right_logical3A_236 = arith.shrui %add3A_229, %shift_right_logical3A_235 : vector<4096x64xi32>
    %or3A_237 = arith.ori %shift_left3A_233, %shift_right_logical3A_236 : vector<4096x64xi32>
    %xor3A_238 = arith.xori %add3A_230, %or3A_237 : vector<4096x64xi32>
    %add3A_239 = arith.addi %add3A_230, %xor3A_238 : vector<4096x64xi32>
    %shift_left3A_240 = arith.constant 29 : i32
    %shift_left3A_241 = vector.broadcast %shift_left3A_240 : i32 to vector<4096x64xi32>
    %shift_left3A_242 = arith.shli %xor3A_238, %shift_left3A_241 : vector<4096x64xi32>
    %shift_right_logical3A_243 = arith.constant 3 : i32
    %shift_right_logical3A_244 = vector.broadcast %shift_right_logical3A_243 : i32 to vector<4096x64xi32>
    %shift_right_logical3A_245 = arith.shrui %xor3A_238, %shift_right_logical3A_244 : vector<4096x64xi32>
    %or3A_246 = arith.ori %shift_left3A_242, %shift_right_logical3A_245 : vector<4096x64xi32>
    %xor3A_247 = arith.xori %add3A_239, %or3A_246 : vector<4096x64xi32>
    %add3A_248 = arith.addi %add3A_239, %xor3A_247 : vector<4096x64xi32>
    %shift_left3A_249 = arith.constant 16 : i32
    %shift_left3A_250 = vector.broadcast %shift_left3A_249 : i32 to vector<4096x64xi32>
    %shift_left3A_251 = arith.shli %xor3A_247, %shift_left3A_250 : vector<4096x64xi32>
    %shift_right_logical3A_252 = arith.constant 16 : i32
    %shift_right_logical3A_253 = vector.broadcast %shift_right_logical3A_252 : i32 to vector<4096x64xi32>
    %shift_right_logical3A_254 = arith.shrui %xor3A_247, %shift_right_logical3A_253 : vector<4096x64xi32>
    %or3A_255 = arith.ori %shift_left3A_251, %shift_right_logical3A_254 : vector<4096x64xi32>
    %xor3A_256 = arith.xori %add3A_248, %or3A_255 : vector<4096x64xi32>
    %add3A_257 = arith.addi %add3A_248, %xor3A_256 : vector<4096x64xi32>
    %shift_left3A_258 = arith.constant 24 : i32
    %shift_left3A_259 = vector.broadcast %shift_left3A_258 : i32 to vector<4096x64xi32>
    %shift_left3A_260 = arith.shli %xor3A_256, %shift_left3A_259 : vector<4096x64xi32>
    %shift_right_logical3A_261 = arith.constant 8 : i32
    %shift_right_logical3A_262 = vector.broadcast %shift_right_logical3A_261 : i32 to vector<4096x64xi32>
    %shift_right_logical3A_263 = arith.shrui %xor3A_256, %shift_right_logical3A_262 : vector<4096x64xi32>
    %or3A_264 = arith.ori %shift_left3A_260, %shift_right_logical3A_263 : vector<4096x64xi32>
    %xor3A_265 = arith.xori %add3A_257, %or3A_264 : vector<4096x64xi32>
    %add3A_266 = vector.broadcast %get3A_2 : i32 to vector<4096x64xi32>
    %add3A_267 = arith.addi %add3A_257, %add3A_266 : vector<4096x64xi32>
    %add3A_268 = vector.broadcast %xor3A_99 : i32 to vector<4096x64xi32>
    %add3A_269 = arith.addi %xor3A_265, %add3A_268 : vector<4096x64xi32>
    %add3A_270 = arith.constant 4 : i32
    %add3A_271 = vector.broadcast %add3A_270 : i32 to vector<4096x64xi32>
    %add3A_272 = arith.addi %add3A_269, %add3A_271 : vector<4096x64xi32>
    %add3A_273 = arith.addi %add3A_267, %add3A_272 : vector<4096x64xi32>
    %shift_left3A_274 = arith.constant 13 : i32
    %shift_left3A_275 = vector.broadcast %shift_left3A_274 : i32 to vector<4096x64xi32>
    %shift_left3A_276 = arith.shli %add3A_272, %shift_left3A_275 : vector<4096x64xi32>
    %shift_right_logical3A_277 = arith.constant 19 : i32
    %shift_right_logical3A_278 = vector.broadcast %shift_right_logical3A_277 : i32 to vector<4096x64xi32>
    %shift_right_logical3A_279 = arith.shrui %add3A_272, %shift_right_logical3A_278 : vector<4096x64xi32>
    %or3A_280 = arith.ori %shift_left3A_276, %shift_right_logical3A_279 : vector<4096x64xi32>
    %xor3A_281 = arith.xori %add3A_273, %or3A_280 : vector<4096x64xi32>
    %add3A_282 = arith.addi %add3A_273, %xor3A_281 : vector<4096x64xi32>
    %shift_left3A_283 = arith.constant 15 : i32
    %shift_left3A_284 = vector.broadcast %shift_left3A_283 : i32 to vector<4096x64xi32>
    %shift_left3A_285 = arith.shli %xor3A_281, %shift_left3A_284 : vector<4096x64xi32>
    %shift_right_logical3A_286 = arith.constant 17 : i32
    %shift_right_logical3A_287 = vector.broadcast %shift_right_logical3A_286 : i32 to vector<4096x64xi32>
    %shift_right_logical3A_288 = arith.shrui %xor3A_281, %shift_right_logical3A_287 : vector<4096x64xi32>
    %or3A_289 = arith.ori %shift_left3A_285, %shift_right_logical3A_288 : vector<4096x64xi32>
    %xor3A_290 = arith.xori %add3A_282, %or3A_289 : vector<4096x64xi32>
    %add3A_291 = arith.addi %add3A_282, %xor3A_290 : vector<4096x64xi32>
    %shift_left3A_292 = arith.constant 26 : i32
    %shift_left3A_293 = vector.broadcast %shift_left3A_292 : i32 to vector<4096x64xi32>
    %shift_left3A_294 = arith.shli %xor3A_290, %shift_left3A_293 : vector<4096x64xi32>
    %shift_right_logical3A_295 = arith.constant 6 : i32
    %shift_right_logical3A_296 = vector.broadcast %shift_right_logical3A_295 : i32 to vector<4096x64xi32>
    %shift_right_logical3A_297 = arith.shrui %xor3A_290, %shift_right_logical3A_296 : vector<4096x64xi32>
    %or3A_298 = arith.ori %shift_left3A_294, %shift_right_logical3A_297 : vector<4096x64xi32>
    %xor3A_299 = arith.xori %add3A_291, %or3A_298 : vector<4096x64xi32>
    %add3A_300 = arith.addi %add3A_291, %xor3A_299 : vector<4096x64xi32>
    %shift_left3A_301 = arith.constant 6 : i32
    %shift_left3A_302 = vector.broadcast %shift_left3A_301 : i32 to vector<4096x64xi32>
    %shift_left3A_303 = arith.shli %xor3A_299, %shift_left3A_302 : vector<4096x64xi32>
    %shift_right_logical3A_304 = arith.constant 26 : i32
    %shift_right_logical3A_305 = vector.broadcast %shift_right_logical3A_304 : i32 to vector<4096x64xi32>
    %shift_right_logical3A_306 = arith.shrui %xor3A_299, %shift_right_logical3A_305 : vector<4096x64xi32>
    %or3A_307 = arith.ori %shift_left3A_303, %shift_right_logical3A_306 : vector<4096x64xi32>
    %xor3A_308 = arith.xori %add3A_300, %or3A_307 : vector<4096x64xi32>
    %add3A_309 = vector.broadcast %xor3A_99 : i32 to vector<4096x64xi32>
    %add3A_310 = arith.addi %add3A_300, %add3A_309 : vector<4096x64xi32>
    %add3A_311 = vector.broadcast %get3A_0 : i32 to vector<4096x64xi32>
    %add3A_312 = arith.addi %xor3A_308, %add3A_311 : vector<4096x64xi32>
    %add3A_313 = arith.constant 5 : i32
    %add3A_314 = vector.broadcast %add3A_313 : i32 to vector<4096x64xi32>
    %add3A_315 = arith.addi %add3A_312, %add3A_314 : vector<4096x64xi32>
    %xor3A_316 = arith.xori %add3A_310, %add3A_315 : vector<4096x64xi32>
    %shift_right_logical3A_317 = arith.constant 9 : i32
    %shift_right_logical3A_318 = vector.broadcast %shift_right_logical3A_317 : i32 to vector<4096x64xi32>
    %shift_right_logical3A_319 = arith.shrui %xor3A_316, %shift_right_logical3A_318 : vector<4096x64xi32>
    %or3A_320 = arith.constant 1065353216 : i32
    %or3A_321 = vector.broadcast %or3A_320 : i32 to vector<4096x64xi32>
    %or3A_322 = arith.ori %shift_right_logical3A_319, %or3A_321 : vector<4096x64xi32>
    %bitcast_convert_type3A = tpu.bitcast %or3A_322 : vector<4096x64xi32> -> vector<4096x64xf32>
    %sub3A = arith.constant 1.000000e+00 : f32
    %sub3A_323 = vector.broadcast %sub3A : f32 to vector<4096x64xf32>
    %sub3A_324 = arith.subf %bitcast_convert_type3A, %sub3A_323 : vector<4096x64xf32>
    %sub3A_325 = arith.constant 1.000000e+00 : f32
    %sub3A_326 = arith.constant -0.99999994 : f32
    %sub3A_327 = arith.subf %sub3A_325, %sub3A_326 : f32
    %mul3A_328 = vector.broadcast %sub3A_327 : f32 to vector<4096x64xf32>
    %mul3A_329 = arith.mulf %sub3A_324, %mul3A_328 : vector<4096x64xf32>
    %add3A_330 = arith.constant -0.99999994 : f32
    %add3A_331 = vector.broadcast %add3A_330 : f32 to vector<4096x64xf32>
    %add3A_332 = arith.addf %mul3A_329, %add3A_331 : vector<4096x64xf32>
    %max3A = arith.constant -0.99999994 : f32
    %max3A_333 = vector.broadcast %max3A : f32 to vector<4096x64xf32>
    %max3A_334 = arith.maximumf %max3A_333, %add3A_332 : vector<4096x64xf32>
    %erf_inv3A = arith.constant 0.000000e+00 : f32
    %erf_inv3A_335 = vector.broadcast %erf_inv3A : f32 to vector<4096x64xf32>
    %erf_inv3A_336 = arith.subf %erf_inv3A_335, %max3A_334 : vector<4096x64xf32>
    %erf_inv3A_337 = arith.mulf %max3A_334, %erf_inv3A_336 : vector<4096x64xf32>
    %erf_inv3A_338 = math.log1p %erf_inv3A_337 : vector<4096x64xf32>
    %erf_inv3A_339 = arith.constant 0.000000e+00 : f32
    %erf_inv3A_340 = vector.broadcast %erf_inv3A_339 : f32 to vector<4096x64xf32>
    %erf_inv3A_341 = arith.subf %erf_inv3A_340, %erf_inv3A_338 : vector<4096x64xf32>
    %erf_inv3A_342 = arith.constant 5.000000e+00 : f32
    %erf_inv3A_343 = vector.broadcast %erf_inv3A_342 : f32 to vector<4096x64xf32>
    %erf_inv3A_344 = arith.cmpf olt, %erf_inv3A_341, %erf_inv3A_343 : vector<4096x64xf32>
    %erf_inv3A_345 = arith.constant 2.500000e+00 : f32
    %erf_inv3A_346 = vector.broadcast %erf_inv3A_345 : f32 to vector<4096x64xf32>
    %erf_inv3A_347 = arith.subf %erf_inv3A_341, %erf_inv3A_346 : vector<4096x64xf32>
    %erf_inv3A_348 = math.sqrt %erf_inv3A_341 : vector<4096x64xf32>
    %erf_inv3A_349 = arith.constant 3.000000e+00 : f32
    %erf_inv3A_350 = vector.broadcast %erf_inv3A_349 : f32 to vector<4096x64xf32>
    %erf_inv3A_351 = arith.subf %erf_inv3A_348, %erf_inv3A_350 : vector<4096x64xf32>
    %erf_inv3A_352 = arith.select %erf_inv3A_344, %erf_inv3A_347, %erf_inv3A_351 : vector<4096x64xi1>, vector<4096x64xf32>
    %erf_inv3A_353 = arith.constant 2.81022636E-8 : f32
    %erf_inv3A_354 = arith.constant -2.00214257E-4 : f32
    %erf_inv3A_355 = vector.broadcast %erf_inv3A_353 : f32 to vector<4096x64xf32>
    %erf_inv3A_356 = vector.broadcast %erf_inv3A_354 : f32 to vector<4096x64xf32>
    %erf_inv3A_357 = arith.select %erf_inv3A_344, %erf_inv3A_355, %erf_inv3A_356 : vector<4096x64xi1>, vector<4096x64xf32>
    %erf_inv3A_358 = arith.constant 3.43273939E-7 : f32
    %erf_inv3A_359 = arith.constant 1.00950558E-4 : f32
    %erf_inv3A_360 = vector.broadcast %erf_inv3A_358 : f32 to vector<4096x64xf32>
    %erf_inv3A_361 = vector.broadcast %erf_inv3A_359 : f32 to vector<4096x64xf32>
    %erf_inv3A_362 = arith.select %erf_inv3A_344, %erf_inv3A_360, %erf_inv3A_361 : vector<4096x64xi1>, vector<4096x64xf32>
    %erf_inv3A_363 = arith.mulf %erf_inv3A_357, %erf_inv3A_352 : vector<4096x64xf32>
    %erf_inv3A_364 = arith.addf %erf_inv3A_362, %erf_inv3A_363 : vector<4096x64xf32>
    %erf_inv3A_365 = arith.constant -3.5233877E-6 : f32
    %erf_inv3A_366 = arith.constant 0.00134934322 : f32
    %erf_inv3A_367 = vector.broadcast %erf_inv3A_365 : f32 to vector<4096x64xf32>
    %erf_inv3A_368 = vector.broadcast %erf_inv3A_366 : f32 to vector<4096x64xf32>
    %erf_inv3A_369 = arith.select %erf_inv3A_344, %erf_inv3A_367, %erf_inv3A_368 : vector<4096x64xi1>, vector<4096x64xf32>
    %erf_inv3A_370 = arith.mulf %erf_inv3A_364, %erf_inv3A_352 : vector<4096x64xf32>
    %erf_inv3A_371 = arith.addf %erf_inv3A_369, %erf_inv3A_370 : vector<4096x64xf32>
    %erf_inv3A_372 = arith.constant -4.39150654E-6 : f32
    %erf_inv3A_373 = arith.constant -0.00367342844 : f32
    %erf_inv3A_374 = vector.broadcast %erf_inv3A_372 : f32 to vector<4096x64xf32>
    %erf_inv3A_375 = vector.broadcast %erf_inv3A_373 : f32 to vector<4096x64xf32>
    %erf_inv3A_376 = arith.select %erf_inv3A_344, %erf_inv3A_374, %erf_inv3A_375 : vector<4096x64xi1>, vector<4096x64xf32>
    %erf_inv3A_377 = arith.mulf %erf_inv3A_371, %erf_inv3A_352 : vector<4096x64xf32>
    %erf_inv3A_378 = arith.addf %erf_inv3A_376, %erf_inv3A_377 : vector<4096x64xf32>
    %erf_inv3A_379 = arith.constant 2.1858087E-4 : f32
    %erf_inv3A_380 = arith.constant 0.00573950773 : f32
    %erf_inv3A_381 = vector.broadcast %erf_inv3A_379 : f32 to vector<4096x64xf32>
    %erf_inv3A_382 = vector.broadcast %erf_inv3A_380 : f32 to vector<4096x64xf32>
    %erf_inv3A_383 = arith.select %erf_inv3A_344, %erf_inv3A_381, %erf_inv3A_382 : vector<4096x64xi1>, vector<4096x64xf32>
    %erf_inv3A_384 = arith.mulf %erf_inv3A_378, %erf_inv3A_352 : vector<4096x64xf32>
    %erf_inv3A_385 = arith.addf %erf_inv3A_383, %erf_inv3A_384 : vector<4096x64xf32>
    %erf_inv3A_386 = arith.constant -0.00125372503 : f32
    %erf_inv3A_387 = arith.constant -0.0076224613 : f32
    %erf_inv3A_388 = vector.broadcast %erf_inv3A_386 : f32 to vector<4096x64xf32>
    %erf_inv3A_389 = vector.broadcast %erf_inv3A_387 : f32 to vector<4096x64xf32>
    %erf_inv3A_390 = arith.select %erf_inv3A_344, %erf_inv3A_388, %erf_inv3A_389 : vector<4096x64xi1>, vector<4096x64xf32>
    %erf_inv3A_391 = arith.mulf %erf_inv3A_385, %erf_inv3A_352 : vector<4096x64xf32>
    %erf_inv3A_392 = arith.addf %erf_inv3A_390, %erf_inv3A_391 : vector<4096x64xf32>
    %erf_inv3A_393 = arith.constant -0.00417768164 : f32
    %erf_inv3A_394 = arith.constant 0.00943887047 : f32
    %erf_inv3A_395 = vector.broadcast %erf_inv3A_393 : f32 to vector<4096x64xf32>
    %erf_inv3A_396 = vector.broadcast %erf_inv3A_394 : f32 to vector<4096x64xf32>
    %erf_inv3A_397 = arith.select %erf_inv3A_344, %erf_inv3A_395, %erf_inv3A_396 : vector<4096x64xi1>, vector<4096x64xf32>
    %erf_inv3A_398 = arith.mulf %erf_inv3A_392, %erf_inv3A_352 : vector<4096x64xf32>
    %erf_inv3A_399 = arith.addf %erf_inv3A_397, %erf_inv3A_398 : vector<4096x64xf32>
    %erf_inv3A_400 = arith.constant 0.246640727 : f32
    %erf_inv3A_401 = arith.constant 1.00167406 : f32
    %erf_inv3A_402 = vector.broadcast %erf_inv3A_400 : f32 to vector<4096x64xf32>
    %erf_inv3A_403 = vector.broadcast %erf_inv3A_401 : f32 to vector<4096x64xf32>
    %erf_inv3A_404 = arith.select %erf_inv3A_344, %erf_inv3A_402, %erf_inv3A_403 : vector<4096x64xi1>, vector<4096x64xf32>
    %erf_inv3A_405 = arith.mulf %erf_inv3A_399, %erf_inv3A_352 : vector<4096x64xf32>
    %erf_inv3A_406 = arith.addf %erf_inv3A_404, %erf_inv3A_405 : vector<4096x64xf32>
    %erf_inv3A_407 = arith.constant 1.50140941 : f32
    %erf_inv3A_408 = arith.constant 2.83297682 : f32
    %erf_inv3A_409 = vector.broadcast %erf_inv3A_407 : f32 to vector<4096x64xf32>
    %erf_inv3A_410 = vector.broadcast %erf_inv3A_408 : f32 to vector<4096x64xf32>
    %erf_inv3A_411 = arith.select %erf_inv3A_344, %erf_inv3A_409, %erf_inv3A_410 : vector<4096x64xi1>, vector<4096x64xf32>
    %erf_inv3A_412 = arith.mulf %erf_inv3A_406, %erf_inv3A_352 : vector<4096x64xf32>
    %erf_inv3A_413 = arith.addf %erf_inv3A_411, %erf_inv3A_412 : vector<4096x64xf32>
    %erf_inv3A_414 = math.absf %max3A_334 : vector<4096x64xf32>
    %erf_inv3A_415 = arith.constant 1.000000e+00 : f32
    %erf_inv3A_416 = vector.broadcast %erf_inv3A_415 : f32 to vector<4096x64xf32>
    %erf_inv3A_417 = arith.cmpf oeq, %erf_inv3A_414, %erf_inv3A_416 : vector<4096x64xf32>
    %erf_inv3A_418 = arith.constant 0x7F800000 : f32
    %erf_inv3A_419 = vector.broadcast %erf_inv3A_418 : f32 to vector<4096x64xf32>
    %erf_inv3A_420 = arith.mulf %erf_inv3A_419, %max3A_334 : vector<4096x64xf32>
    %erf_inv3A_421 = arith.mulf %erf_inv3A_413, %max3A_334 : vector<4096x64xf32>
    %erf_inv3A_422 = arith.select %erf_inv3A_417, %erf_inv3A_420, %erf_inv3A_421 : vector<4096x64xi1>, vector<4096x64xf32>
    %mul3A_423 = arith.constant 1.41421354 : f32
    %mul3A_424 = vector.broadcast %mul3A_423 : f32 to vector<4096x64xf32>
    %mul3A_425 = arith.mulf %mul3A_424, %erf_inv3A_422 : vector<4096x64xf32>
    %add3A_426 = arith.addf %dot_general3A_87, %dot_general3A_92 : vector<4096x64xf32>
    %mul3A_427 = arith.constant 0.00999999977 : f32
    %mul3A_428 = vector.broadcast %mul3A_427 : f32 to vector<4096x64xf32>
    %mul3A_429 = arith.mulf %mul3A_428, %mul3A_425 : vector<4096x64xf32>
    %add3A_430 = arith.addf %add3A_426, %mul3A_429 : vector<4096x64xf32>
    %swap3A_431 = arith.constant 0 : index
    %swap3A_432 = arith.constant 0 : index
    %swap3A_433 = vector.load %arg5[%swap3A_431, %swap3A_432] : memref<4096x64xf32, #tpu.memory_space<vmem>>, vector<4096x64xf32>
    tpu.vector_store %arg5[%swap3A_431, %swap3A_432], %add3A_430 {strides = array<i32>} : memref<4096x64xf32, #tpu.memory_space<vmem>>, vector<4096x64xf32>,
    return
  }
}

</mosaic_0001>

<sc_bundles>
// kernel: kernel.11.cloned.1.call-start
scs
__scs_entry_jumppad:
0x0: {  	(pc) =	sbr.rel $0x88, $3  }
0x1: {  	(tag) =	ssettag $0x0;
	lr =	simm.s32 $0x1  }
0x2: {  	[smem:$0x3F9A] =	sst lr;
	_ =	strace $0xD0000000  }
0x3: {  	_ = 	snop  }
0x4: {  	_ = 	snop  }
0x5: {  	_ = 	snop  }
0x6: {  	_ = 	snop  }
0x7: {  	_ = 	snop  }
__scs_overlays_trampoline_lowered:
0x8: {  	[smem:$0x3FA9] =	sst s0  }
0x9: {  	[smem:$0x3FAA] =	sst s1  }
0xa: {  	[smem:$0x3FAB] =	sst s2  }
0xb: {  	[smem:$0x3FAC] =	sst s3  }
0xc: {  	[smem:$0x3FAD] =	sst s4  }
0xd: {  	[smem:$0x3FAE] =	sst s5  }
0xe: {  	[smem:$0x3FAF] =	sst s6  }
0xf: {  	[smem:$0x3FB0] =	sst s7  }
0x10: {  	[smem:$0x3FB1] =	sst s8  }
0x11: {  	[smem:$0x3FB2] =	sst s9;
	s0 =	simm.s32 @!p0 $0x0  }
0x12: {  	s1 =	sld [smem:$0x3F98];
	s0 =	simm.s32 @p0 $0x1  }
0x13: {  	[smem:$0x3FB3] =	sst s0;
	s0 =	simm.s32 @!p1 $0x0  }
0x14: {  	s2 =	sld [smem:$0x3F97];
	s0 =	simm.s32 @p1 $0x1  }
0x15: {  	[smem:$0x3FB4] =	sst s0;
	s0 =	simm.s32 @!p2 $0x0  }
0x16: {  	s3 =	sld [smem:$0x3FDB];
	s0 =	simm.s32 @p2 $0x1  }
0x17: {  	s4 =	simm.s32 $0x1BF5;
	[smem:$0x3FB6] =	sst s0  }
0x18: {  	s0 =	sld [smem:$0x3F99];
	_ =	swait.ge [sflag:s4], $0x0  }
0x19: {  	s7 =	sld [smem:$0x3F9A]  }
0x1a: {  	s8 =	sadd.s32 $0xFFFFE003, lr  }
0x1b: {  	s9 =	sadd.s32 $0xFFFFFEF7, lr;
	s5 =	simm.s32 $0xFFFFFFFF;
	p2 =	slt.u32 s8, $0xFFFFF086  }
0x1c: {  	p1 =	slt.u32 s9, $0xF7A;
	s5 =	simm.s32 @!p2 $0x0  }
0x1d: {  	s5 =	simm.s32 @p1 $0x1;
	p0 =	seq.s32 s7, s2  }
0x1e: {  	s7 =	smul.u32 @!p0 $0xF7A, s2;
	p2 =	seq.s32 @!p0 s5, $0x0  }
0x1f: {  	s9 =	smul.u32 $0xF7A, s1;
	s8 =	simm.s32 @!p0 $0x1BF5;
	p2 =	por !p2, p0  }
0x20: {  	[sflag:s8] =	ssyncset.s32 @!p0 $0xFFFFF086;
	s6 =	sadd.s32 @!p0 s3, s7;
	s7 =	simm.s32 @!p0 $0x108  }
0x21: {  	s3 =	sadd.s32 s3, s9;
	s6 =	sadd.s32 @!p0 $0x88, s6;
	s7 =	simm.s32 @p2 $0x1082  }
0x22: {  	[simem:s7], [sflag:s8] =	dma.local @!p0 [hbm:s6], $0xF7A  }
0x23: {  	s9 =	sor.u32 $0xD0000000, s2;
	s6 =	simm.s32 $0x108;
	_ =	swait.ge @!p0 [sflag:s8], $0x0  }
0x24: {  	s3 =	sadd.s32 $0x88, s3;
	s6 =	simm.s32 @!p1 $0x1082;
	[sflag:s4] =	ssyncset.s32 $0xFFFFF086  }
0x25: {  	[simem:s6], [sflag:s4] =	dma.local [hbm:s3], $0xF7A  }
0x26: {  	[smem:$0x3F9A] =	sst s1;
	(tag) =	ssettag s2;
	_ =	strace s9  }
0x27: {  	s1 =	sld [smem:$0x3FAA]  }
0x28: {  	s2 =	sld [smem:$0x3FAB]  }
0x29: {  	s4 =	sld [smem:$0x3FAD]  }
0x2a: {  	p0 =	seq.s32 s5, $0x0;
	s5 =	sld [smem:$0x3FAE]  }
0x2b: {  	s6 =	sld [smem:$0x3FAF]  }
0x2c: {  	s7 =	sld [smem:$0x3FB0]  }
0x2d: {  	s3 =	simm.s32 $0x108;
	s8 =	sld [smem:$0x3FB1]  }
0x2e: {  	s3 =	simm.s32 @!p0 $0x1082;
	s9 =	sld [smem:$0x3FB2]  }
0x2f: {  	lr =	sadd.s32 s0, s3;
	s0 =	sld [smem:$0x3FA9]  }
0x30: {  	s3 =	sld [smem:$0x3FAC]  }
0x31: {  	[smem:$0x3FB5] =	sst s10  }
0x32: {  	s10 =	sld [smem:$0x3FB3];
	_ =	sdelay $0x3  }
0x33: {  	p0 =	seq.s32 s10, $0x1;
	s10 =	sld [smem:$0x3FB5];
	_ =	sdelay $0x3  }
0x34: {  	[smem:$0x3FB5] =	sst s10  }
0x35: {  	s10 =	sld [smem:$0x3FB4];
	_ =	sdelay $0x3  }
0x36: {  	p1 =	seq.s32 s10, $0x1;
	s10 =	sld [smem:$0x3FB5];
	_ =	sdelay $0x3  }
0x37: {  	[smem:$0x3FB5] =	sst s10  }
0x38: {  	s10 =	sld [smem:$0x3FB6]  }
0x39: {  	_ = 	snop;
	(pc) =	sbr.ind lr, $3  }
0x3a: {  	_ = 	snop  }
0x3b: {  	_ = 	snop  }
0x3c: {  	p2 =	seq.s32 s10, $0x1;
	s10 =	sld [smem:$0x3FB5]  }
0x3d: {  	_ =	shalt  }
0x3e: {  	_ =	shalt  }
0x3f: {  	_ =	shalt  }
0x40: {  	_ =	shalt  }
0x41: {  	_ =	shalt  }
0x42: {  	_ =	shalt  }
0x43: {  	_ =	shalt  }
0x44: {  	_ =	shalt  }
0x45: {  	_ =	shalt  }
0x46: {  	_ =	shalt  }
0x47: {  	_ =	shalt  }
0x48: {  	_ =	shalt  }
0x49: {  	_ =	shalt  }
0x4a: {  	_ =	shalt  }
0x4b: {  	_ =	shalt  }
0x4c: {  	_ =	shalt  }
0x4d: {  	_ =	shalt  }
0x4e: {  	_ =	shalt  }
0x4f: {  	_ =	shalt  }
0x50: {  	_ =	shalt  }
0x51: {  	_ =	shalt  }
0x52: {  	_ =	shalt  }
0x53: {  	_ =	shalt  }
0x54: {  	_ =	shalt  }
0x55: {  	_ =	shalt  }
0x56: {  	_ =	shalt  }
0x57: {  	_ =	shalt  }
0x58: {  	_ =	shalt  }
0x59: {  	_ =	shalt  }
0x5a: {  	_ =	shalt  }
0x5b: {  	_ =	shalt  }
0x5c: {  	_ =	shalt  }
0x5d: {  	_ =	shalt  }
0x5e: {  	_ =	shalt  }
0x5f: {  	_ =	shalt  }
0x60: {  	_ =	shalt  }
0x61: {  	_ =	shalt  }
0x62: {  	_ =	shalt  }
0x63: {  	_ =	shalt  }
0x64: {  	_ =	shalt  }
0x65: {  	_ =	shalt  }
0x66: {  	_ =	shalt  }
0x67: {  	_ =	shalt  }
0x68: {  	_ =	shalt  }
0x69: {  	_ =	shalt  }
0x6a: {  	_ =	shalt  }
0x6b: {  	_ =	shalt  }
0x6c: {  	_ =	shalt  }
0x6d: {  	_ =	shalt  }
0x6e: {  	_ =	shalt  }
0x6f: {  	_ =	shalt  }
0x70: {  	_ =	shalt  }
0x71: {  	_ =	shalt  }
0x72: {  	_ =	shalt  }
0x73: {  	_ =	shalt  }
0x74: {  	_ =	shalt  }
0x75: {  	_ =	shalt  }
0x76: {  	_ =	shalt  }
0x77: {  	_ =	shalt  }
0x78: {  	_ =	shalt  }
0x79: {  	_ =	shalt  }
0x7a: {  	_ =	shalt  }
0x7b: {  	_ =	shalt  }
0x7c: {  	_ =	shalt  }
0x7d: {  	_ =	shalt  }
0x7e: {  	_ =	shalt  }
0x7f: {  	_ =	shalt  }
0x80: {  	_ =	shalt  }
0x81: {  	_ =	shalt  }
0x82: {  	_ =	shalt  }
0x83: {  	_ =	shalt  }
0x84: {  	_ =	shalt  }
0x85: {  	_ =	shalt  }
0x86: {  	_ =	shalt  }
0x87: {  	_ =	shalt  }
.Lfunc_end0:
.L_simem_size_0:
called_computation_lowered:
.L_overlay_start_0:
0x88: {  	s2 =	sld [smem:$0x3FD9]  }
0x89: {  	s3 =	sld [smem:$0x3FFE];
	_ =	sdelay $0x1  }
0x8a: {  	s1 =	srdreg.scid  }
0x8b: {  	s0 =	sand.u32 $0x1, s1  }
0x8c: {  	s14 =	sshll.u32 s0, $0xA;
	s2 =	sadd.s32 s3, s2  }
0x8d: {  	s2 =	sadd.s32 s2, s14  }
0x8e: {  	[smem:$0x3FC1] =	sst s2  }
0x8f: {  	_ = 	snop  }
0x90: {  	s2 =	sld [smem:$0x3FD0];
	_ =	sdelay $0x2  }
0x91: {  	s15 =	simm.s32 $0xA;
	s4 =	simm.s32 $0x10  }
0x92: {  	[smem:s4], [sflag:s15] =	dma.local [hbm:s2], $0x1  }
0x93: {  	_ =	swait.eq [sflag:s15], $0x1  }
0x94: {  	[sflag:s15] =	ssyncset.done $0x0  }
0x95: {  	[sflag:s15] =	ssyncadd.s32 $0xFFFFFFFF  }
0x96: {  	s16 =	sld [smem:$0x10];
	(tm) =	ssettm $0x1  }
0x97: {  	s17 =	sld [smem:$0x3FFB];
	_ =	sdelay $0x3  }
0x98: {  	_ =	strace s17  }
0x99: {  	s3 =	sld [smem:$0x3FFC];
	_ =	sdelay $0x3  }
0x9a: {  	_ =	strace s3  }
0x9b: {  	s3 =	sld [smem:$0x3FFD];
	_ =	sdelay $0x3  }
0x9c: {  	_ =	strace s3  }
0x9d: {  	_ =	strace $0x8FFFFFFF  }
0x9e: {  	s18 =	sld [smem:$0x3FDB];
	_ =	sdelay $0x1  }
0x9f: {  	s19 =	simm.s32 $_scs_section_size  }
0xa0: {  	s5 =	simm.s32 $_size__tile_overlayer_lowered;
	s6 =	simm.s32 $_tile_overlayer_lowered  }
0xa1: {  	s22 =	simm.s32 $0x1BFF;
	s21 =	sshll.u32 s6, $0x1;
	s3 =	sadd.s32 s19, s18  }
0xa2: {  	s7 =	simm.s32 $0x0;
	s20 =	sshll.u32 s5, $0x1;
	s5 =	sadd.s32 s21, s3  }
0xa3: {  	[timem:s7], [sflag:s22] =	dma.local [hbm:s5], s20  }
0xa4: {  	_ =	swait.ge [sflag:s22], s20  }
0xa5: {  	s4 =	ssub.s32 $0x0, s20;
	[sflag:s22] =	ssyncset.done $0x0  }
0xa6: {  	[sflag:s22] =	ssyncadd.s32 s4;
	_ =	sdelay $0x1  }
0xa7: {  	s23 =	simm.s32 $0x1B8B  }
0xa8: {  	_ =	swait.ge [sflag:s23], $0x1  }
0xa9: {  	[sflag:s23] =	ssyncset.done $0x0  }
0xaa: {  	s25 =	simm.s32 $0x1B8E;
	s24 =	sld [smem:$0x3FFE];
	[sflag:s23] =	ssyncadd.s32 $0xFFFFFFFF  }
0xab: {  	s26 =	simm.s32 $execute0_lowered;
	[smem:$0x3FD2] =	sst s25  }
0xac: {  	s5 =	sshll.u32 s26, $0x1;
	_ =	strace $0x80000046;
	[dreg:$0x1] =	wrdreg $0xFFFFFFFF  }
0xad: {  	s28 =	simm.s32 $_size_execute0_lowered;
	s3 =	sadd.s32 s3, s5;
	[dreg:$0x0] =	wrdreg $0x0  }
0xae: {  	s5 =	sshll.u32 s28, $0x1;
	[dreg:$0x2] =	wrdreg s3  }
0xaf: {  	[dreg:$0x3] =	wrdreg s5  }
0xb0: {  	[dreg:$0x4] =	wrdreg $0xC0  }
0xb1: {  	_ =	task [dreg:s7], $0x5FFFF  }
0xb2: {  	[dreg:$0x1] =	wrdreg $0xFFFFFFFF  }
0xb3: {  	[dreg:$0x0] =	wrdreg $0x60  }
0xb4: {  	[dreg:$0x2] =	wrdreg s16  }
0xb5: {  	[dreg:$0x3] =	wrdreg s24  }
0xb6: {  	[dreg:$0x4] =	wrdreg $0x9  }
0xb7: {  	_ =	task.clear_ibuf [dreg:s7], $0x5FFFF;
	_ =	strace $0x90000046  }
0xb8: {  	s29 =	simm.s32 $0x9;
	_ =	strace $0x80000048  }
0xb9: {  	_ =	swait.ge [sflag:s29], $0x1  }
0xba: {  	[sflag:s29] =	ssyncadd.s32 $0xFFFFFFFF  }
0xbb: {  	_ =	strace $0x90000048  }
0xbc: {  	_ =	sfence  }
0xbd: {  	s30 =	sld [smem:$0x0];
	_ =	sdelay $0x2  }
0xbe: {  	s31 =	sshll.u32 s1, $0xD;
	s1 =	sshrl.u32 s1, $0x2  }
0xbf: {  	s3 =	sand.u32 $0x4000, s31;
	s1 =	sadd.s32 s1, s30  }
0xc0: {  	s0 =	sor.u32 s3, s0;
	s1 =	sshll.u32 s1, $0x11  }
0xc1: {  	s0 =	sor.u32 s1, s0  }
0xc2: {  	s0 =	sadd.s32 $0x8F2B, s0  }
0xc3: {  	[sflag:s0] =	ssyncadd.remote.s32 $0x1  }
0xc4: {  	_ =	sfence.sel $0xFFFF  }
0xc5: {  	[dreg:$0x0] =	wrdreg $0xFFFFFFFF;
	(pc) =	sbr.abs _section_cstart, $3  }
0xc6: {  	[dreg:$0x1] =	wrdreg $0xFFFFFFFF  }
0xc7: {  	_ =	task.clear_ibuf [dreg:s7], $0x2FFFF;
	_ =	strace $0x9FFFFFFF  }
0xc8: {  	(tm) =	ssettm $0x7FFFFFFF  }
0xc9: {  	_ =	shalt  }
tec
execute0_lowered:
.L_overlay_start_1:
0x0: {  	(tag) =	ssettag $0x1  }
0x1: {  	s4 =	rddreg [dreg:$0x0]  }
0x2: {  	s5 =	rddreg [dreg:$0x1]  }
0x3: {  	s0 =	rddreg [dreg:$0x2];
	s3 =	srdreg.scid  }
0x4: {  	s2 =	simm.s32 $0x0;
	s1 =	stileid.u32;
	s10 =	simm.s32 $0x1100  }
0x5: {  	s11 =	simm.s32 $0x1900;
	s12 =	simm.s32 $0x2100;
	s13 =	simm.s32 $0x2900  }
0x6: {  	s14 =	simm.s32 $0x3100;
	s15 =	simm.s32 $0x3900;
	s16 =	simm.s32 $0x4100  }
0x7: {  	s17 =	simm.s32 $0x4900;
	s18 =	simm.s32 $0x5100;
	s19 =	simm.s32 $0x5900  }
0x8: {  	s20 =	simm.s32 $0x6100;
	s21 =	simm.s32 $0x6900;
	s22 =	simm.s32 $0x7100  }
0x9: {  	s23 =	simm.s32 $0x7900;
	s24 =	simm.s32 $0x1;
	s3 =	sand.u32 $0x1, s3  }
0xa: {  	[smem:$0x7FF] =	sst s2;
	s6 =	sshll.u32 s1, $0x8;
	s7 =	sshll.u32 s3, $0x7  }
0xb: {  	_ =	strace $0x80000047;
	s31 =	ssub.s32 $0x2, s3;
	s6 =	sor.u32 s7, s6  }
0xc: {  	s3 =	sadd.s32 $0x1200, s5;
	s9 =	sshrl.u32 s31, $0x1;
	s8 =	sshll.u32 s6, $0x5  }
0xd: {  	v2 =	vlaneseq.u32;
	s7 =	ssub.s32 s31, s9;
	s6 =	sshrl.u32 s6, $0x3;
	s9 =	simm.s32 $0x900  }
0xe: {  	vm0 =	vmmov $0xffff;
	v1 =	vshrl.u32 v2, $0x3;
	s5 =	sadd.s32 s8, s5;
	s4 =	sadd.s32 s4, s6;
	s6 =	smax.u32 s7, $0x1  }
0xf: {  	v0 =	vand.u32 $0x7, v2;
	v2 =	vor.u32 $0x8, v2;
	v1 =	vmul.u32 $0x8, v1;
	s7 =	simm.s32 $0x2;
	s8 =	simm.s32 $0x100;
	s5 =	sadd.s32 $0x21200, s5  }
.LBB2_1:
0x10: {  	[tilespmem:s2], [sflag:$0x2] =	stream.linear.gather [hbm4b:s4+s2], $0x80, $0x38;
	[tilespmem:$0x8100] =	vst v63  }
0x11: {  	_ =	swait.ge [sflag:s7], $0x80  }
0x12: {  	[sflag:s7] =	ssyncset.done $0x0  }
0x13: {  	[sflag:s7] =	ssyncadd.s32 $0xFFFFFF80  }
0x14: {  	v3 =	vld [tilespmem:$0x0];
	_ =	sdelay $0x2  }
0x15: {  	v4 =	vld [tilespmem:$0x10]  }
0x16: {  	v5 =	vld [tilespmem:$0x20]  }
0x17: {  	v6 =	vld [tilespmem:$0x30];
	v3 =	vshra.s32 v3, $0x3  }
0x18: {  	v7 =	vld [tilespmem:$0x40];
	v8 =	vshll.u32 v3, $0x1  }
0x19: {  	v9 =	vld [tilespmem:$0x50];
	v10 =	vand.u32 $0x7, v3;
	v8 =	vand.u32 $0xFFFFFFF0, v8  }
0x1a: {  	v52 =	vld [tilespmem:$0x60];
	[tilespmem:$0x80] =	vst v3;
	v3 =	vshra.s32 v4, $0x3;
	v8 =	vor.u32 v10, v8  }
0x1b: {  	v53 =	vld [tilespmem:$0x70];
	[tilespmem:$0x90] =	vst v3;
	v3 =	vshra.s32 v5, $0x3;
	v10 =	vperm.xlane v8, v0  }
0x1c: {  	[tilespmem:$0xA0] =	vst v3;
	v3 =	vshra.s32 v6, $0x3  }
0x1d: {  	[tilespmem:$0xB0] =	vst v3;
	v3 =	vshra.s32 v7, $0x3;
	v55 =	vperm.xlane v8, v2;
	v54 =	vadd.s32 v1, v10  }
0x1e: {  	[tilespmem:$0xC0] =	vst v3;
	v3 =	vshra.s32 v9, $0x3  }
0x1f: {  	[tilespmem:$0xD0] =	vst v3;
	v3 =	vshra.s32 v52, $0x3;
	v56 =	vadd.s32 v1, v55  }
0x20: {  	[tilespmem:$0xE0] =	vst v3;
	v3 =	vshra.s32 v53, $0x3  }
0x21: {  	[tilespmem:$0xF0] =	vst v3  }
0x22: {  	[tilespmem:s8], [sflag:$0x1] =	stream.indirect_vreg.gather [hbm4b:s3+s2], $0x80, v54, vm0, $0xb8;
	[tilespmem:$0x8100] =	vst v63  }
0x23: {  	_ = 	snop  }
0x24: {  	[tilespmem:s9], [sflag:$0x1] =	stream.indirect_vreg.gather [hbm4b:s3+s2], $0x80, v56, vm0, $0xb8;
	[tilespmem:$0x8100] =	vst v63  }
0x25: {  	v3 =	vld [tilespmem:$0x90];
	_ =	sdelay $0x4  }
0x26: {  	v57 =	vshll.u32 v3, $0x1  }
0x27: {  	v3 =	vand.u32 $0x7, v3;
	v4 =	vand.u32 $0xFFFFFFF0, v57  }
0x28: {  	v3 =	vor.u32 v3, v4  }
0x29: {  	v4 =	vperm.xlane v3, v0;
	_ =	sdelay $0x1  }
0x2a: {  	v3 =	vperm.xlane v3, v2;
	v4 =	vadd.s32 v1, v4;
	_ =	sdelay $0x1  }
0x2b: {  	v3 =	vadd.s32 v1, v3;
	_ =	sdelay $0x2  }
0x2c: {  	[tilespmem:s10], [sflag:$0x1] =	stream.indirect_vreg.gather [hbm4b:s3+s2], $0x80, v4, vm0, $0xb8;
	[tilespmem:$0x8100] =	vst v63  }
0x2d: {  	_ = 	snop  }
0x2e: {  	[tilespmem:s11], [sflag:$0x1] =	stream.indirect_vreg.gather [hbm4b:s3+s2], $0x80, v3, vm0, $0xb8;
	[tilespmem:$0x8100] =	vst v63  }
0x2f: {  	v3 =	vld [tilespmem:$0xA0];
	_ =	sdelay $0x4  }
0x30: {  	v58 =	vshll.u32 v3, $0x1  }
0x31: {  	v3 =	vand.u32 $0x7, v3;
	v4 =	vand.u32 $0xFFFFFFF0, v58  }
0x32: {  	v3 =	vor.u32 v3, v4  }
0x33: {  	v4 =	vperm.xlane v3, v0;
	_ =	sdelay $0x1  }
0x34: {  	v3 =	vperm.xlane v3, v2;
	v4 =	vadd.s32 v1, v4;
	_ =	sdelay $0x1  }
0x35: {  	v3 =	vadd.s32 v1, v3;
	_ =	sdelay $0x2  }
0x36: {  	[tilespmem:s12], [sflag:$0x1] =	stream.indirect_vreg.gather [hbm4b:s3+s2], $0x80, v4, vm0, $0xb8;
	[tilespmem:$0x8100] =	vst v63  }
0x37: {  	_ = 	snop  }
0x38: {  	[tilespmem:s13], [sflag:$0x1] =	stream.indirect_vreg.gather [hbm4b:s3+s2], $0x80, v3, vm0, $0xb8;
	[tilespmem:$0x8100] =	vst v63  }
0x39: {  	v3 =	vld [tilespmem:$0xB0];
	_ =	sdelay $0x4  }
0x3a: {  	v59 =	vshll.u32 v3, $0x1  }
0x3b: {  	v3 =	vand.u32 $0x7, v3;
	v4 =	vand.u32 $0xFFFFFFF0, v59  }
0x3c: {  	v3 =	vor.u32 v3, v4  }
0x3d: {  	v4 =	vperm.xlane v3, v0;
	_ =	sdelay $0x1  }
0x3e: {  	v3 =	vperm.xlane v3, v2;
	v4 =	vadd.s32 v1, v4;
	_ =	sdelay $0x1  }
0x3f: {  	v3 =	vadd.s32 v1, v3;
	_ =	sdelay $0x2  }
0x40: {  	[tilespmem:s14], [sflag:$0x1] =	stream.indirect_vreg.gather [hbm4b:s3+s2], $0x80, v4, vm0, $0xb8;
	[tilespmem:$0x8100] =	vst v63  }
0x41: {  	_ = 	snop  }
0x42: {  	[tilespmem:s15], [sflag:$0x1] =	stream.indirect_vreg.gather [hbm4b:s3+s2], $0x80, v3, vm0, $0xb8;
	[tilespmem:$0x8100] =	vst v63  }
0x43: {  	v3 =	vld [tilespmem:$0xC0];
	_ =	sdelay $0x4  }
0x44: {  	v60 =	vshll.u32 v3, $0x1  }
0x45: {  	v3 =	vand.u32 $0x7, v3;
	v4 =	vand.u32 $0xFFFFFFF0, v60  }
0x46: {  	v3 =	vor.u32 v3, v4  }
0x47: {  	v4 =	vperm.xlane v3, v0;
	_ =	sdelay $0x1  }
0x48: {  	v3 =	vperm.xlane v3, v2;
	v4 =	vadd.s32 v1, v4;
	_ =	sdelay $0x1  }
0x49: {  	v3 =	vadd.s32 v1, v3;
	_ =	sdelay $0x2  }
0x4a: {  	[tilespmem:s16], [sflag:$0x1] =	stream.indirect_vreg.gather [hbm4b:s3+s2], $0x80, v4, vm0, $0xb8;
	[tilespmem:$0x8100] =	vst v63  }
0x4b: {  	_ = 	snop  }
0x4c: {  	[tilespmem:s17], [sflag:$0x1] =	stream.indirect_vreg.gather [hbm4b:s3+s2], $0x80, v3, vm0, $0xb8;
	[tilespmem:$0x8100] =	vst v63  }
0x4d: {  	v3 =	vld [tilespmem:$0xD0];
	_ =	sdelay $0x4  }
0x4e: {  	v61 =	vshll.u32 v3, $0x1  }
0x4f: {  	v3 =	vand.u32 $0x7, v3;
	v4 =	vand.u32 $0xFFFFFFF0, v61  }
0x50: {  	v3 =	vor.u32 v3, v4  }
0x51: {  	v4 =	vperm.xlane v3, v0;
	_ =	sdelay $0x1  }
0x52: {  	v3 =	vperm.xlane v3, v2;
	v4 =	vadd.s32 v1, v4;
	_ =	sdelay $0x1  }
0x53: {  	v3 =	vadd.s32 v1, v3;
	_ =	sdelay $0x2  }
0x54: {  	[tilespmem:s18], [sflag:$0x1] =	stream.indirect_vreg.gather [hbm4b:s3+s2], $0x80, v4, vm0, $0xb8;
	[tilespmem:$0x8100] =	vst v63  }
0x55: {  	_ = 	snop  }
0x56: {  	[tilespmem:s19], [sflag:$0x1] =	stream.indirect_vreg.gather [hbm4b:s3+s2], $0x80, v3, vm0, $0xb8;
	[tilespmem:$0x8100] =	vst v63  }
0x57: {  	v3 =	vld [tilespmem:$0xE0];
	_ =	sdelay $0x4  }
0x58: {  	v62 =	vshll.u32 v3, $0x1  }
0x59: {  	v3 =	vand.u32 $0x7, v3;
	v4 =	vand.u32 $0xFFFFFFF0, v62  }
0x5a: {  	v3 =	vor.u32 v3, v4  }
0x5b: {  	v4 =	vperm.xlane v3, v0;
	_ =	sdelay $0x1  }
0x5c: {  	v3 =	vperm.xlane v3, v2;
	v4 =	vadd.s32 v1, v4;
	_ =	sdelay $0x1  }
0x5d: {  	v3 =	vadd.s32 v1, v3;
	_ =	sdelay $0x2  }
0x5e: {  	[tilespmem:s20], [sflag:$0x1] =	stream.indirect_vreg.gather [hbm4b:s3+s2], $0x80, v4, vm0, $0xb8;
	[tilespmem:$0x8100] =	vst v63  }
0x5f: {  	_ = 	snop  }
0x60: {  	[tilespmem:s21], [sflag:$0x1] =	stream.indirect_vreg.gather [hbm4b:s3+s2], $0x80, v3, vm0, $0xb8;
	[tilespmem:$0x8100] =	vst v63  }
0x61: {  	v3 =	vld [tilespmem:$0xF0];
	_ =	sdelay $0x4  }
0x62: {  	v63 =	vshll.u32 v3, $0x1  }
0x63: {  	v3 =	vand.u32 $0x7, v3;
	v4 =	vand.u32 $0xFFFFFFF0, v63  }
0x64: {  	v3 =	vor.u32 v3, v4  }
0x65: {  	v4 =	vperm.xlane v3, v0;
	_ =	sdelay $0x1  }
0x66: {  	v3 =	vperm.xlane v3, v2;
	v4 =	vadd.s32 v1, v4;
	_ =	sdelay $0x1  }
0x67: {  	v3 =	vadd.s32 v1, v3;
	_ =	sdelay $0x2  }
0x68: {  	[tilespmem:s22], [sflag:$0x1] =	stream.indirect_vreg.gather [hbm4b:s3+s2], $0x80, v4, vm0, $0xb8;
	[tilespmem:$0x8100] =	vst v63  }
0x69: {  	_ = 	snop  }
0x6a: {  	[tilespmem:s23], [sflag:$0x1] =	stream.indirect_vreg.gather [hbm4b:s3+s2], $0x80, v3, vm0, $0xb8;
	[tilespmem:$0x8100] =	vst v63  }
0x6b: {  	_ =	swait.ge [sflag:s24], $0x8000  }
0x6c: {  	p0 =	sne.s32 s6, $0x1;
	[sflag:s24] =	ssyncset.done $0x0  }
.Ltmp0:
0x6d: {  	[sflag:s24] =	ssyncadd.s32 $0xFFFF8000;
	(pc) =	sbr.rel @p0 .LBB2_1-.Ltmp0, $4  }
0x6e: {  	[hbm4b:s5+s2] =	stream.linear.scatter [tilespmem:s8], [sflag:$0x2], $0x8000, $0x38;
	[tilespmem:$0x8100] =	vst v63  }
0x6f: {  	_ =	swait.ge [sflag:s7], $0x8000  }
0x70: {  	[sflag:s7] =	ssyncset.done $0x0  }
0x71: {  	s6 =	sadd.s32 $0xFFFFFFFF, s6;
	[sflag:s7] =	ssyncadd.s32 $0xFFFF8000  }
0x72: {  	_ =	sfence.sel $0x180000  }
0x73: {  	[bflag:$0x0] =	sbarrier.arrive $0xFFFF  }
0x74: {  	p0 =	sne.s32 s1, $0x0;
	_ =	strace $0x90000047  }
0x75: {  	s0 =	sadd.s32 @!p0 $0x100000, s0;
	[bflag:$0x2] =	sbarrier.arrive $0xFFFF  }
0x76: {  	[sflag:s0] =	ssyncadd.tile.s32 @!p0 $0x1;
	_ =	shalt  }
.Lfunc_end2:
_tile_overlayer_lowered:
.L_overlay_start_2:
0x77: {  	(tag) =	ssettag $0x2  }
0x78: {  	s0 =	rddreg [dreg:$0x0];
	s2 =	stileid.u32  }
0x79: {  	s1 =	rddreg [dreg:$0x1];
	p0 =	sne.s32 s2, $0x0  }
0x7a: {  	s3 =	rddreg [dreg:$0x2];
	[bflag:$0x3] =	sbarrier.arrive $0xFFFF;
	s2 =	simm.s32 @!p0 $0x1C02  }
0x7b: {  	[timem:s3], [sflag:s2] =	dma.local @!p0 [hbm:s0], s1  }
0x7c: {  	s0 =	simm.s32 @!p0 $0x2  }
0x7d: {  	_ =	swait.ge @!p0 [sflag:s0], s1  }
0x7e: {  	s1 =	ssub.s32 @!p0 $0x0, s1;
	[sflag:s0] =	ssyncset.done @!p0 $0x0  }
0x7f: {  	[sflag:s0] =	ssyncadd.s32 @!p0 s1  }
0x80: {  	[bflag:$0x3] =	sbarrier.arrive $0xFFFF  }
0x81: {  	_ =	shalt  }

</sc_bundles>
